<compile_context>
chip_gen: v7x
topology: tpu7x:2x2x1
jax: 0.10.2.dev20260603
libtpu: 0.0.44.dev20260713+nightly
codegen_flags: <defaults>
</compile_context>

<pallas_src>
import functools

import jax
import jax.numpy as jnp
from jax import lax
from jax.experimental import pallas as pl
from jax.experimental.pallas import tpu as pltpu
from jax.experimental.pallas import tpu_sc as plsc
import numpy as np

TOPK = 8
_DN = (((1,), (1,)), ((), ()))
_NW = 32
_L = 16


def _body(x0_ref, x1_ref, x2_ref, x3_ref, x4_ref, x5_ref, x6_ref,
          noise_ref, W1_ref, b1_ref, W2_ref, b2_ref, W3_ref,
          b3_ref, W4_ref, b4_ref, Wu_ref, bu_ref, Wc_ref, bc_ref,
          sc_ref, cls_ref, l2_ref, acc_ref):
    f32 = jnp.float32
    i = pl.program_id(0)
    hf = pl.program_id(1)
    xs = (x0_ref, x1_ref, x2_ref, x3_ref, x4_ref, x5_ref, x6_ref)
    c2 = x0_ref.shape[2]
    csl = pl.ds(hf * c2, c2)

    @pl.when(i == 0)
    def _():
        a = xs[0][0]
        for r in xs[1:]:
            a = a + r[0]
        acc_ref[:, csl] = a

    @pl.when(jnp.logical_and(i == 0, hf == 0))
    def _():
        l2 = jnp.float32(0.0)
        for r in (W1_ref, b1_ref, W2_ref, b2_ref, W3_ref, b3_ref, W4_ref,
                  b4_ref, Wu_ref, bu_ref, Wc_ref, bc_ref):
            v = r[...]
            l2 = l2 + jnp.sqrt(jnp.sum(v * v))
        l2_ref[...] = jnp.full((1, 1), 0.01, f32) * l2

    @pl.when(jnp.logical_and(i > 0, i < 7))
    def _():
        a = acc_ref[:, csl]
        for r in xs:
            a = a + r[0]
        acc_ref[:, csl] = a

    @pl.when(jnp.logical_and(i == 7, hf == 0))
    def _():
        def mm(x, w):
            return lax.dot_general(x, w, _DN, preferred_element_type=f32)

        pooled = acc_ref[...] * np.float32(1.0 / 49.0)
        h = jax.nn.relu(mm(pooled, W1_ref[...]) + b1_ref[...])
        h = jax.nn.relu(mm(h.astype(jnp.bfloat16), W2_ref[...]) + b2_ref[...])
        h = jax.nn.relu(mm(h, W3_ref[...]) + b3_ref[...])
        h = mm(h.astype(jnp.bfloat16), W4_ref[...]) + b4_ref[...]

        sc_ref[...] = mm(h, Wu_ref[...]) + bu_ref[...] + noise_ref[...]
        cls_ref[...] = mm(h, Wc_ref[...]) + bc_ref[...]


def _route_body(scores_hbm, idx_hbm, rw_hbm, up_hbm, sc_v, idx_v, rw_v, up_v,
                *, rows):
    f32, i32 = jnp.float32, jnp.int32
    wid = lax.axis_index("s") * 2 + lax.axis_index("c")
    base = wid * rows
    pltpu.sync_copy(scores_hbm.at[pl.ds(base, rows)], sc_v)
    iota = lax.iota(i32, _L)
    neg = jnp.full((_L,), -jnp.inf, f32)

    gd = lax.GatherDimensionNumbers(offset_dims=(), collapsed_slice_dims=(0,),
                                    start_index_map=(0,))

    def allred(x, op):
        for stride in (8, 4, 2, 1):
            perm = lax.bitwise_xor(iota, stride).reshape(_L, 1)
            shuf = lax.gather(x, perm, gd, (1,),
                              mode=lax.GatherScatterMode.PROMISE_IN_BOUNDS)
            x = op(x, shuf)
        return x

    def row(r, us):
        v = [sc_v[r, pl.ds(j * _L, _L)] for j in range(4)]
        w = list(v)
        idxv = jnp.zeros((_L,), i32)
        m0v = jnp.zeros((_L,), f32)
        for k in range(TOPK):
            mv = allred(jnp.maximum(jnp.maximum(w[0], w[1]),
                                    jnp.maximum(w[2], w[3])), jnp.maximum)
            if k == 0:
                m0v = mv
            cand = [jnp.where(w[j] == mv, iota + (j * _L), 64)
                    for j in range(4)]
            cv = allred(jnp.minimum(jnp.minimum(cand[0], cand[1]),
                                    jnp.minimum(cand[2], cand[3])),
                        jnp.minimum)
            idxv = jnp.where(iota == k, cv, idxv)
            w = [jnp.where((iota + (j * _L)) == cv, neg, w[j])
                 for j in range(4)]
        e = [jnp.where(w[j] == neg, jnp.exp(v[j] - m0v), jnp.zeros((_L,), f32))
             for j in range(4)]
        sv = allred((e[0] + e[1]) + (e[2] + e[3]), jnp.add)
        idx_v[r] = idxv
        out_u = []
        for j in range(4):
            rwj = e[j] / sv
            rw_v[r, pl.ds(j * _L, _L)] = rwj
            out_u.append(us[j] + rwj)
        return tuple(out_u)

    z = jnp.zeros((_L,), f32)
    u = lax.fori_loop(0, rows, row, (z, z, z, z))
    for j in range(4):
        up_v[pl.ds(j * _L, _L)] = u[j]
    pltpu.sync_copy(idx_v, idx_hbm.at[pl.ds(base, rows)])
    pltpu.sync_copy(rw_v, rw_hbm.at[pl.ds(base, rows)])
    pltpu.sync_copy(up_v, up_hbm.at[wid])


def kernel(inputs, W1, b1, W2, b2, W3, b3, W4, b4, Wu, bu, Wc, bc):
    B, C, H, W = inputs.shape
    S = H * W
    E = Wu.shape[0]
    L = Wc.shape[0]
    f32 = jnp.float32

    noise = jax.random.normal(jax.random.key(1234), (B, E), f32) * 0.01
    x_pl = jnp.transpose(inputs, (2, 3, 0, 1)).reshape(S, B, C)

    def x_map_for(h):
        return lambda i, f: (h * 7 + jnp.minimum(i, 6), 0,
                             jnp.where(i < 7, f, 1))

    full = lambda a: pl.BlockSpec(a.shape, lambda i, f: (0,) * a.ndim)
    b1r, b2r, b3r, b4r = (b.reshape(1, -1) for b in (b1, b2, b3, b4))
    bur, bcr = bu.reshape(1, -1), bc.reshape(1, -1)

    scores, cls, l2 = pl.pallas_call(
        _body,
        grid=(8, 2),
        in_specs=[pl.BlockSpec((1, B, C // 2), x_map_for(h))
                  for h in range(7)]
        + [full(noise)] + [
            full(a) for a in (W1, b1r, W2, b2r, W3, b3r, W4, b4r,
                              Wu, bur, Wc, bcr)],
        out_specs=(full(jnp.zeros((B, E))), full(jnp.zeros((B, L))),
                   pl.BlockSpec((1, 1), lambda i, f: (0, 0))),
        out_shape=(jax.ShapeDtypeStruct((B, E), f32),
                   jax.ShapeDtypeStruct((B, L), f32),
                   jax.ShapeDtypeStruct((1, 1), f32)),
        scratch_shapes=[pltpu.VMEM((B, C), f32)],
    )(x_pl, x_pl, x_pl, x_pl, x_pl, x_pl, x_pl,
      noise, W1, b1r, W2, b2r, W3, b3r, W4, b4r, Wu, bur, Wc, bcr)

    rows = B // _NW
    mesh = plsc.VectorSubcoreMesh(core_axis_name="c", subcore_axis_name="s")
    idx16, rw, up = pl.kernel(
        functools.partial(_route_body, rows=rows),
        mesh=mesh,
        out_type=[jax.ShapeDtypeStruct((B, _L), jnp.int32),
                  jax.ShapeDtypeStruct((B, E), f32),
                  jax.ShapeDtypeStruct((_NW, E), f32)],
        scratch_types=[pltpu.VMEM((rows, E), f32),
                       pltpu.VMEM((rows, _L), jnp.int32),
                       pltpu.VMEM((rows, E), f32),
                       pltpu.VMEM((E,), f32)],
    )(scores)

    usage = jnp.sum(up, axis=0) * np.float32(1.0 / B)
    return (rw, idx16[:, :TOPK], cls, l2.reshape(()), usage)

# --- scband reference (transcript-rebuilt; emitter-appended) ---
"""Pipeline reference for scband-top-krouter-52553219833868 (READ-ONLY COPY).

The authoritative reference and input builder live on the scoring server;
editing this copy changes nothing except your own understanding.
"""

import jax, jax.numpy as jnp
import numpy as np

TOP_K = 8

def setup_inputs(seed: int = 0) -> dict:
    key = jax.random.key(seed)
    ks = jax.random.split(key, 8)
    B, C, H, W = 1024, 768, 7, 7
    hid = 1024
    E, L = 64, 1000
    def kaiming(k, shape):
        fan_in = shape[1]
        return (jax.random.normal(k, shape, dtype=jnp.float32) * jnp.sqrt(2.0 / fan_in)).astype(jnp.float32)
    return {
        "inputs": jax.random.normal(ks[0], (B, C, H, W), dtype=jnp.float32),
        "W1": kaiming(ks[1], (hid, C)), "b1": jnp.zeros((hid,), jnp.float32),
        "W2": kaiming(ks[2], (hid, hid)), "b2": jnp.zeros((hid,), jnp.float32),
        "W3": kaiming(ks[3], (hid // 2, hid)), "b3": jnp.zeros((hid // 2,), jnp.float32),
        "W4": kaiming(ks[4], (hid // 2, hid // 2)), "b4": jnp.zeros((hid // 2,), jnp.float32),
        "Wu": kaiming(ks[5], (E, hid // 2)), "bu": jnp.zeros((E,), jnp.float32),
        "Wc": kaiming(ks[6], (L, hid // 2)), "bc": jnp.zeros((L,), jnp.float32),
    }

def reference(inputs, W1, b1, W2, b2, W3, b3, W4, b4, Wu, bu, Wc, bc):
    B = inputs.shape[0]
    # AdaptiveAvgPool2d((1,1)) + flatten
    pooled = jnp.mean(inputs, axis=(2, 3))
    # mlp_shared
    h = jax.nn.relu(pooled @ W1.T + b1)
    h = jax.nn.relu(h @ W2.T + b2)
    h = jax.nn.relu(h @ W3.T + b3)
    h = h @ W4.T + b4
    unit_scores = h @ Wu.T + bu
    classification_logits = h @ Wc.T + bc
    # noise ~ N(0, 0.01)
    noise = jax.random.normal(jax.random.key(1234), unit_scores.shape, dtype=jnp.float32) * 0.01
    unit_scores_noisy = unit_scores + noise
    top_k_scores, top_k_indices = jax.lax.top_k(unit_scores_noisy, TOP_K)
    mask = jnp.full_like(unit_scores, -jnp.inf)
    mask = mask.at[jnp.arange(B)[:, None], top_k_indices].set(0.0)
    routed_logits = unit_scores_noisy + mask
    routing_weights = jax.nn.softmax(routed_logits, axis=-1)
    unit_usage = jnp.mean(routing_weights, axis=0)
    params = [W1, b1, W2, b2, W3, b3, W4, b4, Wu, bu, Wc, bc]
    l2_regularization = sum(jnp.sqrt(jnp.sum(p * p)) for p in params) * 0.01
    return (routing_weights, top_k_indices, classification_logits, l2_regularization, unit_usage)

if __name__ == "__main__":
    import jax
    _d = setup_inputs()
    print(jax.jit(kernel)(*tuple(_d.values())))

</pallas_src>

<mosaic_0001>
#map = affine_map<(d0, d1) -> (0, 0)>
module attributes {stable_mosaic.version = 14 : i64} {
  func.func @_route_body(%arg0: i32, %arg1: i32, %arg2: memref<1024x64xf32, #tpu.memory_space<hbm>>, %arg3: memref<1024x16xi32, #tpu.memory_space<hbm>>, %arg4: memref<1024x64xf32, #tpu.memory_space<hbm>>, %arg5: memref<32x64xf32, #tpu.memory_space<hbm>>, %arg6: memref<32x64xf32, #tpu.memory_space<vmem>>, %arg7: memref<32x16xi32, #tpu.memory_space<vmem>>, %arg8: memref<32x64xf32, #tpu.memory_space<vmem>>, %arg9: memref<64xf32, #tpu.memory_space<vmem>>) attributes {dimension_semantics = [#tpu.dimension_semantics<core_parallel>, #tpu.dimension_semantics<subcore_parallel>], iteration_bounds = array<i64: 2, 16>, scalar_prefetch = 0 : i64, scratch_operands = 4 : i64, tpu.core_type = #tpu.core_type<sc_vector_subcore>, window_params = [{transform_indices = #map}, {transform_indices = #map}, {transform_indices = #map}, {transform_indices = #map}]} {
    %mul3A = arith.constant 2 : i32
    %mul3A_0 = arith.muli %arg1, %mul3A : i32
    %add3A = arith.addi %mul3A_0, %arg0 : i32
    %mul3A_1 = arith.constant 32 : i32
    %mul3A_2 = arith.muli %add3A, %mul3A_1 : i32
    "tpu.region"() ({
      %run_scoped3A = tpu.sem_alloc : memref<!tpu.dma_semaphore, #tpu.memory_space<semaphore_mem>>
      %dma_start3A = arith.constant 0 : i32
      %dma_start3A_26 = tpu.memref_slice %arg2[%mul3A_2, %dma_start3A] : memref<1024x64xf32, #tpu.memory_space<hbm>> -> memref<32x64xf32, #tpu.memory_space<hbm>>
      %dma_start3A_27 = arith.constant 0 : i32
      %dma_start3A_28 = tpu.memref_slice %arg2[%mul3A_2, %dma_start3A_27] : memref<1024x64xf32, #tpu.memory_space<hbm>> -> memref<32x64xf32, #tpu.memory_space<hbm>>
      tpu.enqueue_dma source(%dma_start3A_28 : memref<32x64xf32, #tpu.memory_space<hbm>>) target(%arg6 : memref<32x64xf32, #tpu.memory_space<vmem>>) target_semaphore(%run_scoped3A : memref<!tpu.dma_semaphore, #tpu.memory_space<semaphore_mem>>)
      %dma_wait3A = arith.constant 0 : i32
      %dma_wait3A_29 = tpu.memref_slice %arg2[%mul3A_2, %dma_wait3A] : memref<1024x64xf32, #tpu.memory_space<hbm>> -> memref<32x64xf32, #tpu.memory_space<hbm>>
      %dma_wait3A_30 = arith.constant 0 : i32
      %dma_wait3A_31 = tpu.memref_slice %arg2[%mul3A_2, %dma_wait3A_30] : memref<1024x64xf32, #tpu.memory_space<hbm>> -> memref<32x64xf32, #tpu.memory_space<hbm>>
      tpu.wait_dma2 semaphore(%run_scoped3A : memref<!tpu.dma_semaphore, #tpu.memory_space<semaphore_mem>>) src(%dma_wait3A_31 : memref<32x64xf32, #tpu.memory_space<hbm>>) dst(%arg6 : memref<32x64xf32, #tpu.memory_space<vmem>>)
      tpu.yield
    }) : () -> ()
    %iota3A = tpu.iota {dimensions = array<i32: 0>} : vector<16xi32>
    %broadcast_in_dim3A = arith.constant 0xFF800000 : f32
    %broadcast_in_dim3A_3 = vector.broadcast %broadcast_in_dim3A : f32 to vector<16xf32>
    %broadcast_in_dim3A_4 = arith.constant 0.000000e+00 : f32
    %broadcast_in_dim3A_5 = vector.broadcast %broadcast_in_dim3A_4 : f32 to vector<16xf32>
    %scan3A = arith.constant 0 : i32
    %scan3A_6 = arith.constant 32 : i32
    %scan3A_7 = arith.addi %scan3A, %scan3A_6 : i32
    %scan3A_8 = arith.constant 1 : i32
    %scan3A_9:4 = scf.for %scan3A_26 = %scan3A to %scan3A_7 step %scan3A_8 iter_args(%scan3A_27 = %broadcast_in_dim3A_5, %scan3A_28 = %broadcast_in_dim3A_5, %scan3A_29 = %broadcast_in_dim3A_5, %scan3A_30 = %broadcast_in_dim3A_5) -> (vector<16xf32>, vector<16xf32>, vector<16xf32>, vector<16xf32>)  : i32 {
      %get3A = arith.index_cast %scan3A_26 : i32 to index
      %get3A_31 = arith.constant 0 : index
      %get3A_32 = tpu.vector_load %arg6[%get3A, %get3A_31] {strides = array<i32>} : memref<32x64xf32, #tpu.memory_space<vmem>>, vector<1x16xf32>,
      %get3A_33 = vector.shape_cast %get3A_32 : vector<1x16xf32> to vector<16xf32>
      %get3A_34 = arith.index_cast %scan3A_26 : i32 to index
      %get3A_35 = arith.constant 16 : index
      %get3A_36 = tpu.vector_load %arg6[%get3A_34, %get3A_35] {strides = array<i32>} : memref<32x64xf32, #tpu.memory_space<vmem>>, vector<1x16xf32>,
      %get3A_37 = vector.shape_cast %get3A_36 : vector<1x16xf32> to vector<16xf32>
      %get3A_38 = arith.index_cast %scan3A_26 : i32 to index
      %get3A_39 = arith.constant 32 : index
      %get3A_40 = tpu.vector_load %arg6[%get3A_38, %get3A_39] {strides = array<i32>} : memref<32x64xf32, #tpu.memory_space<vmem>>, vector<1x16xf32>,
      %get3A_41 = vector.shape_cast %get3A_40 : vector<1x16xf32> to vector<16xf32>
      %get3A_42 = arith.index_cast %scan3A_26 : i32 to index
      %get3A_43 = arith.constant 48 : index
      %get3A_44 = tpu.vector_load %arg6[%get3A_42, %get3A_43] {strides = array<i32>} : memref<32x64xf32, #tpu.memory_space<vmem>>, vector<1x16xf32>,
      %get3A_45 = vector.shape_cast %get3A_44 : vector<1x16xf32> to vector<16xf32>
      %broadcast_in_dim3A_46 = arith.constant 0 : i32
      %broadcast_in_dim3A_47 = vector.broadcast %broadcast_in_dim3A_46 : i32 to vector<16xi32>
      %broadcast_in_dim3A_48 = arith.constant 0.000000e+00 : f32
      %broadcast_in_dim3A_49 = vector.broadcast %broadcast_in_dim3A_48 : f32 to vector<16xf32>
      %max3A = arith.maximumf %get3A_33, %get3A_37 : vector<16xf32>
      %max3A_50 = arith.maximumf %get3A_41, %get3A_45 : vector<16xf32>
      %max3A_51 = arith.maximumf %max3A, %max3A_50 : vector<16xf32>
      %xor3A = arith.constant 8 : i32
      %xor3A_52 = vector.broadcast %xor3A : i32 to vector<16xi32>
      %xor3A_53 = arith.xori %iota3A, %xor3A_52 : vector<16xi32>
      %reshape3A = vector.shape_cast %xor3A_53 : vector<16xi32> to vector<16x1xi32>
      %gather3A = vector.shape_cast %reshape3A : vector<16x1xi32> to vector<16xi32>
      %gather3A_54 = tpu.dynamic_gather %max3A_51[%gather3A] in [0] : vector<16xf32>, vector<16xi32> -> vector<16xf32>
      %max3A_55 = arith.maximumf %max3A_51, %gather3A_54 : vector<16xf32>
      %xor3A_56 = arith.constant 4 : i32
      %xor3A_57 = vector.broadcast %xor3A_56 : i32 to vector<16xi32>
      %xor3A_58 = arith.xori %iota3A, %xor3A_57 : vector<16xi32>
      %reshape3A_59 = vector.shape_cast %xor3A_58 : vector<16xi32> to vector<16x1xi32>
      %gather3A_60 = vector.shape_cast %reshape3A_59 : vector<16x1xi32> to vector<16xi32>
      %gather3A_61 = tpu.dynamic_gather %max3A_55[%gather3A_60] in [0] : vector<16xf32>, vector<16xi32> -> vector<16xf32>
      %max3A_62 = arith.maximumf %max3A_55, %gather3A_61 : vector<16xf32>
      %xor3A_63 = arith.constant 2 : i32
      %xor3A_64 = vector.broadcast %xor3A_63 : i32 to vector<16xi32>
      %xor3A_65 = arith.xori %iota3A, %xor3A_64 : vector<16xi32>
      %reshape3A_66 = vector.shape_cast %xor3A_65 : vector<16xi32> to vector<16x1xi32>
      %gather3A_67 = vector.shape_cast %reshape3A_66 : vector<16x1xi32> to vector<16xi32>
      %gather3A_68 = tpu.dynamic_gather %max3A_62[%gather3A_67] in [0] : vector<16xf32>, vector<16xi32> -> vector<16xf32>
      %max3A_69 = arith.maximumf %max3A_62, %gather3A_68 : vector<16xf32>
      %xor3A_70 = arith.constant 1 : i32
      %xor3A_71 = vector.broadcast %xor3A_70 : i32 to vector<16xi32>
      %xor3A_72 = arith.xori %iota3A, %xor3A_71 : vector<16xi32>
      %reshape3A_73 = vector.shape_cast %xor3A_72 : vector<16xi32> to vector<16x1xi32>
      %gather3A_74 = vector.shape_cast %reshape3A_73 : vector<16x1xi32> to vector<16xi32>
      %gather3A_75 = tpu.dynamic_gather %max3A_69[%gather3A_74] in [0] : vector<16xf32>, vector<16xi32> -> vector<16xf32>
      %max3A_76 = arith.maximumf %max3A_69, %gather3A_75 : vector<16xf32>
      %eq3A = arith.cmpf oeq, %get3A_33, %max3A_76 : vector<16xf32>
      %add3A_77 = arith.constant 0 : i32
      %add3A_78 = vector.broadcast %add3A_77 : i32 to vector<16xi32>
      %add3A_79 = arith.addi %iota3A, %add3A_78 : vector<16xi32>
      %jit3A = arith.constant 64 : i32
      %broadcast_in_dim3A_80 = vector.broadcast %jit3A : i32 to vector<16xi32>
      %select_n3A = arith.select %eq3A, %add3A_79, %broadcast_in_dim3A_80 : vector<16xi1>, vector<16xi32>
      %eq3A_81 = arith.cmpf oeq, %get3A_37, %max3A_76 : vector<16xf32>
      %add3A_82 = arith.constant 16 : i32
      %add3A_83 = vector.broadcast %add3A_82 : i32 to vector<16xi32>
      %add3A_84 = arith.addi %iota3A, %add3A_83 : vector<16xi32>
      %jit3A_85 = arith.constant 64 : i32
      %broadcast_in_dim3A_86 = vector.broadcast %jit3A_85 : i32 to vector<16xi32>
      %select_n3A_87 = arith.select %eq3A_81, %add3A_84, %broadcast_in_dim3A_86 : vector<16xi1>, vector<16xi32>
      %eq3A_88 = arith.cmpf oeq, %get3A_41, %max3A_76 : vector<16xf32>
      %add3A_89 = arith.constant 32 : i32
      %add3A_90 = vector.broadcast %add3A_89 : i32 to vector<16xi32>
      %add3A_91 = arith.addi %iota3A, %add3A_90 : vector<16xi32>
      %jit3A_92 = arith.constant 64 : i32
      %broadcast_in_dim3A_93 = vector.broadcast %jit3A_92 : i32 to vector<16xi32>
      %select_n3A_94 = arith.select %eq3A_88, %add3A_91, %broadcast_in_dim3A_93 : vector<16xi1>, vector<16xi32>
      %eq3A_95 = arith.cmpf oeq, %get3A_45, %max3A_76 : vector<16xf32>
      %add3A_96 = arith.constant 48 : i32
      %add3A_97 = vector.broadcast %add3A_96 : i32 to vector<16xi32>
      %add3A_98 = arith.addi %iota3A, %add3A_97 : vector<16xi32>
      %jit3A_99 = arith.constant 64 : i32
      %broadcast_in_dim3A_100 = vector.broadcast %jit3A_99 : i32 to vector<16xi32>
      %select_n3A_101 = arith.select %eq3A_95, %add3A_98, %broadcast_in_dim3A_100 : vector<16xi1>, vector<16xi32>
      %min3A = arith.minsi %select_n3A, %select_n3A_87 : vector<16xi32>
      %min3A_102 = arith.minsi %select_n3A_94, %select_n3A_101 : vector<16xi32>
      %min3A_103 = arith.minsi %min3A, %min3A_102 : vector<16xi32>
      %xor3A_104 = arith.constant 8 : i32
      %xor3A_105 = vector.broadcast %xor3A_104 : i32 to vector<16xi32>
      %xor3A_106 = arith.xori %iota3A, %xor3A_105 : vector<16xi32>
      %reshape3A_107 = vector.shape_cast %xor3A_106 : vector<16xi32> to vector<16x1xi32>
      %gather3A_108 = vector.shape_cast %reshape3A_107 : vector<16x1xi32> to vector<16xi32>
      %gather3A_109 = tpu.dynamic_gather %min3A_103[%gather3A_108] in [0] : vector<16xi32>, vector<16xi32> -> vector<16xi32>
      %min3A_110 = arith.minsi %min3A_103, %gather3A_109 : vector<16xi32>
      %xor3A_111 = arith.constant 4 : i32
      %xor3A_112 = vector.broadcast %xor3A_111 : i32 to vector<16xi32>
      %xor3A_113 = arith.xori %iota3A, %xor3A_112 : vector<16xi32>
      %reshape3A_114 = vector.shape_cast %xor3A_113 : vector<16xi32> to vector<16x1xi32>
      %gather3A_115 = vector.shape_cast %reshape3A_114 : vector<16x1xi32> to vector<16xi32>
      %gather3A_116 = tpu.dynamic_gather %min3A_110[%gather3A_115] in [0] : vector<16xi32>, vector<16xi32> -> vector<16xi32>
      %min3A_117 = arith.minsi %min3A_110, %gather3A_116 : vector<16xi32>
      %xor3A_118 = arith.constant 2 : i32
      %xor3A_119 = vector.broadcast %xor3A_118 : i32 to vector<16xi32>
      %xor3A_120 = arith.xori %iota3A, %xor3A_119 : vector<16xi32>
      %reshape3A_121 = vector.shape_cast %xor3A_120 : vector<16xi32> to vector<16x1xi32>
      %gather3A_122 = vector.shape_cast %reshape3A_121 : vector<16x1xi32> to vector<16xi32>
      %gather3A_123 = tpu.dynamic_gather %min3A_117[%gather3A_122] in [0] : vector<16xi32>, vector<16xi32> -> vector<16xi32>
      %min3A_124 = arith.minsi %min3A_117, %gather3A_123 : vector<16xi32>
      %xor3A_125 = arith.constant 1 : i32
      %xor3A_126 = vector.broadcast %xor3A_125 : i32 to vector<16xi32>
      %xor3A_127 = arith.xori %iota3A, %xor3A_126 : vector<16xi32>
      %reshape3A_128 = vector.shape_cast %xor3A_127 : vector<16xi32> to vector<16x1xi32>
      %gather3A_129 = vector.shape_cast %reshape3A_128 : vector<16x1xi32> to vector<16xi32>
      %gather3A_130 = tpu.dynamic_gather %min3A_124[%gather3A_129] in [0] : vector<16xi32>, vector<16xi32> -> vector<16xi32>
      %min3A_131 = arith.minsi %min3A_124, %gather3A_130 : vector<16xi32>
      %eq3A_132 = arith.constant 0 : i32
      %eq3A_133 = vector.broadcast %eq3A_132 : i32 to vector<16xi32>
      %eq3A_134 = arith.cmpi eq, %iota3A, %eq3A_133 : vector<16xi32>
      %select_n3A_135 = arith.select %eq3A_134, %min3A_131, %broadcast_in_dim3A_47 : vector<16xi1>, vector<16xi32>
      %add3A_136 = arith.constant 0 : i32
      %add3A_137 = vector.broadcast %add3A_136 : i32 to vector<16xi32>
      %add3A_138 = arith.addi %iota3A, %add3A_137 : vector<16xi32>
      %eq3A_139 = arith.cmpi eq, %add3A_138, %min3A_131 : vector<16xi32>
      %select_n3A_140 = arith.select %eq3A_139, %broadcast_in_dim3A_3, %get3A_33 : vector<16xi1>, vector<16xf32>
      %add3A_141 = arith.constant 16 : i32
      %add3A_142 = vector.broadcast %add3A_141 : i32 to vector<16xi32>
      %add3A_143 = arith.addi %iota3A, %add3A_142 : vector<16xi32>
      %eq3A_144 = arith.cmpi eq, %add3A_143, %min3A_131 : vector<16xi32>
      %select_n3A_145 = arith.select %eq3A_144, %broadcast_in_dim3A_3, %get3A_37 : vector<16xi1>, vector<16xf32>
      %add3A_146 = arith.constant 32 : i32
      %add3A_147 = vector.broadcast %add3A_146 : i32 to vector<16xi32>
      %add3A_148 = arith.addi %iota3A, %add3A_147 : vector<16xi32>
      %eq3A_149 = arith.cmpi eq, %add3A_148, %min3A_131 : vector<16xi32>
      %select_n3A_150 = arith.select %eq3A_149, %broadcast_in_dim3A_3, %get3A_41 : vector<16xi1>, vector<16xf32>
      %add3A_151 = arith.constant 48 : i32
      %add3A_152 = vector.broadcast %add3A_151 : i32 to vector<16xi32>
      %add3A_153 = arith.addi %iota3A, %add3A_152 : vector<16xi32>
      %eq3A_154 = arith.cmpi eq, %add3A_153, %min3A_131 : vector<16xi32>
      %select_n3A_155 = arith.select %eq3A_154, %broadcast_in_dim3A_3, %get3A_45 : vector<16xi1>, vector<16xf32>
      %max3A_156 = arith.maximumf %select_n3A_140, %select_n3A_145 : vector<16xf32>
      %max3A_157 = arith.maximumf %select_n3A_150, %select_n3A_155 : vector<16xf32>
      %max3A_158 = arith.maximumf %max3A_156, %max3A_157 : vector<16xf32>
      %xor3A_159 = arith.constant 8 : i32
      %xor3A_160 = vector.broadcast %xor3A_159 : i32 to vector<16xi32>
      %xor3A_161 = arith.xori %iota3A, %xor3A_160 : vector<16xi32>
      %reshape3A_162 = vector.shape_cast %xor3A_161 : vector<16xi32> to vector<16x1xi32>
      %gather3A_163 = vector.shape_cast %reshape3A_162 : vector<16x1xi32> to vector<16xi32>
      %gather3A_164 = tpu.dynamic_gather %max3A_158[%gather3A_163] in [0] : vector<16xf32>, vector<16xi32> -> vector<16xf32>
      %max3A_165 = arith.maximumf %max3A_158, %gather3A_164 : vector<16xf32>
      %xor3A_166 = arith.constant 4 : i32
      %xor3A_167 = vector.broadcast %xor3A_166 : i32 to vector<16xi32>
      %xor3A_168 = arith.xori %iota3A, %xor3A_167 : vector<16xi32>
      %reshape3A_169 = vector.shape_cast %xor3A_168 : vector<16xi32> to vector<16x1xi32>
      %gather3A_170 = vector.shape_cast %reshape3A_169 : vector<16x1xi32> to vector<16xi32>
      %gather3A_171 = tpu.dynamic_gather %max3A_165[%gather3A_170] in [0] : vector<16xf32>, vector<16xi32> -> vector<16xf32>
      %max3A_172 = arith.maximumf %max3A_165, %gather3A_171 : vector<16xf32>
      %xor3A_173 = arith.constant 2 : i32
      %xor3A_174 = vector.broadcast %xor3A_173 : i32 to vector<16xi32>
      %xor3A_175 = arith.xori %iota3A, %xor3A_174 : vector<16xi32>
      %reshape3A_176 = vector.shape_cast %xor3A_175 : vector<16xi32> to vector<16x1xi32>
      %gather3A_177 = vector.shape_cast %reshape3A_176 : vector<16x1xi32> to vector<16xi32>
      %gather3A_178 = tpu.dynamic_gather %max3A_172[%gather3A_177] in [0] : vector<16xf32>, vector<16xi32> -> vector<16xf32>
      %max3A_179 = arith.maximumf %max3A_172, %gather3A_178 : vector<16xf32>
      %xor3A_180 = arith.constant 1 : i32
      %xor3A_181 = vector.broadcast %xor3A_180 : i32 to vector<16xi32>
      %xor3A_182 = arith.xori %iota3A, %xor3A_181 : vector<16xi32>
      %reshape3A_183 = vector.shape_cast %xor3A_182 : vector<16xi32> to vector<16x1xi32>
      %gather3A_184 = vector.shape_cast %reshape3A_183 : vector<16x1xi32> to vector<16xi32>
      %gather3A_185 = tpu.dynamic_gather %max3A_179[%gather3A_184] in [0] : vector<16xf32>, vector<16xi32> -> vector<16xf32>
      %max3A_186 = arith.maximumf %max3A_179, %gather3A_185 : vector<16xf32>
      %eq3A_187 = arith.cmpf oeq, %select_n3A_140, %max3A_186 : vector<16xf32>
      %add3A_188 = arith.constant 0 : i32
      %add3A_189 = vector.broadcast %add3A_188 : i32 to vector<16xi32>
      %add3A_190 = arith.addi %iota3A, %add3A_189 : vector<16xi32>
      %jit3A_191 = arith.constant 64 : i32
      %broadcast_in_dim3A_192 = vector.broadcast %jit3A_191 : i32 to vector<16xi32>
      %select_n3A_193 = arith.select %eq3A_187, %add3A_190, %broadcast_in_dim3A_192 : vector<16xi1>, vector<16xi32>
      %eq3A_194 = arith.cmpf oeq, %select_n3A_145, %max3A_186 : vector<16xf32>
      %add3A_195 = arith.constant 16 : i32
      %add3A_196 = vector.broadcast %add3A_195 : i32 to vector<16xi32>
      %add3A_197 = arith.addi %iota3A, %add3A_196 : vector<16xi32>
      %jit3A_198 = arith.constant 64 : i32
      %broadcast_in_dim3A_199 = vector.broadcast %jit3A_198 : i32 to vector<16xi32>
      %select_n3A_200 = arith.select %eq3A_194, %add3A_197, %broadcast_in_dim3A_199 : vector<16xi1>, vector<16xi32>
      %eq3A_201 = arith.cmpf oeq, %select_n3A_150, %max3A_186 : vector<16xf32>
      %add3A_202 = arith.constant 32 : i32
      %add3A_203 = vector.broadcast %add3A_202 : i32 to vector<16xi32>
      %add3A_204 = arith.addi %iota3A, %add3A_203 : vector<16xi32>
      %jit3A_205 = arith.constant 64 : i32
      %broadcast_in_dim3A_206 = vector.broadcast %jit3A_205 : i32 to vector<16xi32>
      %select_n3A_207 = arith.select %eq3A_201, %add3A_204, %broadcast_in_dim3A_206 : vector<16xi1>, vector<16xi32>
      %eq3A_208 = arith.cmpf oeq, %select_n3A_155, %max3A_186 : vector<16xf32>
      %add3A_209 = arith.constant 48 : i32
      %add3A_210 = vector.broadcast %add3A_209 : i32 to vector<16xi32>
      %add3A_211 = arith.addi %iota3A, %add3A_210 : vector<16xi32>
      %jit3A_212 = arith.constant 64 : i32
      %broadcast_in_dim3A_213 = vector.broadcast %jit3A_212 : i32 to vector<16xi32>
      %select_n3A_214 = arith.select %eq3A_208, %add3A_211, %broadcast_in_dim3A_213 : vector<16xi1>, vector<16xi32>
      %min3A_215 = arith.minsi %select_n3A_193, %select_n3A_200 : vector<16xi32>
      %min3A_216 = arith.minsi %select_n3A_207, %select_n3A_214 : vector<16xi32>
      %min3A_217 = arith.minsi %min3A_215, %min3A_216 : vector<16xi32>
      %xor3A_218 = arith.constant 8 : i32
      %xor3A_219 = vector.broadcast %xor3A_218 : i32 to vector<16xi32>
      %xor3A_220 = arith.xori %iota3A, %xor3A_219 : vector<16xi32>
      %reshape3A_221 = vector.shape_cast %xor3A_220 : vector<16xi32> to vector<16x1xi32>
      %gather3A_222 = vector.shape_cast %reshape3A_221 : vector<16x1xi32> to vector<16xi32>
      %gather3A_223 = tpu.dynamic_gather %min3A_217[%gather3A_222] in [0] : vector<16xi32>, vector<16xi32> -> vector<16xi32>
      %min3A_224 = arith.minsi %min3A_217, %gather3A_223 : vector<16xi32>
      %xor3A_225 = arith.constant 4 : i32
      %xor3A_226 = vector.broadcast %xor3A_225 : i32 to vector<16xi32>
      %xor3A_227 = arith.xori %iota3A, %xor3A_226 : vector<16xi32>
      %reshape3A_228 = vector.shape_cast %xor3A_227 : vector<16xi32> to vector<16x1xi32>
      %gather3A_229 = vector.shape_cast %reshape3A_228 : vector<16x1xi32> to vector<16xi32>
      %gather3A_230 = tpu.dynamic_gather %min3A_224[%gather3A_229] in [0] : vector<16xi32>, vector<16xi32> -> vector<16xi32>
      %min3A_231 = arith.minsi %min3A_224, %gather3A_230 : vector<16xi32>
      %xor3A_232 = arith.constant 2 : i32
      %xor3A_233 = vector.broadcast %xor3A_232 : i32 to vector<16xi32>
      %xor3A_234 = arith.xori %iota3A, %xor3A_233 : vector<16xi32>
      %reshape3A_235 = vector.shape_cast %xor3A_234 : vector<16xi32> to vector<16x1xi32>
      %gather3A_236 = vector.shape_cast %reshape3A_235 : vector<16x1xi32> to vector<16xi32>
      %gather3A_237 = tpu.dynamic_gather %min3A_231[%gather3A_236] in [0] : vector<16xi32>, vector<16xi32> -> vector<16xi32>
      %min3A_238 = arith.minsi %min3A_231, %gather3A_237 : vector<16xi32>
      %xor3A_239 = arith.constant 1 : i32
      %xor3A_240 = vector.broadcast %xor3A_239 : i32 to vector<16xi32>
      %xor3A_241 = arith.xori %iota3A, %xor3A_240 : vector<16xi32>
      %reshape3A_242 = vector.shape_cast %xor3A_241 : vector<16xi32> to vector<16x1xi32>
      %gather3A_243 = vector.shape_cast %reshape3A_242 : vector<16x1xi32> to vector<16xi32>
      %gather3A_244 = tpu.dynamic_gather %min3A_238[%gather3A_243] in [0] : vector<16xi32>, vector<16xi32> -> vector<16xi32>
      %min3A_245 = arith.minsi %min3A_238, %gather3A_244 : vector<16xi32>
      %eq3A_246 = arith.constant 1 : i32
      %eq3A_247 = vector.broadcast %eq3A_246 : i32 to vector<16xi32>
      %eq3A_248 = arith.cmpi eq, %iota3A, %eq3A_247 : vector<16xi32>
      %select_n3A_249 = arith.select %eq3A_248, %min3A_245, %select_n3A_135 : vector<16xi1>, vector<16xi32>
      %add3A_250 = arith.constant 0 : i32
      %add3A_251 = vector.broadcast %add3A_250 : i32 to vector<16xi32>
      %add3A_252 = arith.addi %iota3A, %add3A_251 : vector<16xi32>
      %eq3A_253 = arith.cmpi eq, %add3A_252, %min3A_245 : vector<16xi32>
      %select_n3A_254 = arith.select %eq3A_253, %broadcast_in_dim3A_3, %select_n3A_140 : vector<16xi1>, vector<16xf32>
      %add3A_255 = arith.constant 16 : i32
      %add3A_256 = vector.broadcast %add3A_255 : i32 to vector<16xi32>
      %add3A_257 = arith.addi %iota3A, %add3A_256 : vector<16xi32>
      %eq3A_258 = arith.cmpi eq, %add3A_257, %min3A_245 : vector<16xi32>
      %select_n3A_259 = arith.select %eq3A_258, %broadcast_in_dim3A_3, %select_n3A_145 : vector<16xi1>, vector<16xf32>
      %add3A_260 = arith.constant 32 : i32
      %add3A_261 = vector.broadcast %add3A_260 : i32 to vector<16xi32>
      %add3A_262 = arith.addi %iota3A, %add3A_261 : vector<16xi32>
      %eq3A_263 = arith.cmpi eq, %add3A_262, %min3A_245 : vector<16xi32>
      %select_n3A_264 = arith.select %eq3A_263, %broadcast_in_dim3A_3, %select_n3A_150 : vector<16xi1>, vector<16xf32>
      %add3A_265 = arith.constant 48 : i32
      %add3A_266 = vector.broadcast %add3A_265 : i32 to vector<16xi32>
      %add3A_267 = arith.addi %iota3A, %add3A_266 : vector<16xi32>
      %eq3A_268 = arith.cmpi eq, %add3A_267, %min3A_245 : vector<16xi32>
      %select_n3A_269 = arith.select %eq3A_268, %broadcast_in_dim3A_3, %select_n3A_155 : vector<16xi1>, vector<16xf32>
      %max3A_270 = arith.maximumf %select_n3A_254, %select_n3A_259 : vector<16xf32>
      %max3A_271 = arith.maximumf %select_n3A_264, %select_n3A_269 : vector<16xf32>
      %max3A_272 = arith.maximumf %max3A_270, %max3A_271 : vector<16xf32>
      %xor3A_273 = arith.constant 8 : i32
      %xor3A_274 = vector.broadcast %xor3A_273 : i32 to vector<16xi32>
      %xor3A_275 = arith.xori %iota3A, %xor3A_274 : vector<16xi32>
      %reshape3A_276 = vector.shape_cast %xor3A_275 : vector<16xi32> to vector<16x1xi32>
      %gather3A_277 = vector.shape_cast %reshape3A_276 : vector<16x1xi32> to vector<16xi32>
      %gather3A_278 = tpu.dynamic_gather %max3A_272[%gather3A_277] in [0] : vector<16xf32>, vector<16xi32> -> vector<16xf32>
      %max3A_279 = arith.maximumf %max3A_272, %gather3A_278 : vector<16xf32>
      %xor3A_280 = arith.constant 4 : i32
      %xor3A_281 = vector.broadcast %xor3A_280 : i32 to vector<16xi32>
      %xor3A_282 = arith.xori %iota3A, %xor3A_281 : vector<16xi32>
      %reshape3A_283 = vector.shape_cast %xor3A_282 : vector<16xi32> to vector<16x1xi32>
      %gather3A_284 = vector.shape_cast %reshape3A_283 : vector<16x1xi32> to vector<16xi32>
      %gather3A_285 = tpu.dynamic_gather %max3A_279[%gather3A_284] in [0] : vector<16xf32>, vector<16xi32> -> vector<16xf32>
      %max3A_286 = arith.maximumf %max3A_279, %gather3A_285 : vector<16xf32>
      %xor3A_287 = arith.constant 2 : i32
      %xor3A_288 = vector.broadcast %xor3A_287 : i32 to vector<16xi32>
      %xor3A_289 = arith.xori %iota3A, %xor3A_288 : vector<16xi32>
      %reshape3A_290 = vector.shape_cast %xor3A_289 : vector<16xi32> to vector<16x1xi32>
      %gather3A_291 = vector.shape_cast %reshape3A_290 : vector<16x1xi32> to vector<16xi32>
      %gather3A_292 = tpu.dynamic_gather %max3A_286[%gather3A_291] in [0] : vector<16xf32>, vector<16xi32> -> vector<16xf32>
      %max3A_293 = arith.maximumf %max3A_286, %gather3A_292 : vector<16xf32>
      %xor3A_294 = arith.constant 1 : i32
      %xor3A_295 = vector.broadcast %xor3A_294 : i32 to vector<16xi32>
      %xor3A_296 = arith.xori %iota3A, %xor3A_295 : vector<16xi32>
      %reshape3A_297 = vector.shape_cast %xor3A_296 : vector<16xi32> to vector<16x1xi32>
      %gather3A_298 = vector.shape_cast %reshape3A_297 : vector<16x1xi32> to vector<16xi32>
      %gather3A_299 = tpu.dynamic_gather %max3A_293[%gather3A_298] in [0] : vector<16xf32>, vector<16xi32> -> vector<16xf32>
      %max3A_300 = arith.maximumf %max3A_293, %gather3A_299 : vector<16xf32>
      %eq3A_301 = arith.cmpf oeq, %select_n3A_254, %max3A_300 : vector<16xf32>
      %add3A_302 = arith.constant 0 : i32
      %add3A_303 = vector.broadcast %add3A_302 : i32 to vector<16xi32>
      %add3A_304 = arith.addi %iota3A, %add3A_303 : vector<16xi32>
      %jit3A_305 = arith.constant 64 : i32
      %broadcast_in_dim3A_306 = vector.broadcast %jit3A_305 : i32 to vector<16xi32>
      %select_n3A_307 = arith.select %eq3A_301, %add3A_304, %broadcast_in_dim3A_306 : vector<16xi1>, vector<16xi32>
      %eq3A_308 = arith.cmpf oeq, %select_n3A_259, %max3A_300 : vector<16xf32>
      %add3A_309 = arith.constant 16 : i32
      %add3A_310 = vector.broadcast %add3A_309 : i32 to vector<16xi32>
      %add3A_311 = arith.addi %iota3A, %add3A_310 : vector<16xi32>
      %jit3A_312 = arith.constant 64 : i32
      %broadcast_in_dim3A_313 = vector.broadcast %jit3A_312 : i32 to vector<16xi32>
      %select_n3A_314 = arith.select %eq3A_308, %add3A_311, %broadcast_in_dim3A_313 : vector<16xi1>, vector<16xi32>
      %eq3A_315 = arith.cmpf oeq, %select_n3A_264, %max3A_300 : vector<16xf32>
      %add3A_316 = arith.constant 32 : i32
      %add3A_317 = vector.broadcast %add3A_316 : i32 to vector<16xi32>
      %add3A_318 = arith.addi %iota3A, %add3A_317 : vector<16xi32>
      %jit3A_319 = arith.constant 64 : i32
      %broadcast_in_dim3A_320 = vector.broadcast %jit3A_319 : i32 to vector<16xi32>
      %select_n3A_321 = arith.select %eq3A_315, %add3A_318, %broadcast_in_dim3A_320 : vector<16xi1>, vector<16xi32>
      %eq3A_322 = arith.cmpf oeq, %select_n3A_269, %max3A_300 : vector<16xf32>
      %add3A_323 = arith.constant 48 : i32
      %add3A_324 = vector.broadcast %add3A_323 : i32 to vector<16xi32>
      %add3A_325 = arith.addi %iota3A, %add3A_324 : vector<16xi32>
      %jit3A_326 = arith.constant 64 : i32
      %broadcast_in_dim3A_327 = vector.broadcast %jit3A_326 : i32 to vector<16xi32>
      %select_n3A_328 = arith.select %eq3A_322, %add3A_325, %broadcast_in_dim3A_327 : vector<16xi1>, vector<16xi32>
      %min3A_329 = arith.minsi %select_n3A_307, %select_n3A_314 : vector<16xi32>
      %min3A_330 = arith.minsi %select_n3A_321, %select_n3A_328 : vector<16xi32>
      %min3A_331 = arith.minsi %min3A_329, %min3A_330 : vector<16xi32>
      %xor3A_332 = arith.constant 8 : i32
      %xor3A_333 = vector.broadcast %xor3A_332 : i32 to vector<16xi32>
      %xor3A_334 = arith.xori %iota3A, %xor3A_333 : vector<16xi32>
      %reshape3A_335 = vector.shape_cast %xor3A_334 : vector<16xi32> to vector<16x1xi32>
      %gather3A_336 = vector.shape_cast %reshape3A_335 : vector<16x1xi32> to vector<16xi32>
      %gather3A_337 = tpu.dynamic_gather %min3A_331[%gather3A_336] in [0] : vector<16xi32>, vector<16xi32> -> vector<16xi32>
      %min3A_338 = arith.minsi %min3A_331, %gather3A_337 : vector<16xi32>
      %xor3A_339 = arith.constant 4 : i32
      %xor3A_340 = vector.broadcast %xor3A_339 : i32 to vector<16xi32>
      %xor3A_341 = arith.xori %iota3A, %xor3A_340 : vector<16xi32>
      %reshape3A_342 = vector.shape_cast %xor3A_341 : vector<16xi32> to vector<16x1xi32>
      %gather3A_343 = vector.shape_cast %reshape3A_342 : vector<16x1xi32> to vector<16xi32>
      %gather3A_344 = tpu.dynamic_gather %min3A_338[%gather3A_343] in [0] : vector<16xi32>, vector<16xi32> -> vector<16xi32>
      %min3A_345 = arith.minsi %min3A_338, %gather3A_344 : vector<16xi32>
      %xor3A_346 = arith.constant 2 : i32
      %xor3A_347 = vector.broadcast %xor3A_346 : i32 to vector<16xi32>
      %xor3A_348 = arith.xori %iota3A, %xor3A_347 : vector<16xi32>
      %reshape3A_349 = vector.shape_cast %xor3A_348 : vector<16xi32> to vector<16x1xi32>
      %gather3A_350 = vector.shape_cast %reshape3A_349 : vector<16x1xi32> to vector<16xi32>
      %gather3A_351 = tpu.dynamic_gather %min3A_345[%gather3A_350] in [0] : vector<16xi32>, vector<16xi32> -> vector<16xi32>
      %min3A_352 = arith.minsi %min3A_345, %gather3A_351 : vector<16xi32>
      %xor3A_353 = arith.constant 1 : i32
      %xor3A_354 = vector.broadcast %xor3A_353 : i32 to vector<16xi32>
      %xor3A_355 = arith.xori %iota3A, %xor3A_354 : vector<16xi32>
      %reshape3A_356 = vector.shape_cast %xor3A_355 : vector<16xi32> to vector<16x1xi32>
      %gather3A_357 = vector.shape_cast %reshape3A_356 : vector<16x1xi32> to vector<16xi32>
      %gather3A_358 = tpu.dynamic_gather %min3A_352[%gather3A_357] in [0] : vector<16xi32>, vector<16xi32> -> vector<16xi32>
      %min3A_359 = arith.minsi %min3A_352, %gather3A_358 : vector<16xi32>
      %eq3A_360 = arith.constant 2 : i32
      %eq3A_361 = vector.broadcast %eq3A_360 : i32 to vector<16xi32>
      %eq3A_362 = arith.cmpi eq, %iota3A, %eq3A_361 : vector<16xi32>
      %select_n3A_363 = arith.select %eq3A_362, %min3A_359, %select_n3A_249 : vector<16xi1>, vector<16xi32>
      %add3A_364 = arith.constant 0 : i32
      %add3A_365 = vector.broadcast %add3A_364 : i32 to vector<16xi32>
      %add3A_366 = arith.addi %iota3A, %add3A_365 : vector<16xi32>
      %eq3A_367 = arith.cmpi eq, %add3A_366, %min3A_359 : vector<16xi32>
      %select_n3A_368 = arith.select %eq3A_367, %broadcast_in_dim3A_3, %select_n3A_254 : vector<16xi1>, vector<16xf32>
      %add3A_369 = arith.constant 16 : i32
      %add3A_370 = vector.broadcast %add3A_369 : i32 to vector<16xi32>
      %add3A_371 = arith.addi %iota3A, %add3A_370 : vector<16xi32>
      %eq3A_372 = arith.cmpi eq, %add3A_371, %min3A_359 : vector<16xi32>
      %select_n3A_373 = arith.select %eq3A_372, %broadcast_in_dim3A_3, %select_n3A_259 : vector<16xi1>, vector<16xf32>
      %add3A_374 = arith.constant 32 : i32
      %add3A_375 = vector.broadcast %add3A_374 : i32 to vector<16xi32>
      %add3A_376 = arith.addi %iota3A, %add3A_375 : vector<16xi32>
      %eq3A_377 = arith.cmpi eq, %add3A_376, %min3A_359 : vector<16xi32>
      %select_n3A_378 = arith.select %eq3A_377, %broadcast_in_dim3A_3, %select_n3A_264 : vector<16xi1>, vector<16xf32>
      %add3A_379 = arith.constant 48 : i32
      %add3A_380 = vector.broadcast %add3A_379 : i32 to vector<16xi32>
      %add3A_381 = arith.addi %iota3A, %add3A_380 : vector<16xi32>
      %eq3A_382 = arith.cmpi eq, %add3A_381, %min3A_359 : vector<16xi32>
      %select_n3A_383 = arith.select %eq3A_382, %broadcast_in_dim3A_3, %select_n3A_269 : vector<16xi1>, vector<16xf32>
      %max3A_384 = arith.maximumf %select_n3A_368, %select_n3A_373 : vector<16xf32>
      %max3A_385 = arith.maximumf %select_n3A_378, %select_n3A_383 : vector<16xf32>
      %max3A_386 = arith.maximumf %max3A_384, %max3A_385 : vector<16xf32>
      %xor3A_387 = arith.constant 8 : i32
      %xor3A_388 = vector.broadcast %xor3A_387 : i32 to vector<16xi32>
      %xor3A_389 = arith.xori %iota3A, %xor3A_388 : vector<16xi32>
      %reshape3A_390 = vector.shape_cast %xor3A_389 : vector<16xi32> to vector<16x1xi32>
      %gather3A_391 = vector.shape_cast %reshape3A_390 : vector<16x1xi32> to vector<16xi32>
      %gather3A_392 = tpu.dynamic_gather %max3A_386[%gather3A_391] in [0] : vector<16xf32>, vector<16xi32> -> vector<16xf32>
      %max3A_393 = arith.maximumf %max3A_386, %gather3A_392 : vector<16xf32>
      %xor3A_394 = arith.constant 4 : i32
      %xor3A_395 = vector.broadcast %xor3A_394 : i32 to vector<16xi32>
      %xor3A_396 = arith.xori %iota3A, %xor3A_395 : vector<16xi32>
      %reshape3A_397 = vector.shape_cast %xor3A_396 : vector<16xi32> to vector<16x1xi32>
      %gather3A_398 = vector.shape_cast %reshape3A_397 : vector<16x1xi32> to vector<16xi32>
      %gather3A_399 = tpu.dynamic_gather %max3A_393[%gather3A_398] in [0] : vector<16xf32>, vector<16xi32> -> vector<16xf32>
      %max3A_400 = arith.maximumf %max3A_393, %gather3A_399 : vector<16xf32>
      %xor3A_401 = arith.constant 2 : i32
      %xor3A_402 = vector.broadcast %xor3A_401 : i32 to vector<16xi32>
      %xor3A_403 = arith.xori %iota3A, %xor3A_402 : vector<16xi32>
      %reshape3A_404 = vector.shape_cast %xor3A_403 : vector<16xi32> to vector<16x1xi32>
      %gather3A_405 = vector.shape_cast %reshape3A_404 : vector<16x1xi32> to vector<16xi32>
      %gather3A_406 = tpu.dynamic_gather %max3A_400[%gather3A_405] in [0] : vector<16xf32>, vector<16xi32> -> vector<16xf32>
      %max3A_407 = arith.maximumf %max3A_400, %gather3A_406 : vector<16xf32>
      %xor3A_408 = arith.constant 1 : i32
      %xor3A_409 = vector.broadcast %xor3A_408 : i32 to vector<16xi32>
      %xor3A_410 = arith.xori %iota3A, %xor3A_409 : vector<16xi32>
      %reshape3A_411 = vector.shape_cast %xor3A_410 : vector<16xi32> to vector<16x1xi32>
      %gather3A_412 = vector.shape_cast %reshape3A_411 : vector<16x1xi32> to vector<16xi32>
      %gather3A_413 = tpu.dynamic_gather %max3A_407[%gather3A_412] in [0] : vector<16xf32>, vector<16xi32> -> vector<16xf32>
      %max3A_414 = arith.maximumf %max3A_407, %gather3A_413 : vector<16xf32>
      %eq3A_415 = arith.cmpf oeq, %select_n3A_368, %max3A_414 : vector<16xf32>
      %add3A_416 = arith.constant 0 : i32
      %add3A_417 = vector.broadcast %add3A_416 : i32 to vector<16xi32>
      %add3A_418 = arith.addi %iota3A, %add3A_417 : vector<16xi32>
      %jit3A_419 = arith.constant 64 : i32
      %broadcast_in_dim3A_420 = vector.broadcast %jit3A_419 : i32 to vector<16xi32>
      %select_n3A_421 = arith.select %eq3A_415, %add3A_418, %broadcast_in_dim3A_420 : vector<16xi1>, vector<16xi32>
      %eq3A_422 = arith.cmpf oeq, %select_n3A_373, %max3A_414 : vector<16xf32>
      %add3A_423 = arith.constant 16 : i32
      %add3A_424 = vector.broadcast %add3A_423 : i32 to vector<16xi32>
      %add3A_425 = arith.addi %iota3A, %add3A_424 : vector<16xi32>
      %jit3A_426 = arith.constant 64 : i32
      %broadcast_in_dim3A_427 = vector.broadcast %jit3A_426 : i32 to vector<16xi32>
      %select_n3A_428 = arith.select %eq3A_422, %add3A_425, %broadcast_in_dim3A_427 : vector<16xi1>, vector<16xi32>
      %eq3A_429 = arith.cmpf oeq, %select_n3A_378, %max3A_414 : vector<16xf32>
      %add3A_430 = arith.constant 32 : i32
      %add3A_431 = vector.broadcast %add3A_430 : i32 to vector<16xi32>
      %add3A_432 = arith.addi %iota3A, %add3A_431 : vector<16xi32>
      %jit3A_433 = arith.constant 64 : i32
      %broadcast_in_dim3A_434 = vector.broadcast %jit3A_433 : i32 to vector<16xi32>
      %select_n3A_435 = arith.select %eq3A_429, %add3A_432, %broadcast_in_dim3A_434 : vector<16xi1>, vector<16xi32>
      %eq3A_436 = arith.cmpf oeq, %select_n3A_383, %max3A_414 : vector<16xf32>
      %add3A_437 = arith.constant 48 : i32
      %add3A_438 = vector.broadcast %add3A_437 : i32 to vector<16xi32>
      %add3A_439 = arith.addi %iota3A, %add3A_438 : vector<16xi32>
      %jit3A_440 = arith.constant 64 : i32
      %broadcast_in_dim3A_441 = vector.broadcast %jit3A_440 : i32 to vector<16xi32>
      %select_n3A_442 = arith.select %eq3A_436, %add3A_439, %broadcast_in_dim3A_441 : vector<16xi1>, vector<16xi32>
      %min3A_443 = arith.minsi %select_n3A_421, %select_n3A_428 : vector<16xi32>
      %min3A_444 = arith.minsi %select_n3A_435, %select_n3A_442 : vector<16xi32>
      %min3A_445 = arith.minsi %min3A_443, %min3A_444 : vector<16xi32>
      %xor3A_446 = arith.constant 8 : i32
      %xor3A_447 = vector.broadcast %xor3A_446 : i32 to vector<16xi32>
      %xor3A_448 = arith.xori %iota3A, %xor3A_447 : vector<16xi32>
      %reshape3A_449 = vector.shape_cast %xor3A_448 : vector<16xi32> to vector<16x1xi32>
      %gather3A_450 = vector.shape_cast %reshape3A_449 : vector<16x1xi32> to vector<16xi32>
      %gather3A_451 = tpu.dynamic_gather %min3A_445[%gather3A_450] in [0] : vector<16xi32>, vector<16xi32> -> vector<16xi32>
      %min3A_452 = arith.minsi %min3A_445, %gather3A_451 : vector<16xi32>
      %xor3A_453 = arith.constant 4 : i32
      %xor3A_454 = vector.broadcast %xor3A_453 : i32 to vector<16xi32>
      %xor3A_455 = arith.xori %iota3A, %xor3A_454 : vector<16xi32>
      %reshape3A_456 = vector.shape_cast %xor3A_455 : vector<16xi32> to vector<16x1xi32>
      %gather3A_457 = vector.shape_cast %reshape3A_456 : vector<16x1xi32> to vector<16xi32>
      %gather3A_458 = tpu.dynamic_gather %min3A_452[%gather3A_457] in [0] : vector<16xi32>, vector<16xi32> -> vector<16xi32>
      %min3A_459 = arith.minsi %min3A_452, %gather3A_458 : vector<16xi32>
      %xor3A_460 = arith.constant 2 : i32
      %xor3A_461 = vector.broadcast %xor3A_460 : i32 to vector<16xi32>
      %xor3A_462 = arith.xori %iota3A, %xor3A_461 : vector<16xi32>
      %reshape3A_463 = vector.shape_cast %xor3A_462 : vector<16xi32> to vector<16x1xi32>
      %gather3A_464 = vector.shape_cast %reshape3A_463 : vector<16x1xi32> to vector<16xi32>
      %gather3A_465 = tpu.dynamic_gather %min3A_459[%gather3A_464] in [0] : vector<16xi32>, vector<16xi32> -> vector<16xi32>
      %min3A_466 = arith.minsi %min3A_459, %gather3A_465 : vector<16xi32>
      %xor3A_467 = arith.constant 1 : i32
      %xor3A_468 = vector.broadcast %xor3A_467 : i32 to vector<16xi32>
      %xor3A_469 = arith.xori %iota3A, %xor3A_468 : vector<16xi32>
      %reshape3A_470 = vector.shape_cast %xor3A_469 : vector<16xi32> to vector<16x1xi32>
      %gather3A_471 = vector.shape_cast %reshape3A_470 : vector<16x1xi32> to vector<16xi32>
      %gather3A_472 = tpu.dynamic_gather %min3A_466[%gather3A_471] in [0] : vector<16xi32>, vector<16xi32> -> vector<16xi32>
      %min3A_473 = arith.minsi %min3A_466, %gather3A_472 : vector<16xi32>
      %eq3A_474 = arith.constant 3 : i32
      %eq3A_475 = vector.broadcast %eq3A_474 : i32 to vector<16xi32>
      %eq3A_476 = arith.cmpi eq, %iota3A, %eq3A_475 : vector<16xi32>
      %select_n3A_477 = arith.select %eq3A_476, %min3A_473, %select_n3A_363 : vector<16xi1>, vector<16xi32>
      %add3A_478 = arith.constant 0 : i32
      %add3A_479 = vector.broadcast %add3A_478 : i32 to vector<16xi32>
      %add3A_480 = arith.addi %iota3A, %add3A_479 : vector<16xi32>
      %eq3A_481 = arith.cmpi eq, %add3A_480, %min3A_473 : vector<16xi32>
      %select_n3A_482 = arith.select %eq3A_481, %broadcast_in_dim3A_3, %select_n3A_368 : vector<16xi1>, vector<16xf32>
      %add3A_483 = arith.constant 16 : i32
      %add3A_484 = vector.broadcast %add3A_483 : i32 to vector<16xi32>
      %add3A_485 = arith.addi %iota3A, %add3A_484 : vector<16xi32>
      %eq3A_486 = arith.cmpi eq, %add3A_485, %min3A_473 : vector<16xi32>
      %select_n3A_487 = arith.select %eq3A_486, %broadcast_in_dim3A_3, %select_n3A_373 : vector<16xi1>, vector<16xf32>
      %add3A_488 = arith.constant 32 : i32
      %add3A_489 = vector.broadcast %add3A_488 : i32 to vector<16xi32>
      %add3A_490 = arith.addi %iota3A, %add3A_489 : vector<16xi32>
      %eq3A_491 = arith.cmpi eq, %add3A_490, %min3A_473 : vector<16xi32>
      %select_n3A_492 = arith.select %eq3A_491, %broadcast_in_dim3A_3, %select_n3A_378 : vector<16xi1>, vector<16xf32>
      %add3A_493 = arith.constant 48 : i32
      %add3A_494 = vector.broadcast %add3A_493 : i32 to vector<16xi32>
      %add3A_495 = arith.addi %iota3A, %add3A_494 : vector<16xi32>
      %eq3A_496 = arith.cmpi eq, %add3A_495, %min3A_473 : vector<16xi32>
      %select_n3A_497 = arith.select %eq3A_496, %broadcast_in_dim3A_3, %select_n3A_383 : vector<16xi1>, vector<16xf32>
      %max3A_498 = arith.maximumf %select_n3A_482, %select_n3A_487 : vector<16xf32>
      %max3A_499 = arith.maximumf %select_n3A_492, %select_n3A_497 : vector<16xf32>
      %max3A_500 = arith.maximumf %max3A_498, %max3A_499 : vector<16xf32>
      %xor3A_501 = arith.constant 8 : i32
      %xor3A_502 = vector.broadcast %xor3A_501 : i32 to vector<16xi32>
      %xor3A_503 = arith.xori %iota3A, %xor3A_502 : vector<16xi32>
      %reshape3A_504 = vector.shape_cast %xor3A_503 : vector<16xi32> to vector<16x1xi32>
      %gather3A_505 = vector.shape_cast %reshape3A_504 : vector<16x1xi32> to vector<16xi32>
      %gather3A_506 = tpu.dynamic_gather %max3A_500[%gather3A_505] in [0] : vector<16xf32>, vector<16xi32> -> vector<16xf32>
      %max3A_507 = arith.maximumf %max3A_500, %gather3A_506 : vector<16xf32>
      %xor3A_508 = arith.constant 4 : i32
      %xor3A_509 = vector.broadcast %xor3A_508 : i32 to vector<16xi32>
      %xor3A_510 = arith.xori %iota3A, %xor3A_509 : vector<16xi32>
      %reshape3A_511 = vector.shape_cast %xor3A_510 : vector<16xi32> to vector<16x1xi32>
      %gather3A_512 = vector.shape_cast %reshape3A_511 : vector<16x1xi32> to vector<16xi32>
      %gather3A_513 = tpu.dynamic_gather %max3A_507[%gather3A_512] in [0] : vector<16xf32>, vector<16xi32> -> vector<16xf32>
      %max3A_514 = arith.maximumf %max3A_507, %gather3A_513 : vector<16xf32>
      %xor3A_515 = arith.constant 2 : i32
      %xor3A_516 = vector.broadcast %xor3A_515 : i32 to vector<16xi32>
      %xor3A_517 = arith.xori %iota3A, %xor3A_516 : vector<16xi32>
      %reshape3A_518 = vector.shape_cast %xor3A_517 : vector<16xi32> to vector<16x1xi32>
      %gather3A_519 = vector.shape_cast %reshape3A_518 : vector<16x1xi32> to vector<16xi32>
      %gather3A_520 = tpu.dynamic_gather %max3A_514[%gather3A_519] in [0] : vector<16xf32>, vector<16xi32> -> vector<16xf32>
      %max3A_521 = arith.maximumf %max3A_514, %gather3A_520 : vector<16xf32>
      %xor3A_522 = arith.constant 1 : i32
      %xor3A_523 = vector.broadcast %xor3A_522 : i32 to vector<16xi32>
      %xor3A_524 = arith.xori %iota3A, %xor3A_523 : vector<16xi32>
      %reshape3A_525 = vector.shape_cast %xor3A_524 : vector<16xi32> to vector<16x1xi32>
      %gather3A_526 = vector.shape_cast %reshape3A_525 : vector<16x1xi32> to vector<16xi32>
      %gather3A_527 = tpu.dynamic_gather %max3A_521[%gather3A_526] in [0] : vector<16xf32>, vector<16xi32> -> vector<16xf32>
      %max3A_528 = arith.maximumf %max3A_521, %gather3A_527 : vector<16xf32>
      %eq3A_529 = arith.cmpf oeq, %select_n3A_482, %max3A_528 : vector<16xf32>
      %add3A_530 = arith.constant 0 : i32
      %add3A_531 = vector.broadcast %add3A_530 : i32 to vector<16xi32>
      %add3A_532 = arith.addi %iota3A, %add3A_531 : vector<16xi32>
      %jit3A_533 = arith.constant 64 : i32
      %broadcast_in_dim3A_534 = vector.broadcast %jit3A_533 : i32 to vector<16xi32>
      %select_n3A_535 = arith.select %eq3A_529, %add3A_532, %broadcast_in_dim3A_534 : vector<16xi1>, vector<16xi32>
      %eq3A_536 = arith.cmpf oeq, %select_n3A_487, %max3A_528 : vector<16xf32>
      %add3A_537 = arith.constant 16 : i32
      %add3A_538 = vector.broadcast %add3A_537 : i32 to vector<16xi32>
      %add3A_539 = arith.addi %iota3A, %add3A_538 : vector<16xi32>
      %jit3A_540 = arith.constant 64 : i32
      %broadcast_in_dim3A_541 = vector.broadcast %jit3A_540 : i32 to vector<16xi32>
      %select_n3A_542 = arith.select %eq3A_536, %add3A_539, %broadcast_in_dim3A_541 : vector<16xi1>, vector<16xi32>
      %eq3A_543 = arith.cmpf oeq, %select_n3A_492, %max3A_528 : vector<16xf32>
      %add3A_544 = arith.constant 32 : i32
      %add3A_545 = vector.broadcast %add3A_544 : i32 to vector<16xi32>
      %add3A_546 = arith.addi %iota3A, %add3A_545 : vector<16xi32>
      %jit3A_547 = arith.constant 64 : i32
      %broadcast_in_dim3A_548 = vector.broadcast %jit3A_547 : i32 to vector<16xi32>
      %select_n3A_549 = arith.select %eq3A_543, %add3A_546, %broadcast_in_dim3A_548 : vector<16xi1>, vector<16xi32>
      %eq3A_550 = arith.cmpf oeq, %select_n3A_497, %max3A_528 : vector<16xf32>
      %add3A_551 = arith.constant 48 : i32
      %add3A_552 = vector.broadcast %add3A_551 : i32 to vector<16xi32>
      %add3A_553 = arith.addi %iota3A, %add3A_552 : vector<16xi32>
      %jit3A_554 = arith.constant 64 : i32
      %broadcast_in_dim3A_555 = vector.broadcast %jit3A_554 : i32 to vector<16xi32>
      %select_n3A_556 = arith.select %eq3A_550, %add3A_553, %broadcast_in_dim3A_555 : vector<16xi1>, vector<16xi32>
      %min3A_557 = arith.minsi %select_n3A_535, %select_n3A_542 : vector<16xi32>
      %min3A_558 = arith.minsi %select_n3A_549, %select_n3A_556 : vector<16xi32>
      %min3A_559 = arith.minsi %min3A_557, %min3A_558 : vector<16xi32>
      %xor3A_560 = arith.constant 8 : i32
      %xor3A_561 = vector.broadcast %xor3A_560 : i32 to vector<16xi32>
      %xor3A_562 = arith.xori %iota3A, %xor3A_561 : vector<16xi32>
      %reshape3A_563 = vector.shape_cast %xor3A_562 : vector<16xi32> to vector<16x1xi32>
      %gather3A_564 = vector.shape_cast %reshape3A_563 : vector<16x1xi32> to vector<16xi32>
      %gather3A_565 = tpu.dynamic_gather %min3A_559[%gather3A_564] in [0] : vector<16xi32>, vector<16xi32> -> vector<16xi32>
      %min3A_566 = arith.minsi %min3A_559, %gather3A_565 : vector<16xi32>
      %xor3A_567 = arith.constant 4 : i32
      %xor3A_568 = vector.broadcast %xor3A_567 : i32 to vector<16xi32>
      %xor3A_569 = arith.xori %iota3A, %xor3A_568 : vector<16xi32>
      %reshape3A_570 = vector.shape_cast %xor3A_569 : vector<16xi32> to vector<16x1xi32>
      %gather3A_571 = vector.shape_cast %reshape3A_570 : vector<16x1xi32> to vector<16xi32>
      %gather3A_572 = tpu.dynamic_gather %min3A_566[%gather3A_571] in [0] : vector<16xi32>, vector<16xi32> -> vector<16xi32>
      %min3A_573 = arith.minsi %min3A_566, %gather3A_572 : vector<16xi32>
      %xor3A_574 = arith.constant 2 : i32
      %xor3A_575 = vector.broadcast %xor3A_574 : i32 to vector<16xi32>
      %xor3A_576 = arith.xori %iota3A, %xor3A_575 : vector<16xi32>
      %reshape3A_577 = vector.shape_cast %xor3A_576 : vector<16xi32> to vector<16x1xi32>
      %gather3A_578 = vector.shape_cast %reshape3A_577 : vector<16x1xi32> to vector<16xi32>
      %gather3A_579 = tpu.dynamic_gather %min3A_573[%gather3A_578] in [0] : vector<16xi32>, vector<16xi32> -> vector<16xi32>
      %min3A_580 = arith.minsi %min3A_573, %gather3A_579 : vector<16xi32>
      %xor3A_581 = arith.constant 1 : i32
      %xor3A_582 = vector.broadcast %xor3A_581 : i32 to vector<16xi32>
      %xor3A_583 = arith.xori %iota3A, %xor3A_582 : vector<16xi32>
      %reshape3A_584 = vector.shape_cast %xor3A_583 : vector<16xi32> to vector<16x1xi32>
      %gather3A_585 = vector.shape_cast %reshape3A_584 : vector<16x1xi32> to vector<16xi32>
      %gather3A_586 = tpu.dynamic_gather %min3A_580[%gather3A_585] in [0] : vector<16xi32>, vector<16xi32> -> vector<16xi32>
      %min3A_587 = arith.minsi %min3A_580, %gather3A_586 : vector<16xi32>
      %eq3A_588 = arith.constant 4 : i32
      %eq3A_589 = vector.broadcast %eq3A_588 : i32 to vector<16xi32>
      %eq3A_590 = arith.cmpi eq, %iota3A, %eq3A_589 : vector<16xi32>
      %select_n3A_591 = arith.select %eq3A_590, %min3A_587, %select_n3A_477 : vector<16xi1>, vector<16xi32>
      %add3A_592 = arith.constant 0 : i32
      %add3A_593 = vector.broadcast %add3A_592 : i32 to vector<16xi32>
      %add3A_594 = arith.addi %iota3A, %add3A_593 : vector<16xi32>
      %eq3A_595 = arith.cmpi eq, %add3A_594, %min3A_587 : vector<16xi32>
      %select_n3A_596 = arith.select %eq3A_595, %broadcast_in_dim3A_3, %select_n3A_482 : vector<16xi1>, vector<16xf32>
      %add3A_597 = arith.constant 16 : i32
      %add3A_598 = vector.broadcast %add3A_597 : i32 to vector<16xi32>
      %add3A_599 = arith.addi %iota3A, %add3A_598 : vector<16xi32>
      %eq3A_600 = arith.cmpi eq, %add3A_599, %min3A_587 : vector<16xi32>
      %select_n3A_601 = arith.select %eq3A_600, %broadcast_in_dim3A_3, %select_n3A_487 : vector<16xi1>, vector<16xf32>
      %add3A_602 = arith.constant 32 : i32
      %add3A_603 = vector.broadcast %add3A_602 : i32 to vector<16xi32>
      %add3A_604 = arith.addi %iota3A, %add3A_603 : vector<16xi32>
      %eq3A_605 = arith.cmpi eq, %add3A_604, %min3A_587 : vector<16xi32>
      %select_n3A_606 = arith.select %eq3A_605, %broadcast_in_dim3A_3, %select_n3A_492 : vector<16xi1>, vector<16xf32>
      %add3A_607 = arith.constant 48 : i32
      %add3A_608 = vector.broadcast %add3A_607 : i32 to vector<16xi32>
      %add3A_609 = arith.addi %iota3A, %add3A_608 : vector<16xi32>
      %eq3A_610 = arith.cmpi eq, %add3A_609, %min3A_587 : vector<16xi32>
      %select_n3A_611 = arith.select %eq3A_610, %broadcast_in_dim3A_3, %select_n3A_497 : vector<16xi1>, vector<16xf32>
      %max3A_612 = arith.maximumf %select_n3A_596, %select_n3A_601 : vector<16xf32>
      %max3A_613 = arith.maximumf %select_n3A_606, %select_n3A_611 : vector<16xf32>
      %max3A_614 = arith.maximumf %max3A_612, %max3A_613 : vector<16xf32>
      %xor3A_615 = arith.constant 8 : i32
      %xor3A_616 = vector.broadcast %xor3A_615 : i32 to vector<16xi32>
      %xor3A_617 = arith.xori %iota3A, %xor3A_616 : vector<16xi32>
      %reshape3A_618 = vector.shape_cast %xor3A_617 : vector<16xi32> to vector<16x1xi32>
      %gather3A_619 = vector.shape_cast %reshape3A_618 : vector<16x1xi32> to vector<16xi32>
      %gather3A_620 = tpu.dynamic_gather %max3A_614[%gather3A_619] in [0] : vector<16xf32>, vector<16xi32> -> vector<16xf32>
      %max3A_621 = arith.maximumf %max3A_614, %gather3A_620 : vector<16xf32>
      %xor3A_622 = arith.constant 4 : i32
      %xor3A_623 = vector.broadcast %xor3A_622 : i32 to vector<16xi32>
      %xor3A_624 = arith.xori %iota3A, %xor3A_623 : vector<16xi32>
      %reshape3A_625 = vector.shape_cast %xor3A_624 : vector<16xi32> to vector<16x1xi32>
      %gather3A_626 = vector.shape_cast %reshape3A_625 : vector<16x1xi32> to vector<16xi32>
      %gather3A_627 = tpu.dynamic_gather %max3A_621[%gather3A_626] in [0] : vector<16xf32>, vector<16xi32> -> vector<16xf32>
      %max3A_628 = arith.maximumf %max3A_621, %gather3A_627 : vector<16xf32>
      %xor3A_629 = arith.constant 2 : i32
      %xor3A_630 = vector.broadcast %xor3A_629 : i32 to vector<16xi32>
      %xor3A_631 = arith.xori %iota3A, %xor3A_630 : vector<16xi32>
      %reshape3A_632 = vector.shape_cast %xor3A_631 : vector<16xi32> to vector<16x1xi32>
      %gather3A_633 = vector.shape_cast %reshape3A_632 : vector<16x1xi32> to vector<16xi32>
      %gather3A_634 = tpu.dynamic_gather %max3A_628[%gather3A_633] in [0] : vector<16xf32>, vector<16xi32> -> vector<16xf32>
      %max3A_635 = arith.maximumf %max3A_628, %gather3A_634 : vector<16xf32>
      %xor3A_636 = arith.constant 1 : i32
      %xor3A_637 = vector.broadcast %xor3A_636 : i32 to vector<16xi32>
      %xor3A_638 = arith.xori %iota3A, %xor3A_637 : vector<16xi32>
      %reshape3A_639 = vector.shape_cast %xor3A_638 : vector<16xi32> to vector<16x1xi32>
      %gather3A_640 = vector.shape_cast %reshape3A_639 : vector<16x1xi32> to vector<16xi32>
      %gather3A_641 = tpu.dynamic_gather %max3A_635[%gather3A_640] in [0] : vector<16xf32>, vector<16xi32> -> vector<16xf32>
      %max3A_642 = arith.maximumf %max3A_635, %gather3A_641 : vector<16xf32>
      %eq3A_643 = arith.cmpf oeq, %select_n3A_596, %max3A_642 : vector<16xf32>
      %add3A_644 = arith.constant 0 : i32
      %add3A_645 = vector.broadcast %add3A_644 : i32 to vector<16xi32>
      %add3A_646 = arith.addi %iota3A, %add3A_645 : vector<16xi32>
      %jit3A_647 = arith.constant 64 : i32
      %broadcast_in_dim3A_648 = vector.broadcast %jit3A_647 : i32 to vector<16xi32>
      %select_n3A_649 = arith.select %eq3A_643, %add3A_646, %broadcast_in_dim3A_648 : vector<16xi1>, vector<16xi32>
      %eq3A_650 = arith.cmpf oeq, %select_n3A_601, %max3A_642 : vector<16xf32>
      %add3A_651 = arith.constant 16 : i32
      %add3A_652 = vector.broadcast %add3A_651 : i32 to vector<16xi32>
      %add3A_653 = arith.addi %iota3A, %add3A_652 : vector<16xi32>
      %jit3A_654 = arith.constant 64 : i32
      %broadcast_in_dim3A_655 = vector.broadcast %jit3A_654 : i32 to vector<16xi32>
      %select_n3A_656 = arith.select %eq3A_650, %add3A_653, %broadcast_in_dim3A_655 : vector<16xi1>, vector<16xi32>
      %eq3A_657 = arith.cmpf oeq, %select_n3A_606, %max3A_642 : vector<16xf32>
      %add3A_658 = arith.constant 32 : i32
      %add3A_659 = vector.broadcast %add3A_658 : i32 to vector<16xi32>
      %add3A_660 = arith.addi %iota3A, %add3A_659 : vector<16xi32>
      %jit3A_661 = arith.constant 64 : i32
      %broadcast_in_dim3A_662 = vector.broadcast %jit3A_661 : i32 to vector<16xi32>
      %select_n3A_663 = arith.select %eq3A_657, %add3A_660, %broadcast_in_dim3A_662 : vector<16xi1>, vector<16xi32>
      %eq3A_664 = arith.cmpf oeq, %select_n3A_611, %max3A_642 : vector<16xf32>
      %add3A_665 = arith.constant 48 : i32
      %add3A_666 = vector.broadcast %add3A_665 : i32 to vector<16xi32>
      %add3A_667 = arith.addi %iota3A, %add3A_666 : vector<16xi32>
      %jit3A_668 = arith.constant 64 : i32
      %broadcast_in_dim3A_669 = vector.broadcast %jit3A_668 : i32 to vector<16xi32>
      %select_n3A_670 = arith.select %eq3A_664, %add3A_667, %broadcast_in_dim3A_669 : vector<16xi1>, vector<16xi32>
      %min3A_671 = arith.minsi %select_n3A_649, %select_n3A_656 : vector<16xi32>
      %min3A_672 = arith.minsi %select_n3A_663, %select_n3A_670 : vector<16xi32>
      %min3A_673 = arith.minsi %min3A_671, %min3A_672 : vector<16xi32>
      %xor3A_674 = arith.constant 8 : i32
      %xor3A_675 = vector.broadcast %xor3A_674 : i32 to vector<16xi32>
      %xor3A_676 = arith.xori %iota3A, %xor3A_675 : vector<16xi32>
      %reshape3A_677 = vector.shape_cast %xor3A_676 : vector<16xi32> to vector<16x1xi32>
      %gather3A_678 = vector.shape_cast %reshape3A_677 : vector<16x1xi32> to vector<16xi32>
      %gather3A_679 = tpu.dynamic_gather %min3A_673[%gather3A_678] in [0] : vector<16xi32>, vector<16xi32> -> vector<16xi32>
      %min3A_680 = arith.minsi %min3A_673, %gather3A_679 : vector<16xi32>
      %xor3A_681 = arith.constant 4 : i32
      %xor3A_682 = vector.broadcast %xor3A_681 : i32 to vector<16xi32>
      %xor3A_683 = arith.xori %iota3A, %xor3A_682 : vector<16xi32>
      %reshape3A_684 = vector.shape_cast %xor3A_683 : vector<16xi32> to vector<16x1xi32>
      %gather3A_685 = vector.shape_cast %reshape3A_684 : vector<16x1xi32> to vector<16xi32>
      %gather3A_686 = tpu.dynamic_gather %min3A_680[%gather3A_685] in [0] : vector<16xi32>, vector<16xi32> -> vector<16xi32>
      %min3A_687 = arith.minsi %min3A_680, %gather3A_686 : vector<16xi32>
      %xor3A_688 = arith.constant 2 : i32
      %xor3A_689 = vector.broadcast %xor3A_688 : i32 to vector<16xi32>
      %xor3A_690 = arith.xori %iota3A, %xor3A_689 : vector<16xi32>
      %reshape3A_691 = vector.shape_cast %xor3A_690 : vector<16xi32> to vector<16x1xi32>
      %gather3A_692 = vector.shape_cast %reshape3A_691 : vector<16x1xi32> to vector<16xi32>
      %gather3A_693 = tpu.dynamic_gather %min3A_687[%gather3A_692] in [0] : vector<16xi32>, vector<16xi32> -> vector<16xi32>
      %min3A_694 = arith.minsi %min3A_687, %gather3A_693 : vector<16xi32>
      %xor3A_695 = arith.constant 1 : i32
      %xor3A_696 = vector.broadcast %xor3A_695 : i32 to vector<16xi32>
      %xor3A_697 = arith.xori %iota3A, %xor3A_696 : vector<16xi32>
      %reshape3A_698 = vector.shape_cast %xor3A_697 : vector<16xi32> to vector<16x1xi32>
      %gather3A_699 = vector.shape_cast %reshape3A_698 : vector<16x1xi32> to vector<16xi32>
      %gather3A_700 = tpu.dynamic_gather %min3A_694[%gather3A_699] in [0] : vector<16xi32>, vector<16xi32> -> vector<16xi32>
      %min3A_701 = arith.minsi %min3A_694, %gather3A_700 : vector<16xi32>
      %eq3A_702 = arith.constant 5 : i32
      %eq3A_703 = vector.broadcast %eq3A_702 : i32 to vector<16xi32>
      %eq3A_704 = arith.cmpi eq, %iota3A, %eq3A_703 : vector<16xi32>
      %select_n3A_705 = arith.select %eq3A_704, %min3A_701, %select_n3A_591 : vector<16xi1>, vector<16xi32>
      %add3A_706 = arith.constant 0 : i32
      %add3A_707 = vector.broadcast %add3A_706 : i32 to vector<16xi32>
      %add3A_708 = arith.addi %iota3A, %add3A_707 : vector<16xi32>
      %eq3A_709 = arith.cmpi eq, %add3A_708, %min3A_701 : vector<16xi32>
      %select_n3A_710 = arith.select %eq3A_709, %broadcast_in_dim3A_3, %select_n3A_596 : vector<16xi1>, vector<16xf32>
      %add3A_711 = arith.constant 16 : i32
      %add3A_712 = vector.broadcast %add3A_711 : i32 to vector<16xi32>
      %add3A_713 = arith.addi %iota3A, %add3A_712 : vector<16xi32>
      %eq3A_714 = arith.cmpi eq, %add3A_713, %min3A_701 : vector<16xi32>
      %select_n3A_715 = arith.select %eq3A_714, %broadcast_in_dim3A_3, %select_n3A_601 : vector<16xi1>, vector<16xf32>
      %add3A_716 = arith.constant 32 : i32
      %add3A_717 = vector.broadcast %add3A_716 : i32 to vector<16xi32>
      %add3A_718 = arith.addi %iota3A, %add3A_717 : vector<16xi32>
      %eq3A_719 = arith.cmpi eq, %add3A_718, %min3A_701 : vector<16xi32>
      %select_n3A_720 = arith.select %eq3A_719, %broadcast_in_dim3A_3, %select_n3A_606 : vector<16xi1>, vector<16xf32>
      %add3A_721 = arith.constant 48 : i32
      %add3A_722 = vector.broadcast %add3A_721 : i32 to vector<16xi32>
      %add3A_723 = arith.addi %iota3A, %add3A_722 : vector<16xi32>
      %eq3A_724 = arith.cmpi eq, %add3A_723, %min3A_701 : vector<16xi32>
      %select_n3A_725 = arith.select %eq3A_724, %broadcast_in_dim3A_3, %select_n3A_611 : vector<16xi1>, vector<16xf32>
      %max3A_726 = arith.maximumf %select_n3A_710, %select_n3A_715 : vector<16xf32>
      %max3A_727 = arith.maximumf %select_n3A_720, %select_n3A_725 : vector<16xf32>
      %max3A_728 = arith.maximumf %max3A_726, %max3A_727 : vector<16xf32>
      %xor3A_729 = arith.constant 8 : i32
      %xor3A_730 = vector.broadcast %xor3A_729 : i32 to vector<16xi32>
      %xor3A_731 = arith.xori %iota3A, %xor3A_730 : vector<16xi32>
      %reshape3A_732 = vector.shape_cast %xor3A_731 : vector<16xi32> to vector<16x1xi32>
      %gather3A_733 = vector.shape_cast %reshape3A_732 : vector<16x1xi32> to vector<16xi32>
      %gather3A_734 = tpu.dynamic_gather %max3A_728[%gather3A_733] in [0] : vector<16xf32>, vector<16xi32> -> vector<16xf32>
      %max3A_735 = arith.maximumf %max3A_728, %gather3A_734 : vector<16xf32>
      %xor3A_736 = arith.constant 4 : i32
      %xor3A_737 = vector.broadcast %xor3A_736 : i32 to vector<16xi32>
      %xor3A_738 = arith.xori %iota3A, %xor3A_737 : vector<16xi32>
      %reshape3A_739 = vector.shape_cast %xor3A_738 : vector<16xi32> to vector<16x1xi32>
      %gather3A_740 = vector.shape_cast %reshape3A_739 : vector<16x1xi32> to vector<16xi32>
      %gather3A_741 = tpu.dynamic_gather %max3A_735[%gather3A_740] in [0] : vector<16xf32>, vector<16xi32> -> vector<16xf32>
      %max3A_742 = arith.maximumf %max3A_735, %gather3A_741 : vector<16xf32>
      %xor3A_743 = arith.constant 2 : i32
      %xor3A_744 = vector.broadcast %xor3A_743 : i32 to vector<16xi32>
      %xor3A_745 = arith.xori %iota3A, %xor3A_744 : vector<16xi32>
      %reshape3A_746 = vector.shape_cast %xor3A_745 : vector<16xi32> to vector<16x1xi32>
      %gather3A_747 = vector.shape_cast %reshape3A_746 : vector<16x1xi32> to vector<16xi32>
      %gather3A_748 = tpu.dynamic_gather %max3A_742[%gather3A_747] in [0] : vector<16xf32>, vector<16xi32> -> vector<16xf32>
      %max3A_749 = arith.maximumf %max3A_742, %gather3A_748 : vector<16xf32>
      %xor3A_750 = arith.constant 1 : i32
      %xor3A_751 = vector.broadcast %xor3A_750 : i32 to vector<16xi32>
      %xor3A_752 = arith.xori %iota3A, %xor3A_751 : vector<16xi32>
      %reshape3A_753 = vector.shape_cast %xor3A_752 : vector<16xi32> to vector<16x1xi32>
      %gather3A_754 = vector.shape_cast %reshape3A_753 : vector<16x1xi32> to vector<16xi32>
      %gather3A_755 = tpu.dynamic_gather %max3A_749[%gather3A_754] in [0] : vector<16xf32>, vector<16xi32> -> vector<16xf32>
      %max3A_756 = arith.maximumf %max3A_749, %gather3A_755 : vector<16xf32>
      %eq3A_757 = arith.cmpf oeq, %select_n3A_710, %max3A_756 : vector<16xf32>
      %add3A_758 = arith.constant 0 : i32
      %add3A_759 = vector.broadcast %add3A_758 : i32 to vector<16xi32>
      %add3A_760 = arith.addi %iota3A, %add3A_759 : vector<16xi32>
      %jit3A_761 = arith.constant 64 : i32
      %broadcast_in_dim3A_762 = vector.broadcast %jit3A_761 : i32 to vector<16xi32>
      %select_n3A_763 = arith.select %eq3A_757, %add3A_760, %broadcast_in_dim3A_762 : vector<16xi1>, vector<16xi32>
      %eq3A_764 = arith.cmpf oeq, %select_n3A_715, %max3A_756 : vector<16xf32>
      %add3A_765 = arith.constant 16 : i32
      %add3A_766 = vector.broadcast %add3A_765 : i32 to vector<16xi32>
      %add3A_767 = arith.addi %iota3A, %add3A_766 : vector<16xi32>
      %jit3A_768 = arith.constant 64 : i32
      %broadcast_in_dim3A_769 = vector.broadcast %jit3A_768 : i32 to vector<16xi32>
      %select_n3A_770 = arith.select %eq3A_764, %add3A_767, %broadcast_in_dim3A_769 : vector<16xi1>, vector<16xi32>
      %eq3A_771 = arith.cmpf oeq, %select_n3A_720, %max3A_756 : vector<16xf32>
      %add3A_772 = arith.constant 32 : i32
      %add3A_773 = vector.broadcast %add3A_772 : i32 to vector<16xi32>
      %add3A_774 = arith.addi %iota3A, %add3A_773 : vector<16xi32>
      %jit3A_775 = arith.constant 64 : i32
      %broadcast_in_dim3A_776 = vector.broadcast %jit3A_775 : i32 to vector<16xi32>
      %select_n3A_777 = arith.select %eq3A_771, %add3A_774, %broadcast_in_dim3A_776 : vector<16xi1>, vector<16xi32>
      %eq3A_778 = arith.cmpf oeq, %select_n3A_725, %max3A_756 : vector<16xf32>
      %add3A_779 = arith.constant 48 : i32
      %add3A_780 = vector.broadcast %add3A_779 : i32 to vector<16xi32>
      %add3A_781 = arith.addi %iota3A, %add3A_780 : vector<16xi32>
      %jit3A_782 = arith.constant 64 : i32
      %broadcast_in_dim3A_783 = vector.broadcast %jit3A_782 : i32 to vector<16xi32>
      %select_n3A_784 = arith.select %eq3A_778, %add3A_781, %broadcast_in_dim3A_783 : vector<16xi1>, vector<16xi32>
      %min3A_785 = arith.minsi %select_n3A_763, %select_n3A_770 : vector<16xi32>
      %min3A_786 = arith.minsi %select_n3A_777, %select_n3A_784 : vector<16xi32>
      %min3A_787 = arith.minsi %min3A_785, %min3A_786 : vector<16xi32>
      %xor3A_788 = arith.constant 8 : i32
      %xor3A_789 = vector.broadcast %xor3A_788 : i32 to vector<16xi32>
      %xor3A_790 = arith.xori %iota3A, %xor3A_789 : vector<16xi32>
      %reshape3A_791 = vector.shape_cast %xor3A_790 : vector<16xi32> to vector<16x1xi32>
      %gather3A_792 = vector.shape_cast %reshape3A_791 : vector<16x1xi32> to vector<16xi32>
      %gather3A_793 = tpu.dynamic_gather %min3A_787[%gather3A_792] in [0] : vector<16xi32>, vector<16xi32> -> vector<16xi32>
      %min3A_794 = arith.minsi %min3A_787, %gather3A_793 : vector<16xi32>
      %xor3A_795 = arith.constant 4 : i32
      %xor3A_796 = vector.broadcast %xor3A_795 : i32 to vector<16xi32>
      %xor3A_797 = arith.xori %iota3A, %xor3A_796 : vector<16xi32>
      %reshape3A_798 = vector.shape_cast %xor3A_797 : vector<16xi32> to vector<16x1xi32>
      %gather3A_799 = vector.shape_cast %reshape3A_798 : vector<16x1xi32> to vector<16xi32>
      %gather3A_800 = tpu.dynamic_gather %min3A_794[%gather3A_799] in [0] : vector<16xi32>, vector<16xi32> -> vector<16xi32>
      %min3A_801 = arith.minsi %min3A_794, %gather3A_800 : vector<16xi32>
      %xor3A_802 = arith.constant 2 : i32
      %xor3A_803 = vector.broadcast %xor3A_802 : i32 to vector<16xi32>
      %xor3A_804 = arith.xori %iota3A, %xor3A_803 : vector<16xi32>
      %reshape3A_805 = vector.shape_cast %xor3A_804 : vector<16xi32> to vector<16x1xi32>
      %gather3A_806 = vector.shape_cast %reshape3A_805 : vector<16x1xi32> to vector<16xi32>
      %gather3A_807 = tpu.dynamic_gather %min3A_801[%gather3A_806] in [0] : vector<16xi32>, vector<16xi32> -> vector<16xi32>
      %min3A_808 = arith.minsi %min3A_801, %gather3A_807 : vector<16xi32>
      %xor3A_809 = arith.constant 1 : i32
      %xor3A_810 = vector.broadcast %xor3A_809 : i32 to vector<16xi32>
      %xor3A_811 = arith.xori %iota3A, %xor3A_810 : vector<16xi32>
      %reshape3A_812 = vector.shape_cast %xor3A_811 : vector<16xi32> to vector<16x1xi32>
      %gather3A_813 = vector.shape_cast %reshape3A_812 : vector<16x1xi32> to vector<16xi32>
      %gather3A_814 = tpu.dynamic_gather %min3A_808[%gather3A_813] in [0] : vector<16xi32>, vector<16xi32> -> vector<16xi32>
      %min3A_815 = arith.minsi %min3A_808, %gather3A_814 : vector<16xi32>
      %eq3A_816 = arith.constant 6 : i32
      %eq3A_817 = vector.broadcast %eq3A_816 : i32 to vector<16xi32>
      %eq3A_818 = arith.cmpi eq, %iota3A, %eq3A_817 : vector<16xi32>
      %select_n3A_819 = arith.select %eq3A_818, %min3A_815, %select_n3A_705 : vector<16xi1>, vector<16xi32>
      %add3A_820 = arith.constant 0 : i32
      %add3A_821 = vector.broadcast %add3A_820 : i32 to vector<16xi32>
      %add3A_822 = arith.addi %iota3A, %add3A_821 : vector<16xi32>
      %eq3A_823 = arith.cmpi eq, %add3A_822, %min3A_815 : vector<16xi32>
      %select_n3A_824 = arith.select %eq3A_823, %broadcast_in_dim3A_3, %select_n3A_710 : vector<16xi1>, vector<16xf32>
      %add3A_825 = arith.constant 16 : i32
      %add3A_826 = vector.broadcast %add3A_825 : i32 to vector<16xi32>
      %add3A_827 = arith.addi %iota3A, %add3A_826 : vector<16xi32>
      %eq3A_828 = arith.cmpi eq, %add3A_827, %min3A_815 : vector<16xi32>
      %select_n3A_829 = arith.select %eq3A_828, %broadcast_in_dim3A_3, %select_n3A_715 : vector<16xi1>, vector<16xf32>
      %add3A_830 = arith.constant 32 : i32
      %add3A_831 = vector.broadcast %add3A_830 : i32 to vector<16xi32>
      %add3A_832 = arith.addi %iota3A, %add3A_831 : vector<16xi32>
      %eq3A_833 = arith.cmpi eq, %add3A_832, %min3A_815 : vector<16xi32>
      %select_n3A_834 = arith.select %eq3A_833, %broadcast_in_dim3A_3, %select_n3A_720 : vector<16xi1>, vector<16xf32>
      %add3A_835 = arith.constant 48 : i32
      %add3A_836 = vector.broadcast %add3A_835 : i32 to vector<16xi32>
      %add3A_837 = arith.addi %iota3A, %add3A_836 : vector<16xi32>
      %eq3A_838 = arith.cmpi eq, %add3A_837, %min3A_815 : vector<16xi32>
      %select_n3A_839 = arith.select %eq3A_838, %broadcast_in_dim3A_3, %select_n3A_725 : vector<16xi1>, vector<16xf32>
      %max3A_840 = arith.maximumf %select_n3A_824, %select_n3A_829 : vector<16xf32>
      %max3A_841 = arith.maximumf %select_n3A_834, %select_n3A_839 : vector<16xf32>
      %max3A_842 = arith.maximumf %max3A_840, %max3A_841 : vector<16xf32>
      %xor3A_843 = arith.constant 8 : i32
      %xor3A_844 = vector.broadcast %xor3A_843 : i32 to vector<16xi32>
      %xor3A_845 = arith.xori %iota3A, %xor3A_844 : vector<16xi32>
      %reshape3A_846 = vector.shape_cast %xor3A_845 : vector<16xi32> to vector<16x1xi32>
      %gather3A_847 = vector.shape_cast %reshape3A_846 : vector<16x1xi32> to vector<16xi32>
      %gather3A_848 = tpu.dynamic_gather %max3A_842[%gather3A_847] in [0] : vector<16xf32>, vector<16xi32> -> vector<16xf32>
      %max3A_849 = arith.maximumf %max3A_842, %gather3A_848 : vector<16xf32>
      %xor3A_850 = arith.constant 4 : i32
      %xor3A_851 = vector.broadcast %xor3A_850 : i32 to vector<16xi32>
      %xor3A_852 = arith.xori %iota3A, %xor3A_851 : vector<16xi32>
      %reshape3A_853 = vector.shape_cast %xor3A_852 : vector<16xi32> to vector<16x1xi32>
      %gather3A_854 = vector.shape_cast %reshape3A_853 : vector<16x1xi32> to vector<16xi32>
      %gather3A_855 = tpu.dynamic_gather %max3A_849[%gather3A_854] in [0] : vector<16xf32>, vector<16xi32> -> vector<16xf32>
      %max3A_856 = arith.maximumf %max3A_849, %gather3A_855 : vector<16xf32>
      %xor3A_857 = arith.constant 2 : i32
      %xor3A_858 = vector.broadcast %xor3A_857 : i32 to vector<16xi32>
      %xor3A_859 = arith.xori %iota3A, %xor3A_858 : vector<16xi32>
      %reshape3A_860 = vector.shape_cast %xor3A_859 : vector<16xi32> to vector<16x1xi32>
      %gather3A_861 = vector.shape_cast %reshape3A_860 : vector<16x1xi32> to vector<16xi32>
      %gather3A_862 = tpu.dynamic_gather %max3A_856[%gather3A_861] in [0] : vector<16xf32>, vector<16xi32> -> vector<16xf32>
      %max3A_863 = arith.maximumf %max3A_856, %gather3A_862 : vector<16xf32>
      %xor3A_864 = arith.constant 1 : i32
      %xor3A_865 = vector.broadcast %xor3A_864 : i32 to vector<16xi32>
      %xor3A_866 = arith.xori %iota3A, %xor3A_865 : vector<16xi32>
      %reshape3A_867 = vector.shape_cast %xor3A_866 : vector<16xi32> to vector<16x1xi32>
      %gather3A_868 = vector.shape_cast %reshape3A_867 : vector<16x1xi32> to vector<16xi32>
      %gather3A_869 = tpu.dynamic_gather %max3A_863[%gather3A_868] in [0] : vector<16xf32>, vector<16xi32> -> vector<16xf32>
      %max3A_870 = arith.maximumf %max3A_863, %gather3A_869 : vector<16xf32>
      %eq3A_871 = arith.cmpf oeq, %select_n3A_824, %max3A_870 : vector<16xf32>
      %add3A_872 = arith.constant 0 : i32
      %add3A_873 = vector.broadcast %add3A_872 : i32 to vector<16xi32>
      %add3A_874 = arith.addi %iota3A, %add3A_873 : vector<16xi32>
      %jit3A_875 = arith.constant 64 : i32
      %broadcast_in_dim3A_876 = vector.broadcast %jit3A_875 : i32 to vector<16xi32>
      %select_n3A_877 = arith.select %eq3A_871, %add3A_874, %broadcast_in_dim3A_876 : vector<16xi1>, vector<16xi32>
      %eq3A_878 = arith.cmpf oeq, %select_n3A_829, %max3A_870 : vector<16xf32>
      %add3A_879 = arith.constant 16 : i32
      %add3A_880 = vector.broadcast %add3A_879 : i32 to vector<16xi32>
      %add3A_881 = arith.addi %iota3A, %add3A_880 : vector<16xi32>
      %jit3A_882 = arith.constant 64 : i32
      %broadcast_in_dim3A_883 = vector.broadcast %jit3A_882 : i32 to vector<16xi32>
      %select_n3A_884 = arith.select %eq3A_878, %add3A_881, %broadcast_in_dim3A_883 : vector<16xi1>, vector<16xi32>
      %eq3A_885 = arith.cmpf oeq, %select_n3A_834, %max3A_870 : vector<16xf32>
      %add3A_886 = arith.constant 32 : i32
      %add3A_887 = vector.broadcast %add3A_886 : i32 to vector<16xi32>
      %add3A_888 = arith.addi %iota3A, %add3A_887 : vector<16xi32>
      %jit3A_889 = arith.constant 64 : i32
      %broadcast_in_dim3A_890 = vector.broadcast %jit3A_889 : i32 to vector<16xi32>
      %select_n3A_891 = arith.select %eq3A_885, %add3A_888, %broadcast_in_dim3A_890 : vector<16xi1>, vector<16xi32>
      %eq3A_892 = arith.cmpf oeq, %select_n3A_839, %max3A_870 : vector<16xf32>
      %add3A_893 = arith.constant 48 : i32
      %add3A_894 = vector.broadcast %add3A_893 : i32 to vector<16xi32>
      %add3A_895 = arith.addi %iota3A, %add3A_894 : vector<16xi32>
      %jit3A_896 = arith.constant 64 : i32
      %broadcast_in_dim3A_897 = vector.broadcast %jit3A_896 : i32 to vector<16xi32>
      %select_n3A_898 = arith.select %eq3A_892, %add3A_895, %broadcast_in_dim3A_897 : vector<16xi1>, vector<16xi32>
      %min3A_899 = arith.minsi %select_n3A_877, %select_n3A_884 : vector<16xi32>
      %min3A_900 = arith.minsi %select_n3A_891, %select_n3A_898 : vector<16xi32>
      %min3A_901 = arith.minsi %min3A_899, %min3A_900 : vector<16xi32>
      %xor3A_902 = arith.constant 8 : i32
      %xor3A_903 = vector.broadcast %xor3A_902 : i32 to vector<16xi32>
      %xor3A_904 = arith.xori %iota3A, %xor3A_903 : vector<16xi32>
      %reshape3A_905 = vector.shape_cast %xor3A_904 : vector<16xi32> to vector<16x1xi32>
      %gather3A_906 = vector.shape_cast %reshape3A_905 : vector<16x1xi32> to vector<16xi32>
      %gather3A_907 = tpu.dynamic_gather %min3A_901[%gather3A_906] in [0] : vector<16xi32>, vector<16xi32> -> vector<16xi32>
      %min3A_908 = arith.minsi %min3A_901, %gather3A_907 : vector<16xi32>
      %xor3A_909 = arith.constant 4 : i32
      %xor3A_910 = vector.broadcast %xor3A_909 : i32 to vector<16xi32>
      %xor3A_911 = arith.xori %iota3A, %xor3A_910 : vector<16xi32>
      %reshape3A_912 = vector.shape_cast %xor3A_911 : vector<16xi32> to vector<16x1xi32>
      %gather3A_913 = vector.shape_cast %reshape3A_912 : vector<16x1xi32> to vector<16xi32>
      %gather3A_914 = tpu.dynamic_gather %min3A_908[%gather3A_913] in [0] : vector<16xi32>, vector<16xi32> -> vector<16xi32>
      %min3A_915 = arith.minsi %min3A_908, %gather3A_914 : vector<16xi32>
      %xor3A_916 = arith.constant 2 : i32
      %xor3A_917 = vector.broadcast %xor3A_916 : i32 to vector<16xi32>
      %xor3A_918 = arith.xori %iota3A, %xor3A_917 : vector<16xi32>
      %reshape3A_919 = vector.shape_cast %xor3A_918 : vector<16xi32> to vector<16x1xi32>
      %gather3A_920 = vector.shape_cast %reshape3A_919 : vector<16x1xi32> to vector<16xi32>
      %gather3A_921 = tpu.dynamic_gather %min3A_915[%gather3A_920] in [0] : vector<16xi32>, vector<16xi32> -> vector<16xi32>
      %min3A_922 = arith.minsi %min3A_915, %gather3A_921 : vector<16xi32>
      %xor3A_923 = arith.constant 1 : i32
      %xor3A_924 = vector.broadcast %xor3A_923 : i32 to vector<16xi32>
      %xor3A_925 = arith.xori %iota3A, %xor3A_924 : vector<16xi32>
      %reshape3A_926 = vector.shape_cast %xor3A_925 : vector<16xi32> to vector<16x1xi32>
      %gather3A_927 = vector.shape_cast %reshape3A_926 : vector<16x1xi32> to vector<16xi32>
      %gather3A_928 = tpu.dynamic_gather %min3A_922[%gather3A_927] in [0] : vector<16xi32>, vector<16xi32> -> vector<16xi32>
      %min3A_929 = arith.minsi %min3A_922, %gather3A_928 : vector<16xi32>
      %eq3A_930 = arith.constant 7 : i32
      %eq3A_931 = vector.broadcast %eq3A_930 : i32 to vector<16xi32>
      %eq3A_932 = arith.cmpi eq, %iota3A, %eq3A_931 : vector<16xi32>
      %select_n3A_933 = arith.select %eq3A_932, %min3A_929, %select_n3A_819 : vector<16xi1>, vector<16xi32>
      %add3A_934 = arith.constant 0 : i32
      %add3A_935 = vector.broadcast %add3A_934 : i32 to vector<16xi32>
      %add3A_936 = arith.addi %iota3A, %add3A_935 : vector<16xi32>
      %eq3A_937 = arith.cmpi eq, %add3A_936, %min3A_929 : vector<16xi32>
      %select_n3A_938 = arith.select %eq3A_937, %broadcast_in_dim3A_3, %select_n3A_824 : vector<16xi1>, vector<16xf32>
      %add3A_939 = arith.constant 16 : i32
      %add3A_940 = vector.broadcast %add3A_939 : i32 to vector<16xi32>
      %add3A_941 = arith.addi %iota3A, %add3A_940 : vector<16xi32>
      %eq3A_942 = arith.cmpi eq, %add3A_941, %min3A_929 : vector<16xi32>
      %select_n3A_943 = arith.select %eq3A_942, %broadcast_in_dim3A_3, %select_n3A_829 : vector<16xi1>, vector<16xf32>
      %add3A_944 = arith.constant 32 : i32
      %add3A_945 = vector.broadcast %add3A_944 : i32 to vector<16xi32>
      %add3A_946 = arith.addi %iota3A, %add3A_945 : vector<16xi32>
      %eq3A_947 = arith.cmpi eq, %add3A_946, %min3A_929 : vector<16xi32>
      %select_n3A_948 = arith.select %eq3A_947, %broadcast_in_dim3A_3, %select_n3A_834 : vector<16xi1>, vector<16xf32>
      %add3A_949 = arith.constant 48 : i32
      %add3A_950 = vector.broadcast %add3A_949 : i32 to vector<16xi32>
      %add3A_951 = arith.addi %iota3A, %add3A_950 : vector<16xi32>
      %eq3A_952 = arith.cmpi eq, %add3A_951, %min3A_929 : vector<16xi32>
      %select_n3A_953 = arith.select %eq3A_952, %broadcast_in_dim3A_3, %select_n3A_839 : vector<16xi1>, vector<16xf32>
      %eq3A_954 = arith.cmpf oeq, %select_n3A_938, %broadcast_in_dim3A_3 : vector<16xf32>
      %sub3A = arith.subf %get3A_33, %max3A_76 : vector<16xf32>
      %exp3A = math.exp %sub3A : vector<16xf32>
      %broadcast_in_dim3A_955 = arith.constant 0.000000e+00 : f32
      %broadcast_in_dim3A_956 = vector.broadcast %broadcast_in_dim3A_955 : f32 to vector<16xf32>
      %select_n3A_957 = arith.select %eq3A_954, %exp3A, %broadcast_in_dim3A_956 : vector<16xi1>, vector<16xf32>
      %eq3A_958 = arith.cmpf oeq, %select_n3A_943, %broadcast_in_dim3A_3 : vector<16xf32>
      %sub3A_959 = arith.subf %get3A_37, %max3A_76 : vector<16xf32>
      %exp3A_960 = math.exp %sub3A_959 : vector<16xf32>
      %broadcast_in_dim3A_961 = arith.constant 0.000000e+00 : f32
      %broadcast_in_dim3A_962 = vector.broadcast %broadcast_in_dim3A_961 : f32 to vector<16xf32>
      %select_n3A_963 = arith.select %eq3A_958, %exp3A_960, %broadcast_in_dim3A_962 : vector<16xi1>, vector<16xf32>
      %eq3A_964 = arith.cmpf oeq, %select_n3A_948, %broadcast_in_dim3A_3 : vector<16xf32>
      %sub3A_965 = arith.subf %get3A_41, %max3A_76 : vector<16xf32>
      %exp3A_966 = math.exp %sub3A_965 : vector<16xf32>
      %broadcast_in_dim3A_967 = arith.constant 0.000000e+00 : f32
      %broadcast_in_dim3A_968 = vector.broadcast %broadcast_in_dim3A_967 : f32 to vector<16xf32>
      %select_n3A_969 = arith.select %eq3A_964, %exp3A_966, %broadcast_in_dim3A_968 : vector<16xi1>, vector<16xf32>
      %eq3A_970 = arith.cmpf oeq, %select_n3A_953, %broadcast_in_dim3A_3 : vector<16xf32>
      %sub3A_971 = arith.subf %get3A_45, %max3A_76 : vector<16xf32>
      %exp3A_972 = math.exp %sub3A_971 : vector<16xf32>
      %broadcast_in_dim3A_973 = arith.constant 0.000000e+00 : f32
      %broadcast_in_dim3A_974 = vector.broadcast %broadcast_in_dim3A_973 : f32 to vector<16xf32>
      %select_n3A_975 = arith.select %eq3A_970, %exp3A_972, %broadcast_in_dim3A_974 : vector<16xi1>, vector<16xf32>
      %add3A_976 = arith.addf %select_n3A_957, %select_n3A_963 : vector<16xf32>
      %add3A_977 = arith.addf %select_n3A_969, %select_n3A_975 : vector<16xf32>
      %add3A_978 = arith.addf %add3A_976, %add3A_977 : vector<16xf32>
      %xor3A_979 = arith.constant 8 : i32
      %xor3A_980 = vector.broadcast %xor3A_979 : i32 to vector<16xi32>
      %xor3A_981 = arith.xori %iota3A, %xor3A_980 : vector<16xi32>
      %reshape3A_982 = vector.shape_cast %xor3A_981 : vector<16xi32> to vector<16x1xi32>
      %gather3A_983 = vector.shape_cast %reshape3A_982 : vector<16x1xi32> to vector<16xi32>
      %gather3A_984 = tpu.dynamic_gather %add3A_978[%gather3A_983] in [0] : vector<16xf32>, vector<16xi32> -> vector<16xf32>
      %add3A_985 = arith.addf %add3A_978, %gather3A_984 : vector<16xf32>
      %xor3A_986 = arith.constant 4 : i32
      %xor3A_987 = vector.broadcast %xor3A_986 : i32 to vector<16xi32>
      %xor3A_988 = arith.xori %iota3A, %xor3A_987 : vector<16xi32>
      %reshape3A_989 = vector.shape_cast %xor3A_988 : vector<16xi32> to vector<16x1xi32>
      %gather3A_990 = vector.shape_cast %reshape3A_989 : vector<16x1xi32> to vector<16xi32>
      %gather3A_991 = tpu.dynamic_gather %add3A_985[%gather3A_990] in [0] : vector<16xf32>, vector<16xi32> -> vector<16xf32>
      %add3A_992 = arith.addf %add3A_985, %gather3A_991 : vector<16xf32>
      %xor3A_993 = arith.constant 2 : i32
      %xor3A_994 = vector.broadcast %xor3A_993 : i32 to vector<16xi32>
      %xor3A_995 = arith.xori %iota3A, %xor3A_994 : vector<16xi32>
      %reshape3A_996 = vector.shape_cast %xor3A_995 : vector<16xi32> to vector<16x1xi32>
      %gather3A_997 = vector.shape_cast %reshape3A_996 : vector<16x1xi32> to vector<16xi32>
      %gather3A_998 = tpu.dynamic_gather %add3A_992[%gather3A_997] in [0] : vector<16xf32>, vector<16xi32> -> vector<16xf32>
      %add3A_999 = arith.addf %add3A_992, %gather3A_998 : vector<16xf32>
      %xor3A_1000 = arith.constant 1 : i32
      %xor3A_1001 = vector.broadcast %xor3A_1000 : i32 to vector<16xi32>
      %xor3A_1002 = arith.xori %iota3A, %xor3A_1001 : vector<16xi32>
      %reshape3A_1003 = vector.shape_cast %xor3A_1002 : vector<16xi32> to vector<16x1xi32>
      %gather3A_1004 = vector.shape_cast %reshape3A_1003 : vector<16x1xi32> to vector<16xi32>
      %gather3A_1005 = tpu.dynamic_gather %add3A_999[%gather3A_1004] in [0] : vector<16xf32>, vector<16xi32> -> vector<16xf32>
      %add3A_1006 = arith.addf %add3A_999, %gather3A_1005 : vector<16xf32>
      %swap3A_1007 = arith.index_cast %scan3A_26 : i32 to index
      %swap3A_1008 = arith.constant 0 : index
      %swap3A_1009 = tpu.vector_load %arg7[%swap3A_1007, %swap3A_1008] {strides = array<i32>} : memref<32x16xi32, #tpu.memory_space<vmem>>, vector<1x16xi32>,
      %swap3A_1010 = vector.shape_cast %swap3A_1009 : vector<1x16xi32> to vector<16xi32>
      %swap3A_1011 = vector.shape_cast %select_n3A_933 : vector<16xi32> to vector<1x16xi32>
      tpu.vector_store %arg7[%swap3A_1007, %swap3A_1008], %swap3A_1011 {strides = array<i32>} : memref<32x16xi32, #tpu.memory_space<vmem>>, vector<1x16xi32>,
      %div3A = arith.divf %select_n3A_957, %add3A_1006 : vector<16xf32>
      %swap3A_1012 = arith.index_cast %scan3A_26 : i32 to index
      %swap3A_1013 = arith.constant 0 : index
      %swap3A_1014 = tpu.vector_load %arg8[%swap3A_1012, %swap3A_1013] {strides = array<i32>} : memref<32x64xf32, #tpu.memory_space<vmem>>, vector<1x16xf32>,
      %swap3A_1015 = vector.shape_cast %swap3A_1014 : vector<1x16xf32> to vector<16xf32>
      %swap3A_1016 = vector.shape_cast %div3A : vector<16xf32> to vector<1x16xf32>
      tpu.vector_store %arg8[%swap3A_1012, %swap3A_1013], %swap3A_1016 {strides = array<i32>} : memref<32x64xf32, #tpu.memory_space<vmem>>, vector<1x16xf32>,
      %add3A_1017 = arith.addf %scan3A_27, %div3A : vector<16xf32>
      %div3A_1018 = arith.divf %select_n3A_963, %add3A_1006 : vector<16xf32>
      %swap3A_1019 = arith.index_cast %scan3A_26 : i32 to index
      %swap3A_1020 = arith.constant 16 : index
      %swap3A_1021 = tpu.vector_load %arg8[%swap3A_1019, %swap3A_1020] {strides = array<i32>} : memref<32x64xf32, #tpu.memory_space<vmem>>, vector<1x16xf32>,
      %swap3A_1022 = vector.shape_cast %swap3A_1021 : vector<1x16xf32> to vector<16xf32>
      %swap3A_1023 = vector.shape_cast %div3A_1018 : vector<16xf32> to vector<1x16xf32>
      tpu.vector_store %arg8[%swap3A_1019, %swap3A_1020], %swap3A_1023 {strides = array<i32>} : memref<32x64xf32, #tpu.memory_space<vmem>>, vector<1x16xf32>,
      %add3A_1024 = arith.addf %scan3A_28, %div3A_1018 : vector<16xf32>
      %div3A_1025 = arith.divf %select_n3A_969, %add3A_1006 : vector<16xf32>
      %swap3A_1026 = arith.index_cast %scan3A_26 : i32 to index
      %swap3A_1027 = arith.constant 32 : index
      %swap3A_1028 = tpu.vector_load %arg8[%swap3A_1026, %swap3A_1027] {strides = array<i32>} : memref<32x64xf32, #tpu.memory_space<vmem>>, vector<1x16xf32>,
      %swap3A_1029 = vector.shape_cast %swap3A_1028 : vector<1x16xf32> to vector<16xf32>
      %swap3A_1030 = vector.shape_cast %div3A_1025 : vector<16xf32> to vector<1x16xf32>
      tpu.vector_store %arg8[%swap3A_1026, %swap3A_1027], %swap3A_1030 {strides = array<i32>} : memref<32x64xf32, #tpu.memory_space<vmem>>, vector<1x16xf32>,
      %add3A_1031 = arith.addf %scan3A_29, %div3A_1025 : vector<16xf32>
      %div3A_1032 = arith.divf %select_n3A_975, %add3A_1006 : vector<16xf32>
      %swap3A_1033 = arith.index_cast %scan3A_26 : i32 to index
      %swap3A_1034 = arith.constant 48 : index
      %swap3A_1035 = tpu.vector_load %arg8[%swap3A_1033, %swap3A_1034] {strides = array<i32>} : memref<32x64xf32, #tpu.memory_space<vmem>>, vector<1x16xf32>,
      %swap3A_1036 = vector.shape_cast %swap3A_1035 : vector<1x16xf32> to vector<16xf32>
      %swap3A_1037 = vector.shape_cast %div3A_1032 : vector<16xf32> to vector<1x16xf32>
      tpu.vector_store %arg8[%swap3A_1033, %swap3A_1034], %swap3A_1037 {strides = array<i32>} : memref<32x64xf32, #tpu.memory_space<vmem>>, vector<1x16xf32>,
      %add3A_1038 = arith.addf %scan3A_30, %div3A_1032 : vector<16xf32>
      scf.yield %add3A_1017, %add3A_1024, %add3A_1031, %add3A_1038 : vector<16xf32>, vector<16xf32>, vector<16xf32>, vector<16xf32>
    }
    %scan3A_10 = arith.constant 32 : i32
    %swap3A = arith.constant 0 : index
    %swap3A_11 = tpu.vector_load %arg9[%swap3A] {strides = array<i32>} : memref<64xf32, #tpu.memory_space<vmem>>, vector<16xf32>,
    %swap3A_12 = vector.shape_cast %swap3A_11 : vector<16xf32> to vector<16xf32>
    %swap3A_13 = vector.shape_cast %scan3A_9#0 : vector<16xf32> to vector<16xf32>
    tpu.vector_store %arg9[%swap3A], %swap3A_13 {strides = array<i32>} : memref<64xf32, #tpu.memory_space<vmem>>, vector<16xf32>,
    %swap3A_14 = arith.constant 16 : index
    %swap3A_15 = tpu.vector_load %arg9[%swap3A_14] {strides = array<i32>} : memref<64xf32, #tpu.memory_space<vmem>>, vector<16xf32>,
    %swap3A_16 = vector.shape_cast %swap3A_15 : vector<16xf32> to vector<16xf32>
    %swap3A_17 = vector.shape_cast %scan3A_9#1 : vector<16xf32> to vector<16xf32>
    tpu.vector_store %arg9[%swap3A_14], %swap3A_17 {strides = array<i32>} : memref<64xf32, #tpu.memory_space<vmem>>, vector<16xf32>,
    %swap3A_18 = arith.constant 32 : index
    %swap3A_19 = tpu.vector_load %arg9[%swap3A_18] {strides = array<i32>} : memref<64xf32, #tpu.memory_space<vmem>>, vector<16xf32>,
    %swap3A_20 = vector.shape_cast %swap3A_19 : vector<16xf32> to vector<16xf32>
    %swap3A_21 = vector.shape_cast %scan3A_9#2 : vector<16xf32> to vector<16xf32>
    tpu.vector_store %arg9[%swap3A_18], %swap3A_21 {strides = array<i32>} : memref<64xf32, #tpu.memory_space<vmem>>, vector<16xf32>,
    %swap3A_22 = arith.constant 48 : index
    %swap3A_23 = tpu.vector_load %arg9[%swap3A_22] {strides = array<i32>} : memref<64xf32, #tpu.memory_space<vmem>>, vector<16xf32>,
    %swap3A_24 = vector.shape_cast %swap3A_23 : vector<16xf32> to vector<16xf32>
    %swap3A_25 = vector.shape_cast %scan3A_9#3 : vector<16xf32> to vector<16xf32>
    tpu.vector_store %arg9[%swap3A_22], %swap3A_25 {strides = array<i32>} : memref<64xf32, #tpu.memory_space<vmem>>, vector<16xf32>,
    "tpu.region"() ({
      %run_scoped3A = tpu.sem_alloc : memref<!tpu.dma_semaphore, #tpu.memory_space<semaphore_mem>>
      %dma_start3A = arith.constant 0 : i32
      %dma_start3A_26 = tpu.memref_slice %arg3[%mul3A_2, %dma_start3A] : memref<1024x16xi32, #tpu.memory_space<hbm>> -> memref<32x16xi32, #tpu.memory_space<hbm>>
      %dma_start3A_27 = arith.constant 0 : i32
      %dma_start3A_28 = tpu.memref_slice %arg3[%mul3A_2, %dma_start3A_27] : memref<1024x16xi32, #tpu.memory_space<hbm>> -> memref<32x16xi32, #tpu.memory_space<hbm>>
      tpu.enqueue_dma source(%arg7 : memref<32x16xi32, #tpu.memory_space<vmem>>) target(%dma_start3A_28 : memref<32x16xi32, #tpu.memory_space<hbm>>) target_semaphore(%run_scoped3A : memref<!tpu.dma_semaphore, #tpu.memory_space<semaphore_mem>>)
      %dma_wait3A = arith.constant 0 : i32
      %dma_wait3A_29 = tpu.memref_slice %arg3[%mul3A_2, %dma_wait3A] : memref<1024x16xi32, #tpu.memory_space<hbm>> -> memref<32x16xi32, #tpu.memory_space<hbm>>
      %dma_wait3A_30 = arith.constant 0 : i32
      %dma_wait3A_31 = tpu.memref_slice %arg3[%mul3A_2, %dma_wait3A_30] : memref<1024x16xi32, #tpu.memory_space<hbm>> -> memref<32x16xi32, #tpu.memory_space<hbm>>
      tpu.wait_dma2 semaphore(%run_scoped3A : memref<!tpu.dma_semaphore, #tpu.memory_space<semaphore_mem>>) src(%arg7 : memref<32x16xi32, #tpu.memory_space<vmem>>) dst(%dma_wait3A_31 : memref<32x16xi32, #tpu.memory_space<hbm>>)
      tpu.yield
    }) : () -> ()
    "tpu.region"() ({
      %run_scoped3A = tpu.sem_alloc : memref<!tpu.dma_semaphore, #tpu.memory_space<semaphore_mem>>
      %dma_start3A = arith.constant 0 : i32
      %dma_start3A_26 = tpu.memref_slice %arg4[%mul3A_2, %dma_start3A] : memref<1024x64xf32, #tpu.memory_space<hbm>> -> memref<32x64xf32, #tpu.memory_space<hbm>>
      %dma_start3A_27 = arith.constant 0 : i32
      %dma_start3A_28 = tpu.memref_slice %arg4[%mul3A_2, %dma_start3A_27] : memref<1024x64xf32, #tpu.memory_space<hbm>> -> memref<32x64xf32, #tpu.memory_space<hbm>>
      tpu.enqueue_dma source(%arg8 : memref<32x64xf32, #tpu.memory_space<vmem>>) target(%dma_start3A_28 : memref<32x64xf32, #tpu.memory_space<hbm>>) target_semaphore(%run_scoped3A : memref<!tpu.dma_semaphore, #tpu.memory_space<semaphore_mem>>)
      %dma_wait3A = arith.constant 0 : i32
      %dma_wait3A_29 = tpu.memref_slice %arg4[%mul3A_2, %dma_wait3A] : memref<1024x64xf32, #tpu.memory_space<hbm>> -> memref<32x64xf32, #tpu.memory_space<hbm>>
      %dma_wait3A_30 = arith.constant 0 : i32
      %dma_wait3A_31 = tpu.memref_slice %arg4[%mul3A_2, %dma_wait3A_30] : memref<1024x64xf32, #tpu.memory_space<hbm>> -> memref<32x64xf32, #tpu.memory_space<hbm>>
      tpu.wait_dma2 semaphore(%run_scoped3A : memref<!tpu.dma_semaphore, #tpu.memory_space<semaphore_mem>>) src(%arg8 : memref<32x64xf32, #tpu.memory_space<vmem>>) dst(%dma_wait3A_31 : memref<32x64xf32, #tpu.memory_space<hbm>>)
      tpu.yield
    }) : () -> ()
    "tpu.region"() ({
      %run_scoped3A = tpu.sem_alloc : memref<!tpu.dma_semaphore, #tpu.memory_space<semaphore_mem>>
      %dma_start3A = arith.constant 0 : i32
      %dma_start3A_26 = tpu.memref_slice %arg5[%add3A, %dma_start3A] : memref<32x64xf32, #tpu.memory_space<hbm>> -> memref<1x64xf32, #tpu.memory_space<hbm>>
      %dma_start3A_27 = tpu.memref_squeeze %dma_start3A_26 : memref<1x64xf32, #tpu.memory_space<hbm>> -> memref<64xf32, #tpu.memory_space<hbm>>
      %dma_start3A_28 = arith.constant 0 : i32
      %dma_start3A_29 = tpu.memref_slice %arg5[%add3A, %dma_start3A_28] : memref<32x64xf32, #tpu.memory_space<hbm>> -> memref<1x64xf32, #tpu.memory_space<hbm>>
      %dma_start3A_30 = tpu.memref_squeeze %dma_start3A_29 : memref<1x64xf32, #tpu.memory_space<hbm>> -> memref<64xf32, #tpu.memory_space<hbm>>
      tpu.enqueue_dma source(%arg9 : memref<64xf32, #tpu.memory_space<vmem>>) target(%dma_start3A_30 : memref<64xf32, #tpu.memory_space<hbm>>) target_semaphore(%run_scoped3A : memref<!tpu.dma_semaphore, #tpu.memory_space<semaphore_mem>>)
      %dma_wait3A = arith.constant 0 : i32
      %dma_wait3A_31 = tpu.memref_slice %arg5[%add3A, %dma_wait3A] : memref<32x64xf32, #tpu.memory_space<hbm>> -> memref<1x64xf32, #tpu.memory_space<hbm>>
      %dma_wait3A_32 = tpu.memref_squeeze %dma_wait3A_31 : memref<1x64xf32, #tpu.memory_space<hbm>> -> memref<64xf32, #tpu.memory_space<hbm>>
      %dma_wait3A_33 = arith.constant 0 : i32
      %dma_wait3A_34 = tpu.memref_slice %arg5[%add3A, %dma_wait3A_33] : memref<32x64xf32, #tpu.memory_space<hbm>> -> memref<1x64xf32, #tpu.memory_space<hbm>>
      %dma_wait3A_35 = tpu.memref_squeeze %dma_wait3A_34 : memref<1x64xf32, #tpu.memory_space<hbm>> -> memref<64xf32, #tpu.memory_space<hbm>>
      tpu.wait_dma2 semaphore(%run_scoped3A : memref<!tpu.dma_semaphore, #tpu.memory_space<semaphore_mem>>) src(%arg9 : memref<64xf32, #tpu.memory_space<vmem>>) dst(%dma_wait3A_35 : memref<64xf32, #tpu.memory_space<hbm>>)
      tpu.yield
    }) : () -> ()
    return
  }
}

module attributes {stable_mosaic.version = 14 : i64} {
  func.func @_body(%arg0: i32, %arg1: i32, %arg2: memref<1x1024x384xf32, #tpu.memory_space<vmem>>, %arg3: memref<1x1024x384xf32, #tpu.memory_space<vmem>>, %arg4: memref<1x1024x384xf32, #tpu.memory_space<vmem>>, %arg5: memref<1x1024x384xf32, #tpu.memory_space<vmem>>, %arg6: memref<1x1024x384xf32, #tpu.memory_space<vmem>>, %arg7: memref<1x1024x384xf32, #tpu.memory_space<vmem>>, %arg8: memref<1x1024x384xf32, #tpu.memory_space<vmem>>, %arg9: memref<1024x64xf32, #tpu.memory_space<vmem>>, %arg10: memref<1024x768xf32, #tpu.memory_space<vmem>>, %arg11: memref<1x1024xf32, #tpu.memory_space<vmem>>, %arg12: memref<1024x1024xf32, #tpu.memory_space<vmem>>, %arg13: memref<1x1024xf32, #tpu.memory_space<vmem>>, %arg14: memref<512x1024xf32, #tpu.memory_space<vmem>>, %arg15: memref<1x512xf32, #tpu.memory_space<vmem>>, %arg16: memref<512x512xf32, #tpu.memory_space<vmem>>, %arg17: memref<1x512xf32, #tpu.memory_space<vmem>>, %arg18: memref<64x512xf32, #tpu.memory_space<vmem>>, %arg19: memref<1x64xf32, #tpu.memory_space<vmem>>, %arg20: memref<1000x512xf32, #tpu.memory_space<vmem>>, %arg21: memref<1x1000xf32, #tpu.memory_space<vmem>>, %arg22: memref<1024x64xf32, #tpu.memory_space<vmem>>, %arg23: memref<1024x1000xf32, #tpu.memory_space<vmem>>, %arg24: memref<1x1xf32, #tpu.memory_space<vmem>>, %arg25: memref<1024x768xf32, #tpu.memory_space<vmem>>) attributes {dimension_semantics = [#tpu.dimension_semantics<arbitrary>, #tpu.dimension_semantics<arbitrary>], iteration_bounds = array<i64: 8, 2>, scalar_prefetch = 0 : i64, scratch_operands = 1 : i64, tpu.core_type = #tpu.core_type<tc>, window_params = [{transform_indices = @transform_0, window_bounds = array<i64: 1, 1024, 384>}, {transform_indices = @transform_1, window_bounds = array<i64: 1, 1024, 384>}, {transform_indices = @transform_2, window_bounds = array<i64: 1, 1024, 384>}, {transform_indices = @transform_3, window_bounds = array<i64: 1, 1024, 384>}, {transform_indices = @transform_4, window_bounds = array<i64: 1, 1024, 384>}, {transform_indices = @transform_5, window_bounds = array<i64: 1, 1024, 384>}, {transform_indices = @transform_6, window_bounds = array<i64: 1, 1024, 384>}, {pipeline_mode = #tpu.pipeline_mode<synchronous>, transform_indices = @transform_7, window_bounds = array<i64: 1024, 64>}, {pipeline_mode = #tpu.pipeline_mode<synchronous>, transform_indices = @transform_8, window_bounds = array<i64: 1024, 768>}, {pipeline_mode = #tpu.pipeline_mode<synchronous>, transform_indices = @transform_9, window_bounds = array<i64: 1, 1024>}, {pipeline_mode = #tpu.pipeline_mode<synchronous>, transform_indices = @transform_10, window_bounds = array<i64: 1024, 1024>}, {pipeline_mode = #tpu.pipeline_mode<synchronous>, transform_indices = @transform_11, window_bounds = array<i64: 1, 1024>}, {pipeline_mode = #tpu.pipeline_mode<synchronous>, transform_indices = @transform_12, window_bounds = array<i64: 512, 1024>}, {pipeline_mode = #tpu.pipeline_mode<synchronous>, transform_indices = @transform_13, window_bounds = array<i64: 1, 512>}, {pipeline_mode = #tpu.pipeline_mode<synchronous>, transform_indices = @transform_14, window_bounds = array<i64: 512, 512>}, {pipeline_mode = #tpu.pipeline_mode<synchronous>, transform_indices = @transform_15, window_bounds = array<i64: 1, 512>}, {pipeline_mode = #tpu.pipeline_mode<synchronous>, transform_indices = @transform_16, window_bounds = array<i64: 64, 512>}, {pipeline_mode = #tpu.pipeline_mode<synchronous>, transform_indices = @transform_17, window_bounds = array<i64: 1, 64>}, {pipeline_mode = #tpu.pipeline_mode<synchronous>, transform_indices = @transform_18, window_bounds = array<i64: 1000, 512>}, {pipeline_mode = #tpu.pipeline_mode<synchronous>, transform_indices = @transform_19, window_bounds = array<i64: 1, 1000>}, {pipeline_mode = #tpu.pipeline_mode<synchronous>, transform_indices = @transform_20, window_bounds = array<i64: 1024, 64>}, {pipeline_mode = #tpu.pipeline_mode<synchronous>, transform_indices = @transform_21, window_bounds = array<i64: 1024, 1000>}, {pipeline_mode = #tpu.pipeline_mode<synchronous>, transform_indices = @transform_22, window_bounds = array<i64: 1, 1>}]} {
    %mul3A = arith.constant 384 : i32
    %mul3A_0 = arith.muli %arg1, %mul3A : i32
    %eq3A = arith.constant 0 : i32
    %eq3A_1 = arith.cmpi eq, %arg0, %eq3A : i32
    %convert_element_type3A = arith.extui %eq3A_1 : i1 to i32
    %cond3A = arith.constant 0 : i32
    %cond3A_2 = arith.cmpi ne, %convert_element_type3A, %cond3A : i32
    scf.if %cond3A_2 {
      %get3A = arith.constant 0 : index
      %get3A_24 = arith.constant 0 : index
      %get3A_25 = arith.constant 0 : index
      %get3A_26 = vector.load %arg2[%get3A, %get3A_24, %get3A_25] : memref<1x1024x384xf32, #tpu.memory_space<vmem>>, vector<1x1024x384xf32>
      %get3A_27 = vector.shape_cast %get3A_26 : vector<1x1024x384xf32> to vector<1024x384xf32>
      %get3A_28 = arith.constant 0 : index
      %get3A_29 = arith.constant 0 : index
      %get3A_30 = arith.constant 0 : index
      %get3A_31 = vector.load %arg3[%get3A_28, %get3A_29, %get3A_30] : memref<1x1024x384xf32, #tpu.memory_space<vmem>>, vector<1x1024x384xf32>
      %get3A_32 = vector.shape_cast %get3A_31 : vector<1x1024x384xf32> to vector<1024x384xf32>
      %add3A = arith.addf %get3A_27, %get3A_32 : vector<1024x384xf32>
      %get3A_33 = arith.constant 0 : index
      %get3A_34 = arith.constant 0 : index
      %get3A_35 = arith.constant 0 : index
      %get3A_36 = vector.load %arg4[%get3A_33, %get3A_34, %get3A_35] : memref<1x1024x384xf32, #tpu.memory_space<vmem>>, vector<1x1024x384xf32>
      %get3A_37 = vector.shape_cast %get3A_36 : vector<1x1024x384xf32> to vector<1024x384xf32>
      %add3A_38 = arith.addf %add3A, %get3A_37 : vector<1024x384xf32>
      %get3A_39 = arith.constant 0 : index
      %get3A_40 = arith.constant 0 : index
      %get3A_41 = arith.constant 0 : index
      %get3A_42 = vector.load %arg5[%get3A_39, %get3A_40, %get3A_41] : memref<1x1024x384xf32, #tpu.memory_space<vmem>>, vector<1x1024x384xf32>
      %get3A_43 = vector.shape_cast %get3A_42 : vector<1x1024x384xf32> to vector<1024x384xf32>
      %add3A_44 = arith.addf %add3A_38, %get3A_43 : vector<1024x384xf32>
      %get3A_45 = arith.constant 0 : index
      %get3A_46 = arith.constant 0 : index
      %get3A_47 = arith.constant 0 : index
      %get3A_48 = vector.load %arg6[%get3A_45, %get3A_46, %get3A_47] : memref<1x1024x384xf32, #tpu.memory_space<vmem>>, vector<1x1024x384xf32>
      %get3A_49 = vector.shape_cast %get3A_48 : vector<1x1024x384xf32> to vector<1024x384xf32>
      %add3A_50 = arith.addf %add3A_44, %get3A_49 : vector<1024x384xf32>
      %get3A_51 = arith.constant 0 : index
      %get3A_52 = arith.constant 0 : index
      %get3A_53 = arith.constant 0 : index
      %get3A_54 = vector.load %arg7[%get3A_51, %get3A_52, %get3A_53] : memref<1x1024x384xf32, #tpu.memory_space<vmem>>, vector<1x1024x384xf32>
      %get3A_55 = vector.shape_cast %get3A_54 : vector<1x1024x384xf32> to vector<1024x384xf32>
      %add3A_56 = arith.addf %add3A_50, %get3A_55 : vector<1024x384xf32>
      %get3A_57 = arith.constant 0 : index
      %get3A_58 = arith.constant 0 : index
      %get3A_59 = arith.constant 0 : index
      %get3A_60 = vector.load %arg8[%get3A_57, %get3A_58, %get3A_59] : memref<1x1024x384xf32, #tpu.memory_space<vmem>>, vector<1x1024x384xf32>
      %get3A_61 = vector.shape_cast %get3A_60 : vector<1x1024x384xf32> to vector<1024x384xf32>
      %add3A_62 = arith.addf %add3A_56, %get3A_61 : vector<1024x384xf32>
      %swap3A = arith.constant 0 : index
      %swap3A_63 = arith.index_cast %mul3A_0 : i32 to index
      %swap3A_64 = vector.load %arg25[%swap3A, %swap3A_63] : memref<1024x768xf32, #tpu.memory_space<vmem>>, vector<1024x384xf32>
      tpu.vector_store %arg25[%swap3A, %swap3A_63], %add3A_62 {strides = array<i32>} : memref<1024x768xf32, #tpu.memory_space<vmem>>, vector<1024x384xf32>,
    } else {
    }
    %eq3A_3 = arith.constant 0 : i32
    %eq3A_4 = arith.cmpi eq, %arg0, %eq3A_3 : i32
    %eq3A_5 = arith.constant 0 : i32
    %eq3A_6 = arith.cmpi eq, %arg1, %eq3A_5 : i32
    %and3A = arith.andi %eq3A_4, %eq3A_6 : i1
    %convert_element_type3A_7 = arith.extui %and3A : i1 to i32
    %cond3A_8 = arith.constant 0 : i32
    %cond3A_9 = arith.cmpi ne, %convert_element_type3A_7, %cond3A_8 : i32
    scf.if %cond3A_9 {
      %get3A = arith.constant 0 : index
      %get3A_24 = arith.constant 0 : index
      %get3A_25 = vector.load %arg10[%get3A, %get3A_24] : memref<1024x768xf32, #tpu.memory_space<vmem>>, vector<1024x768xf32>
      %mul3A_26 = arith.mulf %get3A_25, %get3A_25 : vector<1024x768xf32>
      %reduce_sum3A = vector.shape_cast %mul3A_26 : vector<1024x768xf32> to vector<1x1024x768xf32>
      %reduce_sum3A_27 = arith.constant dense<0.000000e+00> : vector<1xf32>
      %reduce_sum3A_28 = vector.multi_reduction <add>, %reduce_sum3A, %reduce_sum3A_27 [1, 2] : vector<1x1024x768xf32> to vector<1xf32>
      %reduce_sum3A_29 = vector.shape_cast %reduce_sum3A_28 : vector<1xf32> to vector<1x1x1xf32>
      %reduce_sum3A_30 = vector.extract %reduce_sum3A_29[0, 0, 0] : f32 from vector<1x1x1xf32>
      %sqrt3A = math.sqrt %reduce_sum3A_30 : f32
      %add3A = arith.constant 0.000000e+00 : f32
      %add3A_31 = arith.addf %add3A, %sqrt3A : f32
      %get3A_32 = arith.constant 0 : index
      %get3A_33 = arith.constant 0 : index
      %get3A_34 = vector.load %arg11[%get3A_32, %get3A_33] : memref<1x1024xf32, #tpu.memory_space<vmem>>, vector<1x1024xf32>
      %mul3A_35 = arith.mulf %get3A_34, %get3A_34 : vector<1x1024xf32>
      %reduce_sum3A_36 = vector.shape_cast %mul3A_35 : vector<1x1024xf32> to vector<1x1x1024xf32>
      %reduce_sum3A_37 = arith.constant dense<0.000000e+00> : vector<1xf32>
      %reduce_sum3A_38 = vector.multi_reduction <add>, %reduce_sum3A_36, %reduce_sum3A_37 [1, 2] : vector<1x1x1024xf32> to vector<1xf32>
      %reduce_sum3A_39 = vector.shape_cast %reduce_sum3A_38 : vector<1xf32> to vector<1x1x1xf32>
      %reduce_sum3A_40 = vector.extract %reduce_sum3A_39[0, 0, 0] : f32 from vector<1x1x1xf32>
      %sqrt3A_41 = math.sqrt %reduce_sum3A_40 : f32
      %add3A_42 = arith.addf %add3A_31, %sqrt3A_41 : f32
      %get3A_43 = arith.constant 0 : index
      %get3A_44 = arith.constant 0 : index
      %get3A_45 = vector.load %arg12[%get3A_43, %get3A_44] : memref<1024x1024xf32, #tpu.memory_space<vmem>>, vector<1024x1024xf32>
      %mul3A_46 = arith.mulf %get3A_45, %get3A_45 : vector<1024x1024xf32>
      %reduce_sum3A_47 = vector.shape_cast %mul3A_46 : vector<1024x1024xf32> to vector<1x1024x1024xf32>
      %reduce_sum3A_48 = arith.constant dense<0.000000e+00> : vector<1xf32>
      %reduce_sum3A_49 = vector.multi_reduction <add>, %reduce_sum3A_47, %reduce_sum3A_48 [1, 2] : vector<1x1024x1024xf32> to vector<1xf32>
      %reduce_sum3A_50 = vector.shape_cast %reduce_sum3A_49 : vector<1xf32> to vector<1x1x1xf32>
      %reduce_sum3A_51 = vector.extract %reduce_sum3A_50[0, 0, 0] : f32 from vector<1x1x1xf32>
      %sqrt3A_52 = math.sqrt %reduce_sum3A_51 : f32
      %add3A_53 = arith.addf %add3A_42, %sqrt3A_52 : f32
      %get3A_54 = arith.constant 0 : index
      %get3A_55 = arith.constant 0 : index
      %get3A_56 = vector.load %arg13[%get3A_54, %get3A_55] : memref<1x1024xf32, #tpu.memory_space<vmem>>, vector<1x1024xf32>
      %mul3A_57 = arith.mulf %get3A_56, %get3A_56 : vector<1x1024xf32>
      %reduce_sum3A_58 = vector.shape_cast %mul3A_57 : vector<1x1024xf32> to vector<1x1x1024xf32>
      %reduce_sum3A_59 = arith.constant dense<0.000000e+00> : vector<1xf32>
      %reduce_sum3A_60 = vector.multi_reduction <add>, %reduce_sum3A_58, %reduce_sum3A_59 [1, 2] : vector<1x1x1024xf32> to vector<1xf32>
      %reduce_sum3A_61 = vector.shape_cast %reduce_sum3A_60 : vector<1xf32> to vector<1x1x1xf32>
      %reduce_sum3A_62 = vector.extract %reduce_sum3A_61[0, 0, 0] : f32 from vector<1x1x1xf32>
      %sqrt3A_63 = math.sqrt %reduce_sum3A_62 : f32
      %add3A_64 = arith.addf %add3A_53, %sqrt3A_63 : f32
      %get3A_65 = arith.constant 0 : index
      %get3A_66 = arith.constant 0 : index
      %get3A_67 = vector.load %arg14[%get3A_65, %get3A_66] : memref<512x1024xf32, #tpu.memory_space<vmem>>, vector<512x1024xf32>
      %mul3A_68 = arith.mulf %get3A_67, %get3A_67 : vector<512x1024xf32>
      %reduce_sum3A_69 = vector.shape_cast %mul3A_68 : vector<512x1024xf32> to vector<1x512x1024xf32>
      %reduce_sum3A_70 = arith.constant dense<0.000000e+00> : vector<1xf32>
      %reduce_sum3A_71 = vector.multi_reduction <add>, %reduce_sum3A_69, %reduce_sum3A_70 [1, 2] : vector<1x512x1024xf32> to vector<1xf32>
      %reduce_sum3A_72 = vector.shape_cast %reduce_sum3A_71 : vector<1xf32> to vector<1x1x1xf32>
      %reduce_sum3A_73 = vector.extract %reduce_sum3A_72[0, 0, 0] : f32 from vector<1x1x1xf32>
      %sqrt3A_74 = math.sqrt %reduce_sum3A_73 : f32
      %add3A_75 = arith.addf %add3A_64, %sqrt3A_74 : f32
      %get3A_76 = arith.constant 0 : index
      %get3A_77 = arith.constant 0 : index
      %get3A_78 = vector.load %arg15[%get3A_76, %get3A_77] : memref<1x512xf32, #tpu.memory_space<vmem>>, vector<1x512xf32>
      %mul3A_79 = arith.mulf %get3A_78, %get3A_78 : vector<1x512xf32>
      %reduce_sum3A_80 = vector.shape_cast %mul3A_79 : vector<1x512xf32> to vector<1x1x512xf32>
      %reduce_sum3A_81 = arith.constant dense<0.000000e+00> : vector<1xf32>
      %reduce_sum3A_82 = vector.multi_reduction <add>, %reduce_sum3A_80, %reduce_sum3A_81 [1, 2] : vector<1x1x512xf32> to vector<1xf32>
      %reduce_sum3A_83 = vector.shape_cast %reduce_sum3A_82 : vector<1xf32> to vector<1x1x1xf32>
      %reduce_sum3A_84 = vector.extract %reduce_sum3A_83[0, 0, 0] : f32 from vector<1x1x1xf32>
      %sqrt3A_85 = math.sqrt %reduce_sum3A_84 : f32
      %add3A_86 = arith.addf %add3A_75, %sqrt3A_85 : f32
      %get3A_87 = arith.constant 0 : index
      %get3A_88 = arith.constant 0 : index
      %get3A_89 = vector.load %arg16[%get3A_87, %get3A_88] : memref<512x512xf32, #tpu.memory_space<vmem>>, vector<512x512xf32>
      %mul3A_90 = arith.mulf %get3A_89, %get3A_89 : vector<512x512xf32>
      %reduce_sum3A_91 = vector.shape_cast %mul3A_90 : vector<512x512xf32> to vector<1x512x512xf32>
      %reduce_sum3A_92 = arith.constant dense<0.000000e+00> : vector<1xf32>
      %reduce_sum3A_93 = vector.multi_reduction <add>, %reduce_sum3A_91, %reduce_sum3A_92 [1, 2] : vector<1x512x512xf32> to vector<1xf32>
      %reduce_sum3A_94 = vector.shape_cast %reduce_sum3A_93 : vector<1xf32> to vector<1x1x1xf32>
      %reduce_sum3A_95 = vector.extract %reduce_sum3A_94[0, 0, 0] : f32 from vector<1x1x1xf32>
      %sqrt3A_96 = math.sqrt %reduce_sum3A_95 : f32
      %add3A_97 = arith.addf %add3A_86, %sqrt3A_96 : f32
      %get3A_98 = arith.constant 0 : index
      %get3A_99 = arith.constant 0 : index
      %get3A_100 = vector.load %arg17[%get3A_98, %get3A_99] : memref<1x512xf32, #tpu.memory_space<vmem>>, vector<1x512xf32>
      %mul3A_101 = arith.mulf %get3A_100, %get3A_100 : vector<1x512xf32>
      %reduce_sum3A_102 = vector.shape_cast %mul3A_101 : vector<1x512xf32> to vector<1x1x512xf32>
      %reduce_sum3A_103 = arith.constant dense<0.000000e+00> : vector<1xf32>
      %reduce_sum3A_104 = vector.multi_reduction <add>, %reduce_sum3A_102, %reduce_sum3A_103 [1, 2] : vector<1x1x512xf32> to vector<1xf32>
      %reduce_sum3A_105 = vector.shape_cast %reduce_sum3A_104 : vector<1xf32> to vector<1x1x1xf32>
      %reduce_sum3A_106 = vector.extract %reduce_sum3A_105[0, 0, 0] : f32 from vector<1x1x1xf32>
      %sqrt3A_107 = math.sqrt %reduce_sum3A_106 : f32
      %add3A_108 = arith.addf %add3A_97, %sqrt3A_107 : f32
      %get3A_109 = arith.constant 0 : index
      %get3A_110 = arith.constant 0 : index
      %get3A_111 = vector.load %arg18[%get3A_109, %get3A_110] : memref<64x512xf32, #tpu.memory_space<vmem>>, vector<64x512xf32>
      %mul3A_112 = arith.mulf %get3A_111, %get3A_111 : vector<64x512xf32>
      %reduce_sum3A_113 = vector.shape_cast %mul3A_112 : vector<64x512xf32> to vector<1x64x512xf32>
      %reduce_sum3A_114 = arith.constant dense<0.000000e+00> : vector<1xf32>
      %reduce_sum3A_115 = vector.multi_reduction <add>, %reduce_sum3A_113, %reduce_sum3A_114 [1, 2] : vector<1x64x512xf32> to vector<1xf32>
      %reduce_sum3A_116 = vector.shape_cast %reduce_sum3A_115 : vector<1xf32> to vector<1x1x1xf32>
      %reduce_sum3A_117 = vector.extract %reduce_sum3A_116[0, 0, 0] : f32 from vector<1x1x1xf32>
      %sqrt3A_118 = math.sqrt %reduce_sum3A_117 : f32
      %add3A_119 = arith.addf %add3A_108, %sqrt3A_118 : f32
      %get3A_120 = arith.constant 0 : index
      %get3A_121 = arith.constant 0 : index
      %get3A_122 = vector.load %arg19[%get3A_120, %get3A_121] : memref<1x64xf32, #tpu.memory_space<vmem>>, vector<1x64xf32>
      %mul3A_123 = arith.mulf %get3A_122, %get3A_122 : vector<1x64xf32>
      %reduce_sum3A_124 = vector.shape_cast %mul3A_123 : vector<1x64xf32> to vector<1x1x64xf32>
      %reduce_sum3A_125 = arith.constant dense<0.000000e+00> : vector<1xf32>
      %reduce_sum3A_126 = vector.multi_reduction <add>, %reduce_sum3A_124, %reduce_sum3A_125 [1, 2] : vector<1x1x64xf32> to vector<1xf32>
      %reduce_sum3A_127 = vector.shape_cast %reduce_sum3A_126 : vector<1xf32> to vector<1x1x1xf32>
      %reduce_sum3A_128 = vector.extract %reduce_sum3A_127[0, 0, 0] : f32 from vector<1x1x1xf32>
      %sqrt3A_129 = math.sqrt %reduce_sum3A_128 : f32
      %add3A_130 = arith.addf %add3A_119, %sqrt3A_129 : f32
      %get3A_131 = arith.constant 0 : index
      %get3A_132 = arith.constant 0 : index
      %get3A_133 = vector.load %arg20[%get3A_131, %get3A_132] : memref<1000x512xf32, #tpu.memory_space<vmem>>, vector<1000x512xf32>
      %mul3A_134 = arith.mulf %get3A_133, %get3A_133 : vector<1000x512xf32>
      %reduce_sum3A_135 = vector.shape_cast %mul3A_134 : vector<1000x512xf32> to vector<1x1000x512xf32>
      %reduce_sum3A_136 = arith.constant dense<0.000000e+00> : vector<1xf32>
      %reduce_sum3A_137 = vector.multi_reduction <add>, %reduce_sum3A_135, %reduce_sum3A_136 [1, 2] : vector<1x1000x512xf32> to vector<1xf32>
      %reduce_sum3A_138 = vector.shape_cast %reduce_sum3A_137 : vector<1xf32> to vector<1x1x1xf32>
      %reduce_sum3A_139 = vector.extract %reduce_sum3A_138[0, 0, 0] : f32 from vector<1x1x1xf32>
      %sqrt3A_140 = math.sqrt %reduce_sum3A_139 : f32
      %add3A_141 = arith.addf %add3A_130, %sqrt3A_140 : f32
      %get3A_142 = arith.constant 0 : index
      %get3A_143 = arith.constant 0 : index
      %get3A_144 = vector.load %arg21[%get3A_142, %get3A_143] : memref<1x1000xf32, #tpu.memory_space<vmem>>, vector<1x1000xf32>
      %mul3A_145 = arith.mulf %get3A_144, %get3A_144 : vector<1x1000xf32>
      %reduce_sum3A_146 = vector.shape_cast %mul3A_145 : vector<1x1000xf32> to vector<1x1x1000xf32>
      %reduce_sum3A_147 = arith.constant dense<0.000000e+00> : vector<1xf32>
      %reduce_sum3A_148 = vector.multi_reduction <add>, %reduce_sum3A_146, %reduce_sum3A_147 [1, 2] : vector<1x1x1000xf32> to vector<1xf32>
      %reduce_sum3A_149 = vector.shape_cast %reduce_sum3A_148 : vector<1xf32> to vector<1x1x1xf32>
      %reduce_sum3A_150 = vector.extract %reduce_sum3A_149[0, 0, 0] : f32 from vector<1x1x1xf32>
      %sqrt3A_151 = math.sqrt %reduce_sum3A_150 : f32
      %add3A_152 = arith.addf %add3A_141, %sqrt3A_151 : f32
      %broadcast_in_dim3A = arith.constant 0.00999999977 : f32
      %broadcast_in_dim3A_153 = vector.broadcast %broadcast_in_dim3A : f32 to vector<1x1xf32>
      %mul3A_154 = vector.broadcast %add3A_152 : f32 to vector<1x1xf32>
      %mul3A_155 = arith.mulf %broadcast_in_dim3A_153, %mul3A_154 : vector<1x1xf32>
      %swap3A = arith.constant 0 : index
      %swap3A_156 = arith.constant 0 : index
      %swap3A_157 = vector.load %arg24[%swap3A, %swap3A_156] : memref<1x1xf32, #tpu.memory_space<vmem>>, vector<1x1xf32>
      tpu.vector_store %arg24[%swap3A, %swap3A_156], %mul3A_155 {strides = array<i32>} : memref<1x1xf32, #tpu.memory_space<vmem>>, vector<1x1xf32>,
    } else {
    }
    %gt3A = arith.constant 0 : i32
    %gt3A_10 = arith.cmpi sgt, %arg0, %gt3A : i32
    %lt3A = arith.constant 7 : i32
    %lt3A_11 = arith.cmpi slt, %arg0, %lt3A : i32
    %and3A_12 = arith.andi %gt3A_10, %lt3A_11 : i1
    %convert_element_type3A_13 = arith.extui %and3A_12 : i1 to i32
    %cond3A_14 = arith.constant 0 : i32
    %cond3A_15 = arith.cmpi ne, %convert_element_type3A_13, %cond3A_14 : i32
    scf.if %cond3A_15 {
      %get3A = arith.constant 0 : index
      %get3A_24 = arith.index_cast %mul3A_0 : i32 to index
      %get3A_25 = vector.load %arg25[%get3A, %get3A_24] : memref<1024x768xf32, #tpu.memory_space<vmem>>, vector<1024x384xf32>
      %get3A_26 = arith.constant 0 : index
      %get3A_27 = arith.constant 0 : index
      %get3A_28 = arith.constant 0 : index
      %get3A_29 = vector.load %arg2[%get3A_26, %get3A_27, %get3A_28] : memref<1x1024x384xf32, #tpu.memory_space<vmem>>, vector<1x1024x384xf32>
      %get3A_30 = vector.shape_cast %get3A_29 : vector<1x1024x384xf32> to vector<1024x384xf32>
      %add3A = arith.addf %get3A_25, %get3A_30 : vector<1024x384xf32>
      %get3A_31 = arith.constant 0 : index
      %get3A_32 = arith.constant 0 : index
      %get3A_33 = arith.constant 0 : index
      %get3A_34 = vector.load %arg3[%get3A_31, %get3A_32, %get3A_33] : memref<1x1024x384xf32, #tpu.memory_space<vmem>>, vector<1x1024x384xf32>
      %get3A_35 = vector.shape_cast %get3A_34 : vector<1x1024x384xf32> to vector<1024x384xf32>
      %add3A_36 = arith.addf %add3A, %get3A_35 : vector<1024x384xf32>
      %get3A_37 = arith.constant 0 : index
      %get3A_38 = arith.constant 0 : index
      %get3A_39 = arith.constant 0 : index
      %get3A_40 = vector.load %arg4[%get3A_37, %get3A_38, %get3A_39] : memref<1x1024x384xf32, #tpu.memory_space<vmem>>, vector<1x1024x384xf32>
      %get3A_41 = vector.shape_cast %get3A_40 : vector<1x1024x384xf32> to vector<1024x384xf32>
      %add3A_42 = arith.addf %add3A_36, %get3A_41 : vector<1024x384xf32>
      %get3A_43 = arith.constant 0 : index
      %get3A_44 = arith.constant 0 : index
      %get3A_45 = arith.constant 0 : index
      %get3A_46 = vector.load %arg5[%get3A_43, %get3A_44, %get3A_45] : memref<1x1024x384xf32, #tpu.memory_space<vmem>>, vector<1x1024x384xf32>
      %get3A_47 = vector.shape_cast %get3A_46 : vector<1x1024x384xf32> to vector<1024x384xf32>
      %add3A_48 = arith.addf %add3A_42, %get3A_47 : vector<1024x384xf32>
      %get3A_49 = arith.constant 0 : index
      %get3A_50 = arith.constant 0 : index
      %get3A_51 = arith.constant 0 : index
      %get3A_52 = vector.load %arg6[%get3A_49, %get3A_50, %get3A_51] : memref<1x1024x384xf32, #tpu.memory_space<vmem>>, vector<1x1024x384xf32>
      %get3A_53 = vector.shape_cast %get3A_52 : vector<1x1024x384xf32> to vector<1024x384xf32>
      %add3A_54 = arith.addf %add3A_48, %get3A_53 : vector<1024x384xf32>
      %get3A_55 = arith.constant 0 : index
      %get3A_56 = arith.constant 0 : index
      %get3A_57 = arith.constant 0 : index
      %get3A_58 = vector.load %arg7[%get3A_55, %get3A_56, %get3A_57] : memref<1x1024x384xf32, #tpu.memory_space<vmem>>, vector<1x1024x384xf32>
      %get3A_59 = vector.shape_cast %get3A_58 : vector<1x1024x384xf32> to vector<1024x384xf32>
      %add3A_60 = arith.addf %add3A_54, %get3A_59 : vector<1024x384xf32>
      %get3A_61 = arith.constant 0 : index
      %get3A_62 = arith.constant 0 : index
      %get3A_63 = arith.constant 0 : index
      %get3A_64 = vector.load %arg8[%get3A_61, %get3A_62, %get3A_63] : memref<1x1024x384xf32, #tpu.memory_space<vmem>>, vector<1x1024x384xf32>
      %get3A_65 = vector.shape_cast %get3A_64 : vector<1x1024x384xf32> to vector<1024x384xf32>
      %add3A_66 = arith.addf %add3A_60, %get3A_65 : vector<1024x384xf32>
      %swap3A = arith.constant 0 : index
      %swap3A_67 = arith.index_cast %mul3A_0 : i32 to index
      %swap3A_68 = vector.load %arg25[%swap3A, %swap3A_67] : memref<1024x768xf32, #tpu.memory_space<vmem>>, vector<1024x384xf32>
      tpu.vector_store %arg25[%swap3A, %swap3A_67], %add3A_66 {strides = array<i32>} : memref<1024x768xf32, #tpu.memory_space<vmem>>, vector<1024x384xf32>,
    } else {
    }
    %eq3A_16 = arith.constant 7 : i32
    %eq3A_17 = arith.cmpi eq, %arg0, %eq3A_16 : i32
    %eq3A_18 = arith.constant 0 : i32
    %eq3A_19 = arith.cmpi eq, %arg1, %eq3A_18 : i32
    %and3A_20 = arith.andi %eq3A_17, %eq3A_19 : i1
    %convert_element_type3A_21 = arith.extui %and3A_20 : i1 to i32
    %cond3A_22 = arith.constant 0 : i32
    %cond3A_23 = arith.cmpi ne, %convert_element_type3A_21, %cond3A_22 : i32
    scf.if %cond3A_23 {
      %get3A = arith.constant 0 : index
      %get3A_24 = arith.constant 0 : index
      %get3A_25 = vector.load %arg25[%get3A, %get3A_24] : memref<1024x768xf32, #tpu.memory_space<vmem>>, vector<1024x768xf32>
      %mul3A_26 = arith.constant 0.0204081628 : f32
      %mul3A_27 = vector.broadcast %mul3A_26 : f32 to vector<1024x768xf32>
      %mul3A_28 = arith.mulf %get3A_25, %mul3A_27 : vector<1024x768xf32>
      %get3A_29 = arith.constant 0 : index
      %get3A_30 = arith.constant 0 : index
      %get3A_31 = vector.load %arg10[%get3A_29, %get3A_30] : memref<1024x768xf32, #tpu.memory_space<vmem>>, vector<1024x768xf32>
      %dot_general3A = arith.constant dense<0.000000e+00> : vector<1024x1024xf32>
      %dot_general3A_32 = tpu.matmul %mul3A_28, %get3A_31, %dot_general3A {dimension_numbers = #tpu.dot_dimension_numbers<[1], [1], [0], [0], [0, 0, 1, 0], [], []>, transpose_lhs_hint = false} : vector<1024x768xf32>, vector<1024x768xf32>, vector<1024x1024xf32> -> vector<1024x1024xf32>
      %get3A_33 = arith.constant 0 : index
      %get3A_34 = arith.constant 0 : index
      %get3A_35 = vector.load %arg11[%get3A_33, %get3A_34] : memref<1x1024xf32, #tpu.memory_space<vmem>>, vector<1x1024xf32>
      %add3A = vector.broadcast %get3A_35 : vector<1x1024xf32> to vector<1024x1024xf32>
      %add3A_36 = arith.addf %dot_general3A_32, %add3A : vector<1024x1024xf32>
      %max3A = arith.constant 0.000000e+00 : f32
      %max3A_37 = vector.broadcast %max3A : f32 to vector<1024x1024xf32>
      %max3A_38 = arith.maximumf %add3A_36, %max3A_37 : vector<1024x1024xf32>
      %convert_element_type3A_39 = arith.truncf %max3A_38 : vector<1024x1024xf32> to vector<1024x1024xbf16>
      %get3A_40 = arith.constant 0 : index
      %get3A_41 = arith.constant 0 : index
      %get3A_42 = vector.load %arg12[%get3A_40, %get3A_41] : memref<1024x1024xf32, #tpu.memory_space<vmem>>, vector<1024x1024xf32>
      %dot_general3A_43 = arith.constant dense<0.000000e+00> : vector<1024x1024xf32>
      %dot_general3A_44 = tpu.matmul %convert_element_type3A_39, %get3A_42, %dot_general3A_43 {dimension_numbers = #tpu.dot_dimension_numbers<[1], [1], [0], [0], [0, 0, 1, 0], [], []>, transpose_lhs_hint = false} : vector<1024x1024xbf16>, vector<1024x1024xf32>, vector<1024x1024xf32> -> vector<1024x1024xf32>
      %get3A_45 = arith.constant 0 : index
      %get3A_46 = arith.constant 0 : index
      %get3A_47 = vector.load %arg13[%get3A_45, %get3A_46] : memref<1x1024xf32, #tpu.memory_space<vmem>>, vector<1x1024xf32>
      %add3A_48 = vector.broadcast %get3A_47 : vector<1x1024xf32> to vector<1024x1024xf32>
      %add3A_49 = arith.addf %dot_general3A_44, %add3A_48 : vector<1024x1024xf32>
      %max3A_50 = arith.constant 0.000000e+00 : f32
      %max3A_51 = vector.broadcast %max3A_50 : f32 to vector<1024x1024xf32>
      %max3A_52 = arith.maximumf %add3A_49, %max3A_51 : vector<1024x1024xf32>
      %get3A_53 = arith.constant 0 : index
      %get3A_54 = arith.constant 0 : index
      %get3A_55 = vector.load %arg14[%get3A_53, %get3A_54] : memref<512x1024xf32, #tpu.memory_space<vmem>>, vector<512x1024xf32>
      %dot_general3A_56 = arith.constant dense<0.000000e+00> : vector<1024x512xf32>
      %dot_general3A_57 = tpu.matmul %max3A_52, %get3A_55, %dot_general3A_56 {dimension_numbers = #tpu.dot_dimension_numbers<[1], [1], [0], [0], [0, 0, 1, 0], [], []>, transpose_lhs_hint = false} : vector<1024x1024xf32>, vector<512x1024xf32>, vector<1024x512xf32> -> vector<1024x512xf32>
      %get3A_58 = arith.constant 0 : index
      %get3A_59 = arith.constant 0 : index
      %get3A_60 = vector.load %arg15[%get3A_58, %get3A_59] : memref<1x512xf32, #tpu.memory_space<vmem>>, vector<1x512xf32>
      %add3A_61 = vector.broadcast %get3A_60 : vector<1x512xf32> to vector<1024x512xf32>
      %add3A_62 = arith.addf %dot_general3A_57, %add3A_61 : vector<1024x512xf32>
      %max3A_63 = arith.constant 0.000000e+00 : f32
      %max3A_64 = vector.broadcast %max3A_63 : f32 to vector<1024x512xf32>
      %max3A_65 = arith.maximumf %add3A_62, %max3A_64 : vector<1024x512xf32>
      %convert_element_type3A_66 = arith.truncf %max3A_65 : vector<1024x512xf32> to vector<1024x512xbf16>
      %get3A_67 = arith.constant 0 : index
      %get3A_68 = arith.constant 0 : index
      %get3A_69 = vector.load %arg16[%get3A_67, %get3A_68] : memref<512x512xf32, #tpu.memory_space<vmem>>, vector<512x512xf32>
      %dot_general3A_70 = arith.constant dense<0.000000e+00> : vector<1024x512xf32>
      %dot_general3A_71 = tpu.matmul %convert_element_type3A_66, %get3A_69, %dot_general3A_70 {dimension_numbers = #tpu.dot_dimension_numbers<[1], [1], [0], [0], [0, 0, 1, 0], [], []>, transpose_lhs_hint = false} : vector<1024x512xbf16>, vector<512x512xf32>, vector<1024x512xf32> -> vector<1024x512xf32>
      %get3A_72 = arith.constant 0 : index
      %get3A_73 = arith.constant 0 : index
      %get3A_74 = vector.load %arg17[%get3A_72, %get3A_73] : memref<1x512xf32, #tpu.memory_space<vmem>>, vector<1x512xf32>
      %add3A_75 = vector.broadcast %get3A_74 : vector<1x512xf32> to vector<1024x512xf32>
      %add3A_76 = arith.addf %dot_general3A_71, %add3A_75 : vector<1024x512xf32>
      %get3A_77 = arith.constant 0 : index
      %get3A_78 = arith.constant 0 : index
      %get3A_79 = vector.load %arg18[%get3A_77, %get3A_78] : memref<64x512xf32, #tpu.memory_space<vmem>>, vector<64x512xf32>
      %dot_general3A_80 = arith.constant dense<0.000000e+00> : vector<1024x64xf32>
      %dot_general3A_81 = tpu.matmul %add3A_76, %get3A_79, %dot_general3A_80 {dimension_numbers = #tpu.dot_dimension_numbers<[1], [1], [0], [0], [0, 0, 1, 0], [], []>, transpose_lhs_hint = false} : vector<1024x512xf32>, vector<64x512xf32>, vector<1024x64xf32> -> vector<1024x64xf32>
      %get3A_82 = arith.constant 0 : index
      %get3A_83 = arith.constant 0 : index
      %get3A_84 = vector.load %arg19[%get3A_82, %get3A_83] : memref<1x64xf32, #tpu.memory_space<vmem>>, vector<1x64xf32>
      %add3A_85 = vector.broadcast %get3A_84 : vector<1x64xf32> to vector<1024x64xf32>
      %add3A_86 = arith.addf %dot_general3A_81, %add3A_85 : vector<1024x64xf32>
      %get3A_87 = arith.constant 0 : index
      %get3A_88 = arith.constant 0 : index
      %get3A_89 = vector.load %arg9[%get3A_87, %get3A_88] : memref<1024x64xf32, #tpu.memory_space<vmem>>, vector<1024x64xf32>
      %add3A_90 = arith.addf %add3A_86, %get3A_89 : vector<1024x64xf32>
      %swap3A = arith.constant 0 : index
      %swap3A_91 = arith.constant 0 : index
      %swap3A_92 = vector.load %arg22[%swap3A, %swap3A_91] : memref<1024x64xf32, #tpu.memory_space<vmem>>, vector<1024x64xf32>
      tpu.vector_store %arg22[%swap3A, %swap3A_91], %add3A_90 {strides = array<i32>} : memref<1024x64xf32, #tpu.memory_space<vmem>>, vector<1024x64xf32>,
      %get3A_93 = arith.constant 0 : index
      %get3A_94 = arith.constant 0 : index
      %get3A_95 = vector.load %arg20[%get3A_93, %get3A_94] : memref<1000x512xf32, #tpu.memory_space<vmem>>, vector<1000x512xf32>
      %dot_general3A_96 = arith.constant dense<0.000000e+00> : vector<1024x1000xf32>
      %dot_general3A_97 = tpu.matmul %add3A_76, %get3A_95, %dot_general3A_96 {dimension_numbers = #tpu.dot_dimension_numbers<[1], [1], [0], [0], [0, 0, 1, 0], [], []>, transpose_lhs_hint = false} : vector<1024x512xf32>, vector<1000x512xf32>, vector<1024x1000xf32> -> vector<1024x1000xf32>
      %get3A_98 = arith.constant 0 : index
      %get3A_99 = arith.constant 0 : index
      %get3A_100 = vector.load %arg21[%get3A_98, %get3A_99] : memref<1x1000xf32, #tpu.memory_space<vmem>>, vector<1x1000xf32>
      %add3A_101 = vector.broadcast %get3A_100 : vector<1x1000xf32> to vector<1024x1000xf32>
      %add3A_102 = arith.addf %dot_general3A_97, %add3A_101 : vector<1024x1000xf32>
      %swap3A_103 = arith.constant 0 : index
      %swap3A_104 = arith.constant 0 : index
      %swap3A_105 = vector.load %arg23[%swap3A_103, %swap3A_104] : memref<1024x1000xf32, #tpu.memory_space<vmem>>, vector<1024x1000xf32>
      tpu.vector_store %arg23[%swap3A_103, %swap3A_104], %add3A_102 {strides = array<i32>} : memref<1024x1000xf32, #tpu.memory_space<vmem>>, vector<1024x1000xf32>,
    } else {
    }
    return
  }
  func.func @transform_0(%arg0: i32, %arg1: i32) -> (i32, i32, i32) {
    %min3A = arith.constant 6 : i32
    %min3A_0 = arith.minsi %arg0, %min3A : i32
    %add3A = arith.constant 0 : i32
    %add3A_1 = arith.addi %add3A, %min3A_0 : i32
    %lt3A = arith.constant 7 : i32
    %lt3A_2 = arith.cmpi slt, %arg0, %lt3A : i32
    %jit3A = arith.constant 1 : i32
    %select_n3A = arith.select %lt3A_2, %arg1, %jit3A : i32
    %c0_i32 = arith.constant 0 : i32
    %c0_i32_3 = arith.constant 0 : i32
    return %add3A_1, %c0_i32, %select_n3A : i32, i32, i32
  }
  func.func @transform_1(%arg0: i32, %arg1: i32) -> (i32, i32, i32) {
    %min3A = arith.constant 6 : i32
    %min3A_0 = arith.minsi %arg0, %min3A : i32
    %add3A = arith.constant 7 : i32
    %add3A_1 = arith.addi %add3A, %min3A_0 : i32
    %lt3A = arith.constant 7 : i32
    %lt3A_2 = arith.cmpi slt, %arg0, %lt3A : i32
    %jit3A = arith.constant 1 : i32
    %select_n3A = arith.select %lt3A_2, %arg1, %jit3A : i32
    %c0_i32 = arith.constant 0 : i32
    %c0_i32_3 = arith.constant 0 : i32
    return %add3A_1, %c0_i32, %select_n3A : i32, i32, i32
  }
  func.func @transform_2(%arg0: i32, %arg1: i32) -> (i32, i32, i32) {
    %min3A = arith.constant 6 : i32
    %min3A_0 = arith.minsi %arg0, %min3A : i32
    %add3A = arith.constant 14 : i32
    %add3A_1 = arith.addi %add3A, %min3A_0 : i32
    %lt3A = arith.constant 7 : i32
    %lt3A_2 = arith.cmpi slt, %arg0, %lt3A : i32
    %jit3A = arith.constant 1 : i32
    %select_n3A = arith.select %lt3A_2, %arg1, %jit3A : i32
    %c0_i32 = arith.constant 0 : i32
    %c0_i32_3 = arith.constant 0 : i32
    return %add3A_1, %c0_i32, %select_n3A : i32, i32, i32
  }
  func.func @transform_3(%arg0: i32, %arg1: i32) -> (i32, i32, i32) {
    %min3A = arith.constant 6 : i32
    %min3A_0 = arith.minsi %arg0, %min3A : i32
    %add3A = arith.constant 21 : i32
    %add3A_1 = arith.addi %add3A, %min3A_0 : i32
    %lt3A = arith.constant 7 : i32
    %lt3A_2 = arith.cmpi slt, %arg0, %lt3A : i32
    %jit3A = arith.constant 1 : i32
    %select_n3A = arith.select %lt3A_2, %arg1, %jit3A : i32
    %c0_i32 = arith.constant 0 : i32
    %c0_i32_3 = arith.constant 0 : i32
    return %add3A_1, %c0_i32, %select_n3A : i32, i32, i32
  }
  func.func @transform_4(%arg0: i32, %arg1: i32) -> (i32, i32, i32) {
    %min3A = arith.constant 6 : i32
    %min3A_0 = arith.minsi %arg0, %min3A : i32
    %add3A = arith.constant 28 : i32
    %add3A_1 = arith.addi %add3A, %min3A_0 : i32
    %lt3A = arith.constant 7 : i32
    %lt3A_2 = arith.cmpi slt, %arg0, %lt3A : i32
    %jit3A = arith.constant 1 : i32
    %select_n3A = arith.select %lt3A_2, %arg1, %jit3A : i32
    %c0_i32 = arith.constant 0 : i32
    %c0_i32_3 = arith.constant 0 : i32
    return %add3A_1, %c0_i32, %select_n3A : i32, i32, i32
  }
  func.func @transform_5(%arg0: i32, %arg1: i32) -> (i32, i32, i32) {
    %min3A = arith.constant 6 : i32
    %min3A_0 = arith.minsi %arg0, %min3A : i32
    %add3A = arith.constant 35 : i32
    %add3A_1 = arith.addi %add3A, %min3A_0 : i32
    %lt3A = arith.constant 7 : i32
    %lt3A_2 = arith.cmpi slt, %arg0, %lt3A : i32
    %jit3A = arith.constant 1 : i32
    %select_n3A = arith.select %lt3A_2, %arg1, %jit3A : i32
    %c0_i32 = arith.constant 0 : i32
    %c0_i32_3 = arith.constant 0 : i32
    return %add3A_1, %c0_i32, %select_n3A : i32, i32, i32
  }
  func.func @transform_6(%arg0: i32, %arg1: i32) -> (i32, i32, i32) {
    %min3A = arith.constant 6 : i32
    %min3A_0 = arith.minsi %arg0, %min3A : i32
    %add3A = arith.constant 42 : i32
    %add3A_1 = arith.addi %add3A, %min3A_0 : i32
    %lt3A = arith.constant 7 : i32
    %lt3A_2 = arith.cmpi slt, %arg0, %lt3A : i32
    %jit3A = arith.constant 1 : i32
    %select_n3A = arith.select %lt3A_2, %arg1, %jit3A : i32
    %c0_i32 = arith.constant 0 : i32
    %c0_i32_3 = arith.constant 0 : i32
    return %add3A_1, %c0_i32, %select_n3A : i32, i32, i32
  }
  func.func @transform_7(%arg0: i32, %arg1: i32) -> (i32, i32) {
    %c0_i32 = arith.constant 0 : i32
    %c0_i32_0 = arith.constant 0 : i32
    %c0_i32_1 = arith.constant 0 : i32
    return %c0_i32, %c0_i32_0 : i32, i32
  }
  func.func @transform_8(%arg0: i32, %arg1: i32) -> (i32, i32) {
    %c0_i32 = arith.constant 0 : i32
    %c0_i32_0 = arith.constant 0 : i32
    %c0_i32_1 = arith.constant 0 : i32
    return %c0_i32, %c0_i32_0 : i32, i32
  }
  func.func @transform_9(%arg0: i32, %arg1: i32) -> (i32, i32) {
    %c0_i32 = arith.constant 0 : i32
    %c0_i32_0 = arith.constant 0 : i32
    %c0_i32_1 = arith.constant 0 : i32
    return %c0_i32, %c0_i32_0 : i32, i32
  }
  func.func @transform_10(%arg0: i32, %arg1: i32) -> (i32, i32) {
    %c0_i32 = arith.constant 0 : i32
    %c0_i32_0 = arith.constant 0 : i32
    %c0_i32_1 = arith.constant 0 : i32
    return %c0_i32, %c0_i32_0 : i32, i32
  }
  func.func @transform_11(%arg0: i32, %arg1: i32) -> (i32, i32) {
    %c0_i32 = arith.constant 0 : i32
    %c0_i32_0 = arith.constant 0 : i32
    %c0_i32_1 = arith.constant 0 : i32
    return %c0_i32, %c0_i32_0 : i32, i32
  }
  func.func @transform_12(%arg0: i32, %arg1: i32) -> (i32, i32) {
    %c0_i32 = arith.constant 0 : i32
    %c0_i32_0 = arith.constant 0 : i32
    %c0_i32_1 = arith.constant 0 : i32
    return %c0_i32, %c0_i32_0 : i32, i32
  }
  func.func @transform_13(%arg0: i32, %arg1: i32) -> (i32, i32) {
    %c0_i32 = arith.constant 0 : i32
    %c0_i32_0 = arith.constant 0 : i32
    %c0_i32_1 = arith.constant 0 : i32
    return %c0_i32, %c0_i32_0 : i32, i32
  }
  func.func @transform_14(%arg0: i32, %arg1: i32) -> (i32, i32) {
    %c0_i32 = arith.constant 0 : i32
    %c0_i32_0 = arith.constant 0 : i32
    %c0_i32_1 = arith.constant 0 : i32
    return %c0_i32, %c0_i32_0 : i32, i32
  }
  func.func @transform_15(%arg0: i32, %arg1: i32) -> (i32, i32) {
    %c0_i32 = arith.constant 0 : i32
    %c0_i32_0 = arith.constant 0 : i32
    %c0_i32_1 = arith.constant 0 : i32
    return %c0_i32, %c0_i32_0 : i32, i32
  }
  func.func @transform_16(%arg0: i32, %arg1: i32) -> (i32, i32) {
    %c0_i32 = arith.constant 0 : i32
    %c0_i32_0 = arith.constant 0 : i32
    %c0_i32_1 = arith.constant 0 : i32
    return %c0_i32, %c0_i32_0 : i32, i32
  }
  func.func @transform_17(%arg0: i32, %arg1: i32) -> (i32, i32) {
    %c0_i32 = arith.constant 0 : i32
    %c0_i32_0 = arith.constant 0 : i32
    %c0_i32_1 = arith.constant 0 : i32
    return %c0_i32, %c0_i32_0 : i32, i32
  }
  func.func @transform_18(%arg0: i32, %arg1: i32) -> (i32, i32) {
    %c0_i32 = arith.constant 0 : i32
    %c0_i32_0 = arith.constant 0 : i32
    %c0_i32_1 = arith.constant 0 : i32
    return %c0_i32, %c0_i32_0 : i32, i32
  }
  func.func @transform_19(%arg0: i32, %arg1: i32) -> (i32, i32) {
    %c0_i32 = arith.constant 0 : i32
    %c0_i32_0 = arith.constant 0 : i32
    %c0_i32_1 = arith.constant 0 : i32
    return %c0_i32, %c0_i32_0 : i32, i32
  }
  func.func @transform_20(%arg0: i32, %arg1: i32) -> (i32, i32) {
    %c0_i32 = arith.constant 0 : i32
    %c0_i32_0 = arith.constant 0 : i32
    %c0_i32_1 = arith.constant 0 : i32
    return %c0_i32, %c0_i32_0 : i32, i32
  }
  func.func @transform_21(%arg0: i32, %arg1: i32) -> (i32, i32) {
    %c0_i32 = arith.constant 0 : i32
    %c0_i32_0 = arith.constant 0 : i32
    %c0_i32_1 = arith.constant 0 : i32
    return %c0_i32, %c0_i32_0 : i32, i32
  }
  func.func @transform_22(%arg0: i32, %arg1: i32) -> (i32, i32) {
    %c0_i32 = arith.constant 0 : i32
    %c0_i32_0 = arith.constant 0 : i32
    %c0_i32_1 = arith.constant 0 : i32
    return %c0_i32, %c0_i32_0 : i32, i32
  }
}

</mosaic_0001>

<sc_bundles>
// kernel: kernel.4.cloned.1.call-start
scs
__scs_entry_jumppad:
0x0: {  	(pc) =	sbr.rel $0x88, $3  }
0x1: {  	(tag) =	ssettag $0x0;
	lr =	simm.s32 $0x1  }
0x2: {  	[smem:$0x3F94] =	sst lr;
	_ =	strace $0xD0000000  }
0x3: {  	_ = 	snop  }
0x4: {  	_ = 	snop  }
0x5: {  	_ = 	snop  }
0x6: {  	_ = 	snop  }
0x7: {  	_ = 	snop  }
__scs_overlays_trampoline_lowered:
0x8: {  	[smem:$0x3FA3] =	sst s0  }
0x9: {  	[smem:$0x3FA4] =	sst s1  }
0xa: {  	[smem:$0x3FA5] =	sst s2  }
0xb: {  	[smem:$0x3FA6] =	sst s3  }
0xc: {  	[smem:$0x3FA7] =	sst s4  }
0xd: {  	[smem:$0x3FA8] =	sst s5  }
0xe: {  	[smem:$0x3FA9] =	sst s6  }
0xf: {  	[smem:$0x3FAA] =	sst s7  }
0x10: {  	[smem:$0x3FAB] =	sst s8  }
0x11: {  	[smem:$0x3FAC] =	sst s9;
	s0 =	simm.s32 @!p0 $0x0  }
0x12: {  	s1 =	sld [smem:$0x3F92];
	s0 =	simm.s32 @p0 $0x1  }
0x13: {  	[smem:$0x3FAD] =	sst s0;
	s0 =	simm.s32 @!p1 $0x0  }
0x14: {  	s2 =	sld [smem:$0x3F91];
	s0 =	simm.s32 @p1 $0x1  }
0x15: {  	[smem:$0x3FAE] =	sst s0;
	s0 =	simm.s32 @!p2 $0x0  }
0x16: {  	s3 =	sld [smem:$0x3FDB];
	s0 =	simm.s32 @p2 $0x1  }
0x17: {  	s4 =	simm.s32 $0x1BF5;
	[smem:$0x3FB0] =	sst s0  }
0x18: {  	s0 =	sld [smem:$0x3F93];
	_ =	swait.ge [sflag:s4], $0x0  }
0x19: {  	s7 =	sld [smem:$0x3F94]  }
0x1a: {  	s8 =	sadd.s32 $0xFFFFE003, lr  }
0x1b: {  	s9 =	sadd.s32 $0xFFFFFEF7, lr;
	s5 =	simm.s32 $0xFFFFFFFF;
	p2 =	slt.u32 s8, $0xFFFFF086  }
0x1c: {  	p1 =	slt.u32 s9, $0xF7A;
	s5 =	simm.s32 @!p2 $0x0  }
0x1d: {  	s5 =	simm.s32 @p1 $0x1;
	p0 =	seq.s32 s7, s2  }
0x1e: {  	s7 =	smul.u32 @!p0 $0xF7A, s2;
	p2 =	seq.s32 @!p0 s5, $0x0  }
0x1f: {  	s9 =	smul.u32 $0xF7A, s1;
	s8 =	simm.s32 @!p0 $0x1BF5;
	p2 =	por !p2, p0  }
0x20: {  	[sflag:s8] =	ssyncset.s32 @!p0 $0xFFFFF086;
	s6 =	sadd.s32 @!p0 s3, s7;
	s7 =	simm.s32 @!p0 $0x108  }
0x21: {  	s3 =	sadd.s32 s3, s9;
	s6 =	sadd.s32 @!p0 $0x88, s6;
	s7 =	simm.s32 @p2 $0x1082  }
0x22: {  	[simem:s7], [sflag:s8] =	dma.local @!p0 [hbm:s6], $0xF7A  }
0x23: {  	s9 =	sor.u32 $0xD0000000, s2;
	s6 =	simm.s32 $0x108;
	_ =	swait.ge @!p0 [sflag:s8], $0x0  }
0x24: {  	s3 =	sadd.s32 $0x88, s3;
	s6 =	simm.s32 @!p1 $0x1082;
	[sflag:s4] =	ssyncset.s32 $0xFFFFF086  }
0x25: {  	[simem:s6], [sflag:s4] =	dma.local [hbm:s3], $0xF7A  }
0x26: {  	[smem:$0x3F94] =	sst s1;
	(tag) =	ssettag s2;
	_ =	strace s9  }
0x27: {  	s1 =	sld [smem:$0x3FA4]  }
0x28: {  	s2 =	sld [smem:$0x3FA5]  }
0x29: {  	s4 =	sld [smem:$0x3FA7]  }
0x2a: {  	p0 =	seq.s32 s5, $0x0;
	s5 =	sld [smem:$0x3FA8]  }
0x2b: {  	s6 =	sld [smem:$0x3FA9]  }
0x2c: {  	s7 =	sld [smem:$0x3FAA]  }
0x2d: {  	s3 =	simm.s32 $0x108;
	s8 =	sld [smem:$0x3FAB]  }
0x2e: {  	s3 =	simm.s32 @!p0 $0x1082;
	s9 =	sld [smem:$0x3FAC]  }
0x2f: {  	lr =	sadd.s32 s0, s3;
	s0 =	sld [smem:$0x3FA3]  }
0x30: {  	s3 =	sld [smem:$0x3FA6]  }
0x31: {  	[smem:$0x3FAF] =	sst s10  }
0x32: {  	s10 =	sld [smem:$0x3FAD];
	_ =	sdelay $0x3  }
0x33: {  	p0 =	seq.s32 s10, $0x1;
	s10 =	sld [smem:$0x3FAF];
	_ =	sdelay $0x3  }
0x34: {  	[smem:$0x3FAF] =	sst s10  }
0x35: {  	s10 =	sld [smem:$0x3FAE];
	_ =	sdelay $0x3  }
0x36: {  	p1 =	seq.s32 s10, $0x1;
	s10 =	sld [smem:$0x3FAF];
	_ =	sdelay $0x3  }
0x37: {  	[smem:$0x3FAF] =	sst s10  }
0x38: {  	s10 =	sld [smem:$0x3FB0]  }
0x39: {  	_ = 	snop;
	(pc) =	sbr.ind lr, $3  }
0x3a: {  	_ = 	snop  }
0x3b: {  	_ = 	snop  }
0x3c: {  	p2 =	seq.s32 s10, $0x1;
	s10 =	sld [smem:$0x3FAF]  }
0x3d: {  	_ =	shalt  }
0x3e: {  	_ =	shalt  }
0x3f: {  	_ =	shalt  }
0x40: {  	_ =	shalt  }
0x41: {  	_ =	shalt  }
0x42: {  	_ =	shalt  }
0x43: {  	_ =	shalt  }
0x44: {  	_ =	shalt  }
0x45: {  	_ =	shalt  }
0x46: {  	_ =	shalt  }
0x47: {  	_ =	shalt  }
0x48: {  	_ =	shalt  }
0x49: {  	_ =	shalt  }
0x4a: {  	_ =	shalt  }
0x4b: {  	_ =	shalt  }
0x4c: {  	_ =	shalt  }
0x4d: {  	_ =	shalt  }
0x4e: {  	_ =	shalt  }
0x4f: {  	_ =	shalt  }
0x50: {  	_ =	shalt  }
0x51: {  	_ =	shalt  }
0x52: {  	_ =	shalt  }
0x53: {  	_ =	shalt  }
0x54: {  	_ =	shalt  }
0x55: {  	_ =	shalt  }
0x56: {  	_ =	shalt  }
0x57: {  	_ =	shalt  }
0x58: {  	_ =	shalt  }
0x59: {  	_ =	shalt  }
0x5a: {  	_ =	shalt  }
0x5b: {  	_ =	shalt  }
0x5c: {  	_ =	shalt  }
0x5d: {  	_ =	shalt  }
0x5e: {  	_ =	shalt  }
0x5f: {  	_ =	shalt  }
0x60: {  	_ =	shalt  }
0x61: {  	_ =	shalt  }
0x62: {  	_ =	shalt  }
0x63: {  	_ =	shalt  }
0x64: {  	_ =	shalt  }
0x65: {  	_ =	shalt  }
0x66: {  	_ =	shalt  }
0x67: {  	_ =	shalt  }
0x68: {  	_ =	shalt  }
0x69: {  	_ =	shalt  }
0x6a: {  	_ =	shalt  }
0x6b: {  	_ =	shalt  }
0x6c: {  	_ =	shalt  }
0x6d: {  	_ =	shalt  }
0x6e: {  	_ =	shalt  }
0x6f: {  	_ =	shalt  }
0x70: {  	_ =	shalt  }
0x71: {  	_ =	shalt  }
0x72: {  	_ =	shalt  }
0x73: {  	_ =	shalt  }
0x74: {  	_ =	shalt  }
0x75: {  	_ =	shalt  }
0x76: {  	_ =	shalt  }
0x77: {  	_ =	shalt  }
0x78: {  	_ =	shalt  }
0x79: {  	_ =	shalt  }
0x7a: {  	_ =	shalt  }
0x7b: {  	_ =	shalt  }
0x7c: {  	_ =	shalt  }
0x7d: {  	_ =	shalt  }
0x7e: {  	_ =	shalt  }
0x7f: {  	_ =	shalt  }
0x80: {  	_ =	shalt  }
0x81: {  	_ =	shalt  }
0x82: {  	_ =	shalt  }
0x83: {  	_ =	shalt  }
0x84: {  	_ =	shalt  }
0x85: {  	_ =	shalt  }
0x86: {  	_ =	shalt  }
0x87: {  	_ =	shalt  }
.Lfunc_end0:
.L_simem_size_0:
called_computation_lowered:
.L_overlay_start_0:
0x88: {  	s2 =	sld [smem:$0x3FD9]  }
0x89: {  	s3 =	sld [smem:$0x3FFE];
	_ =	sdelay $0x1  }
0x8a: {  	s1 =	srdreg.scid  }
0x8b: {  	s0 =	sand.u32 $0x1, s1  }
0x8c: {  	s16 =	sshll.u32 s0, $0xA;
	s2 =	sadd.s32 s3, s2  }
0x8d: {  	s2 =	sadd.s32 s2, s16  }
0x8e: {  	[smem:$0x3FBB] =	sst s2  }
0x8f: {  	_ = 	snop  }
0x90: {  	(tm) =	ssettm $0x1  }
0x91: {  	s17 =	sld [smem:$0x3FFB];
	_ =	sdelay $0x3  }
0x92: {  	_ =	strace s17  }
0x93: {  	s2 =	sld [smem:$0x3FFC];
	_ =	sdelay $0x3  }
0x94: {  	_ =	strace s2  }
0x95: {  	s2 =	sld [smem:$0x3FFD];
	_ =	sdelay $0x3  }
0x96: {  	_ =	strace s2  }
0x97: {  	_ =	strace $0x8FFFFFFF  }
0x98: {  	s18 =	sld [smem:$0x3FDB];
	_ =	sdelay $0x1  }
0x99: {  	s19 =	simm.s32 $_scs_section_size  }
0x9a: {  	s4 =	simm.s32 $_size__tile_overlayer_lowered;
	s5 =	simm.s32 $_tile_overlayer_lowered  }
0x9b: {  	s22 =	simm.s32 $0x1BFF;
	s21 =	sshll.u32 s5, $0x1;
	s2 =	sadd.s32 s19, s18  }
0x9c: {  	s6 =	simm.s32 $0x0;
	s20 =	sshll.u32 s4, $0x1;
	s4 =	sadd.s32 s21, s2  }
0x9d: {  	[timem:s6], [sflag:s22] =	dma.local [hbm:s4], s20  }
0x9e: {  	_ =	swait.ge [sflag:s22], s20  }
0x9f: {  	s3 =	ssub.s32 $0x0, s20;
	[sflag:s22] =	ssyncset.done $0x0  }
0xa0: {  	[sflag:s22] =	ssyncadd.s32 s3;
	_ =	sdelay $0x1  }
0xa1: {  	s23 =	simm.s32 $0x1B8B  }
0xa2: {  	_ =	swait.ge [sflag:s23], $0x1  }
0xa3: {  	[sflag:s23] =	ssyncset.done $0x0  }
0xa4: {  	s25 =	simm.s32 $0x1B8E;
	s24 =	sld [smem:$0x3FFE];
	[sflag:s23] =	ssyncadd.s32 $0xFFFFFFFF  }
0xa5: {  	s26 =	simm.s32 $execute0_lowered;
	[smem:$0x3FD2] =	sst s25  }
0xa6: {  	s4 =	sshll.u32 s26, $0x1;
	_ =	strace $0x80000046;
	[dreg:$0x1] =	wrdreg $0xFFFFFFFF  }
0xa7: {  	s28 =	simm.s32 $_size_execute0_lowered;
	s2 =	sadd.s32 s2, s4;
	[dreg:$0x0] =	wrdreg $0x0  }
0xa8: {  	s4 =	sshll.u32 s28, $0x1;
	[dreg:$0x2] =	wrdreg s2  }
0xa9: {  	[dreg:$0x3] =	wrdreg s4  }
0xaa: {  	[dreg:$0x4] =	wrdreg $0xC0  }
0xab: {  	_ =	task [dreg:s6], $0x5FFFF  }
0xac: {  	[dreg:$0x1] =	wrdreg $0xFFFFFFFF  }
0xad: {  	[dreg:$0x0] =	wrdreg $0x60  }
0xae: {  	[dreg:$0x2] =	wrdreg s24  }
0xaf: {  	[dreg:$0x3] =	wrdreg $0x9  }
0xb0: {  	_ =	task.clear_ibuf [dreg:s6], $0x4FFFF;
	_ =	strace $0x90000046  }
0xb1: {  	s29 =	simm.s32 $0x9;
	_ =	strace $0x80000048  }
0xb2: {  	_ =	swait.ge [sflag:s29], $0x1  }
0xb3: {  	[sflag:s29] =	ssyncadd.s32 $0xFFFFFFFF  }
0xb4: {  	_ =	strace $0x90000048  }
0xb5: {  	_ =	sfence  }
0xb6: {  	s30 =	sld [smem:$0x0];
	_ =	sdelay $0x2  }
0xb7: {  	s31 =	sshll.u32 s1, $0xD;
	s1 =	sshrl.u32 s1, $0x2  }
0xb8: {  	s3 =	sand.u32 $0x4000, s31;
	s1 =	sadd.s32 s1, s30  }
0xb9: {  	s0 =	sor.u32 s3, s0;
	s1 =	sshll.u32 s1, $0x11  }
0xba: {  	s0 =	sor.u32 s1, s0  }
0xbb: {  	s0 =	sadd.s32 $0x8F2B, s0  }
0xbc: {  	[sflag:s0] =	ssyncadd.remote.s32 $0x1  }
0xbd: {  	_ =	sfence.sel $0xFFFF  }
0xbe: {  	[dreg:$0x0] =	wrdreg $0xFFFFFFFF;
	(pc) =	sbr.abs _section_cstart, $3  }
0xbf: {  	[dreg:$0x1] =	wrdreg $0xFFFFFFFF  }
0xc0: {  	_ =	task.clear_ibuf [dreg:s6], $0x2FFFF;
	_ =	strace $0x9FFFFFFF  }
0xc1: {  	(tm) =	ssettm $0x7FFFFFFF  }
tec
execute0_lowered:
.L_overlay_start_1:
0x0: {  	(tag) =	ssettag $0x1  }
0x1: {  	v0 =	vimm.s32 $0xFEDCBA98;
	v1 =	vimm.s32 $0x76543210;
	v2 =	vimm.s32 $0xBA98FEDC  }
0x2: {  	v3 =	vimm.s32 $0x32107654;
	v4 =	vimm.s32 $0xDCFE98BA;
	v5 =	vimm.s32 $0x54761032  }
0x3: {  	v6 =	vimm.s32 $0xEFCDAB89;
	v7 =	vimm.s32 $0x67452301;
	vm0 =	vmmov $0x1  }
0x4: {  	vm5 =	vcmask $0xB20;
	vm6 =	vcmask $0xF20;
	vm7 =	vcmask $0x1320  }
0x5: {  	s3 =	rddreg [dreg:$0x0];
	v0 =	vunpack.c.l.s4.s8 v0;
	v1 =	vunpack.c.l.s4.s8 v1;
	v2 =	vunpack.c.l.s4.s8 v2  }
0x6: {  	s0 =	rddreg [dreg:$0x1];
	s4 =	srdreg.scid;
	v3 =	vunpack.c.l.s4.s8 v3;
	v4 =	vunpack.c.l.s4.s8 v4;
	v5 =	vunpack.c.l.s4.s8 v5  }
0x7: {  	s1 =	stileid.u32;
	s2 =	simm.s32 $0x0;
	s9 =	simm.s32 $0x1000;
	v6 =	vunpack.c.l.s4.s8 v6;
	v7 =	vunpack.c.l.s4.s8 v7;
	v0 =	vunpack.c.0.s8.s32 v0  }
0x8: {  	s10 =	simm.s32 $0x2000;
	s11 =	simm.s32 $0x3000;
	s12 =	simm.s32 $0x0;
	v2 =	vunpack.c.0.s8.s32 v2;
	v3 =	vunpack.c.0.s8.s32 v3;
	v4 =	vunpack.c.0.s8.s32 v4  }
0x9: {  	s4 =	sand.u32 $0x1, s4;
	s5 =	sshll.u32 s1, $0x1;
	[smem:$0x7FF] =	sst s2;
	v5 =	vunpack.c.0.s8.s32 v5;
	v6 =	vunpack.c.0.s8.s32 v6;
	v7 =	vunpack.c.0.s8.s32 v7  }
0xa: {  	vm13 =	vcmask $0x1720;
	s5 =	sor.u32 s4, s5;
	_ =	strace $0x80000047;
	s4 =	ssub.s32 $0x2, s4;
	v1 =	vunpack.c.0.s8.s32 v1;
	v2 =	vcombine.low v3, v2  }
0xb: {  	s6 =	sshll.u32 s5, $0x9;
	s5 =	sshll.u32 s5, $0x4;
	s7 =	sshrl.u32 s4, $0x1;
	v0 =	vand.u32 $0xF, v0;
	v3 =	vcombine.low v5, v4;
	v4 =	vcombine.low v7, v6  }
0xc: {  	vm4 =	vcmask $0x1B20;
	s6 =	sadd.s32 s6, s3;
	s8 =	sadd.s32 s5, s3;
	s7 =	ssub.s32 s4, s7;
	v0 =	vcombine.low v0, v1;
	v1 =	vand.u32 $0xF, v2  }
0xd: {  	s3 =	sadd.s32 $0x2200, s6;
	s4 =	sadd.s32 $0xA200, s6;
	s5 =	sadd.s32 $0x6200, s6;
	v2 =	vand.u32 $0xF, v3;
	v3 =	vlaneseq.u32;
	v4 =	vand.u32 $0xF, v4  }
0xe: {  	s6 =	sadd.s32 $0xE200, s8;
	s7 =	smax.u32 s7, $0x1;
	s8 =	simm.s32 $0x1;
	v5 =	vor.u32 $0x30, v3;
	v6 =	vor.u32 $0x20, v3;
	v7 =	vor.u32 $0x10, v3  }
.LBB2_1:
0xf: {  	[tilespmem:s2], [sflag:$0x1] =	stream.linear.gather [hbm4b:s3+s2], $0x1000, $0x38;
	[tilespmem:$0x3080] =	vst v63  }
0x10: {  	_ =	swait.ge [sflag:s8], $0x1000  }
0x11: {  	[sflag:s8] =	ssyncset.done $0x0  }
0x12: {  	s13 =	simm.s32 $0x0;
	[sflag:s8] =	ssyncadd.s32 $0xFFFFF000  }
0x13: {  	v21 =	vld [tilespmem:s13+$0x0]  }
0x14: {  	v13 =	vld [tilespmem:s13+$0x10]  }
0x15: {  	v20 =	vld [tilespmem:s13+$0x20]  }
0x16: {  	v16 =	vld [tilespmem:s13+$0x30];
	_ =	sdelay $0x4  }
0x17: {  	v8 =	vmax.f32 v21, v13;
	v9 =	vmax.f32 v20, v16  }
0x18: {  	v8 =	vmax.f32 v8, v9  }
0x19: {  	v9 =	vperm.xlane v8, v0;
	_ =	sdelay $0x1  }
0x1a: {  	v8 =	vmax.f32 v8, v9  }
0x1b: {  	v9 =	vperm.xlane v8, v1;
	_ =	sdelay $0x1  }
0x1c: {  	v8 =	vmax.f32 v8, v9  }
0x1d: {  	v9 =	vperm.xlane v8, v2;
	_ =	sdelay $0x1  }
0x1e: {  	v8 =	vmax.f32 v8, v9  }
0x1f: {  	v9 =	vperm.xlane v8, v4;
	_ =	sdelay $0x1  }
0x20: {  	v22 =	vmax.f32 v8, v9  }
0x21: {  	vm8 =	veq.f32 v16, v22  }
0x22: {  	vm9 =	veq.f32 v20, v22;
	v8 =	vnsel vm8, $0x40, v5  }
0x23: {  	vm8 =	veq.f32 v13, v22;
	v8 =	vsel vm9, v6, v8  }
0x24: {  	vm9 =	veq.f32 v21, v22;
	v8 =	vsel vm8, v7, v8  }
0x25: {  	v8 =	vsel vm9, v3, v8  }
0x26: {  	v9 =	vperm.xlane v8, v0;
	_ =	sdelay $0x1  }
0x27: {  	vm8 =	vlt.s32 v8, v9  }
0x28: {  	v8 =	vsel vm8, v8, v9  }
0x29: {  	v9 =	vperm.xlane v8, v1;
	_ =	sdelay $0x1  }
0x2a: {  	vm8 =	vlt.s32 v8, v9  }
0x2b: {  	v8 =	vsel vm8, v8, v9  }
0x2c: {  	v9 =	vperm.xlane v8, v2;
	_ =	sdelay $0x1  }
0x2d: {  	vm8 =	vlt.s32 v8, v9  }
0x2e: {  	v8 =	vsel vm8, v8, v9  }
0x2f: {  	v9 =	vperm.xlane v8, v4;
	_ =	sdelay $0x1  }
0x30: {  	vm8 =	vlt.s32 v8, v9  }
0x31: {  	v23 =	vsel vm8, v8, v9  }
0x32: {  	vm8 =	veq.s32 v23, v3;
	vm9 =	veq.s32 v23, v7  }
0x33: {  	vm10 =	veq.s32 v23, v6;
	v8 =	vsel vm8, $0xFF800000, v21;
	vm8 =	veq.s32 v23, v5  }
0x34: {  	v9 =	vsel vm9, $0xFF800000, v13;
	v10 =	vsel vm10, $0xFF800000, v20;
	v11 =	vsel vm8, $0xFF800000, v16  }
0x35: {  	v12 =	vmax.f32 v8, v9;
	v14 =	vmax.f32 v10, v11  }
0x36: {  	v12 =	vmax.f32 v12, v14  }
0x37: {  	v14 =	vperm.xlane v12, v0;
	_ =	sdelay $0x1  }
0x38: {  	v12 =	vmax.f32 v12, v14  }
0x39: {  	v14 =	vperm.xlane v12, v1;
	_ =	sdelay $0x1  }
0x3a: {  	v12 =	vmax.f32 v12, v14  }
0x3b: {  	v14 =	vperm.xlane v12, v2;
	_ =	sdelay $0x1  }
0x3c: {  	v12 =	vmax.f32 v12, v14  }
0x3d: {  	v14 =	vperm.xlane v12, v4;
	_ =	sdelay $0x1  }
0x3e: {  	v12 =	vmax.f32 v12, v14  }
0x3f: {  	vm8 =	veq.f32 v11, v12  }
0x40: {  	vm9 =	veq.f32 v10, v12;
	v14 =	vnsel vm8, $0x40, v5  }
0x41: {  	vm8 =	veq.f32 v9, v12;
	v14 =	vsel vm9, v6, v14  }
0x42: {  	vm9 =	veq.f32 v8, v12;
	v12 =	vsel vm8, v7, v14  }
0x43: {  	v12 =	vsel vm9, v3, v12  }
0x44: {  	v14 =	vperm.xlane v12, v0;
	_ =	sdelay $0x1  }
0x45: {  	vm8 =	vlt.s32 v12, v14  }
0x46: {  	v12 =	vsel vm8, v12, v14  }
0x47: {  	v14 =	vperm.xlane v12, v1;
	_ =	sdelay $0x1  }
0x48: {  	vm8 =	vlt.s32 v12, v14  }
0x49: {  	v12 =	vsel vm8, v12, v14  }
0x4a: {  	v14 =	vperm.xlane v12, v2;
	_ =	sdelay $0x1  }
0x4b: {  	vm8 =	vlt.s32 v12, v14  }
0x4c: {  	v12 =	vsel vm8, v12, v14  }
0x4d: {  	v14 =	vperm.xlane v12, v4;
	_ =	sdelay $0x1  }
0x4e: {  	vm8 =	vlt.s32 v12, v14  }
0x4f: {  	v24 =	vsel vm8, v12, v14  }
0x50: {  	vm8 =	veq.s32 v24, v3;
	vm9 =	veq.s32 v24, v7  }
0x51: {  	vm10 =	veq.s32 v24, v6;
	vm11 =	veq.s32 v24, v5;
	v12 =	vsel vm8, $0xFF800000, v8  }
0x52: {  	v14 =	vsel vm9, $0xFF800000, v9;
	v15 =	vsel vm10, $0xFF800000, v10;
	v17 =	vsel vm11, $0xFF800000, v11  }
0x53: {  	v8 =	vmax.f32 v12, v14;
	v9 =	vmax.f32 v15, v17  }
0x54: {  	v8 =	vmax.f32 v8, v9  }
0x55: {  	v9 =	vperm.xlane v8, v0;
	_ =	sdelay $0x1  }
0x56: {  	v8 =	vmax.f32 v8, v9  }
0x57: {  	v9 =	vperm.xlane v8, v1;
	_ =	sdelay $0x1  }
0x58: {  	v8 =	vmax.f32 v8, v9  }
0x59: {  	v9 =	vperm.xlane v8, v2;
	_ =	sdelay $0x1  }
0x5a: {  	v8 =	vmax.f32 v8, v9  }
0x5b: {  	v9 =	vperm.xlane v8, v4;
	_ =	sdelay $0x1  }
0x5c: {  	v8 =	vmax.f32 v8, v9  }
0x5d: {  	vm8 =	veq.f32 v17, v8  }
0x5e: {  	vm9 =	veq.f32 v15, v8;
	v9 =	vnsel vm8, $0x40, v5  }
0x5f: {  	s14 =	simm.s32 $0x80;
	vm8 =	veq.f32 v14, v8;
	v9 =	vsel vm9, v6, v9  }
0x60: {  	v11 =	vld [tilespmem:s14+$0x0];
	vm9 =	veq.f32 v12, v8;
	v8 =	vsel vm8, v7, v9  }
0x61: {  	v10 =	vld [tilespmem:s14+$0x20];
	v18 =	vsel vm9, v3, v8  }
0x62: {  	v9 =	vld [tilespmem:s14+$0x10];
	v19 =	vperm.xlane v18, v0  }
0x63: {  	v8 =	vld [tilespmem:s14+$0x30]  }
0x64: {  	vm8 =	vlt.s32 v18, v19  }
0x65: {  	v18 =	vsel vm8, v18, v19  }
0x66: {  	v19 =	vperm.xlane v18, v1;
	_ =	sdelay $0x1  }
0x67: {  	v25 =	vmax.f32 v11, v9;
	v26 =	vmax.f32 v10, v8;
	vm8 =	vlt.s32 v18, v19  }
0x68: {  	v25 =	vmax.f32 v25, v26;
	v18 =	vsel vm8, v18, v19  }
0x69: {  	v19 =	vperm.xlane v25, v0;
	v26 =	vperm.xlane v18, v2;
	_ =	sdelay $0x1  }
0x6a: {  	v19 =	vmax.f32 v25, v19;
	vm8 =	vlt.s32 v18, v26  }
0x6b: {  	v25 =	vperm.xlane v19, v1;
	v18 =	vsel vm8, v18, v26  }
0x6c: {  	v26 =	vperm.xlane v18, v4  }
0x6d: {  	v19 =	vmax.f32 v19, v25  }
0x6e: {  	v27 =	vperm.xlane v19, v2;
	vm8 =	vlt.s32 v18, v26  }
0x6f: {  	v25 =	vsel vm8, v18, v26  }
0x70: {  	v18 =	vmax.f32 v19, v27;
	vm8 =	veq.s32 v25, v3;
	vm9 =	veq.s32 v25, v7  }
0x71: {  	vm10 =	veq.s32 v25, v6;
	v19 =	vsel vm8, $0xFF800000, v12;
	vm8 =	veq.s32 v25, v5  }
0x72: {  	v14 =	vsel vm9, $0xFF800000, v14;
	v15 =	vsel vm10, $0xFF800000, v15;
	v17 =	vsel vm8, $0xFF800000, v17  }
0x73: {  	v12 =	vperm.xlane v18, v4;
	v26 =	vmax.f32 v19, v14;
	v27 =	vmax.f32 v15, v17  }
0x74: {  	v26 =	vmax.f32 v26, v27  }
0x75: {  	v12 =	vmax.f32 v18, v12;
	v18 =	vperm.xlane v26, v0  }
0x76: {  	vm8 =	veq.f32 v8, v12  }
0x77: {  	vm9 =	veq.f32 v10, v12;
	v27 =	vnsel vm8, $0x40, v5;
	v18 =	vmax.f32 v26, v18  }
0x78: {  	vm8 =	veq.f32 v9, v12;
	v26 =	vsel vm9, v6, v27;
	v27 =	vperm.xlane v18, v1  }
0x79: {  	vm9 =	veq.f32 v11, v12;
	v26 =	vsel vm8, v7, v26  }
0x7a: {  	v26 =	vsel vm9, v3, v26;
	v18 =	vmax.f32 v18, v27  }
0x7b: {  	v27 =	vperm.xlane v26, v0;
	v28 =	vperm.xlane v18, v2;
	_ =	sdelay $0x1  }
0x7c: {  	vm8 =	vlt.s32 v26, v27;
	v18 =	vmax.f32 v18, v28  }
0x7d: {  	v26 =	vsel vm8, v26, v27;
	v27 =	vperm.xlane v18, v4  }
0x7e: {  	v28 =	vperm.xlane v26, v1  }
0x7f: {  	v18 =	vmax.f32 v18, v27  }
0x80: {  	vm8 =	vlt.s32 v26, v28;
	vm9 =	veq.f32 v17, v18  }
0x81: {  	v26 =	vsel vm8, v26, v28;
	vm8 =	veq.f32 v15, v18;
	v27 =	vnsel vm9, $0x40, v5  }
0x82: {  	v28 =	vperm.xlane v26, v2;
	vm9 =	veq.f32 v14, v18;
	v27 =	vsel vm8, v6, v27  }
0x83: {  	vm8 =	veq.f32 v19, v18;
	v18 =	vsel vm9, v7, v27  }
0x84: {  	vm9 =	vlt.s32 v26, v28;
	v18 =	vsel vm8, v3, v18  }
0x85: {  	v26 =	vsel vm9, v26, v28;
	v27 =	vperm.xlane v18, v0  }
0x86: {  	v28 =	vperm.xlane v26, v4  }
0x87: {  	vm8 =	vlt.s32 v18, v27  }
0x88: {  	vm9 =	vlt.s32 v26, v28;
	v18 =	vsel vm8, v18, v27  }
0x89: {  	v27 =	vsel vm9, v26, v28;
	v26 =	vperm.xlane v18, v1  }
0x8a: {  	vm8 =	veq.s32 v27, v3;
	vm9 =	veq.s32 v27, v7  }
0x8b: {  	vm10 =	veq.s32 v27, v6;
	v30 =	vsel vm8, $0xFF800000, v11;
	vm8 =	vlt.s32 v18, v26  }
0x8c: {  	vm11 =	veq.s32 v27, v5;
	v31 =	vsel vm9, $0xFF800000, v9;
	v18 =	vsel vm8, v18, v26  }
0x8d: {  	v32 =	vsel vm11, $0xFF800000, v8;
	v26 =	vsel vm10, $0xFF800000, v10;
	v28 =	vperm.xlane v18, v2  }
0x8e: {  	v29 =	vmax.f32 v30, v31;
	v33 =	vmax.f32 v26, v32  }
0x8f: {  	v29 =	vmax.f32 v29, v33;
	vm8 =	vlt.s32 v18, v28  }
0x90: {  	v33 =	vperm.xlane v29, v0;
	v18 =	vsel vm8, v18, v28  }
0x91: {  	v28 =	vperm.xlane v18, v4  }
0x92: {  	v29 =	vmax.f32 v29, v33  }
0x93: {  	v33 =	vperm.xlane v29, v1;
	vm8 =	vlt.s32 v18, v28  }
0x94: {  	v28 =	vsel vm8, v18, v28  }
0x95: {  	v18 =	vmax.f32 v29, v33;
	vm8 =	veq.s32 v28, v3;
	vm9 =	veq.s32 v28, v7  }
0x96: {  	vm10 =	veq.s32 v28, v6;
	vm11 =	veq.s32 v28, v5;
	v19 =	vsel vm8, $0xFF800000, v19  }
0x97: {  	v49 =	vsel vm9, $0xFF800000, v14;
	v34 =	vsel vm10, $0xFF800000, v15;
	v35 =	vsel vm11, $0xFF800000, v17  }
0x98: {  	v14 =	vperm.xlane v18, v2;
	v15 =	vmax.f32 v19, v49;
	v17 =	vmax.f32 v34, v35  }
0x99: {  	v15 =	vmax.f32 v15, v17  }
0x9a: {  	v14 =	vmax.f32 v18, v14;
	v17 =	vperm.xlane v15, v0  }
0x9b: {  	v18 =	vperm.xlane v14, v4  }
0x9c: {  	v15 =	vmax.f32 v15, v17  }
0x9d: {  	v14 =	vmax.f32 v14, v18;
	v17 =	vperm.xlane v15, v1  }
0x9e: {  	vm8 =	veq.f32 v32, v14  }
0x9f: {  	vm9 =	veq.f32 v26, v14;
	v18 =	vnsel vm8, $0x40, v5;
	v15 =	vmax.f32 v15, v17  }
0xa0: {  	vm8 =	veq.f32 v31, v14;
	v17 =	vsel vm9, v6, v18;
	v18 =	vperm.xlane v15, v2  }
0xa1: {  	vm9 =	veq.f32 v30, v14;
	v14 =	vsel vm8, v7, v17  }
0xa2: {  	v14 =	vsel vm9, v3, v14;
	v15 =	vmax.f32 v15, v18  }
0xa3: {  	v17 =	vperm.xlane v14, v0;
	v18 =	vperm.xlane v15, v4;
	_ =	sdelay $0x1  }
0xa4: {  	vm8 =	vlt.s32 v14, v17;
	v15 =	vmax.f32 v15, v18  }
0xa5: {  	v14 =	vsel vm8, v14, v17;
	vm8 =	veq.f32 v35, v15  }
0xa6: {  	v17 =	vperm.xlane v14, v1;
	vm9 =	veq.f32 v34, v15;
	v18 =	vnsel vm8, $0x40, v5  }
0xa7: {  	vm8 =	veq.f32 v49, v15;
	v18 =	vsel vm9, v6, v18  }
0xa8: {  	vm10 =	veq.f32 v19, v15;
	vm9 =	vlt.s32 v14, v17;
	v15 =	vsel vm8, v7, v18  }
0xa9: {  	v14 =	vsel vm9, v14, v17;
	v15 =	vsel vm10, v3, v15  }
0xaa: {  	v17 =	vperm.xlane v14, v2;
	v18 =	vperm.xlane v15, v0;
	_ =	sdelay $0x1  }
0xab: {  	vm8 =	vlt.s32 v14, v17;
	vm9 =	vlt.s32 v15, v18  }
0xac: {  	v29 =	vsel vm8, v14, v17;
	v18 =	vsel vm9, v15, v18  }
0xad: {  	s15 =	simm.s32 $0x100;
	v36 =	vperm.xlane v29, v4;
	v37 =	vperm.xlane v18, v1  }
0xae: {  	v17 =	vld [tilespmem:s15+$0x0]  }
0xaf: {  	v14 =	vld [tilespmem:s15+$0x20];
	vm8 =	vlt.s32 v29, v36;
	vm9 =	vlt.s32 v18, v37  }
0xb0: {  	v15 =	vld [tilespmem:s15+$0x10];
	v29 =	vsel vm8, v29, v36;
	v50 =	vsel vm9, v18, v37  }
0xb1: {  	v18 =	vld [tilespmem:s15+$0x30];
	vm8 =	veq.s32 v29, v3;
	v37 =	vperm.xlane v50, v2  }
0xb2: {  	vm9 =	veq.s32 v29, v7;
	vm10 =	veq.s32 v29, v6;
	vm11 =	veq.s32 v29, v5  }
0xb3: {  	v38 =	vsel vm8, $0xFF800000, v30;
	v31 =	vsel vm9, $0xFF800000, v31;
	vm8 =	vlt.s32 v50, v37  }
0xb4: {  	v39 =	vsel vm10, $0xFF800000, v26;
	v40 =	vsel vm11, $0xFF800000, v32;
	v26 =	vsel vm8, v50, v37  }
0xb5: {  	v30 =	vmax.f32 v38, v31;
	v32 =	vmax.f32 v39, v40;
	v36 =	vperm.xlane v26, v4  }
0xb6: {  	v51 =	vmax.f32 v17, v15;
	v32 =	vmax.f32 v30, v32;
	v41 =	vmax.f32 v14, v18  }
0xb7: {  	v52 =	vperm.xlane v32, v0;
	v37 =	vmax.f32 v51, v41;
	vm8 =	vlt.s32 v26, v36  }
0xb8: {  	v42 =	vperm.xlane v37, v0;
	v30 =	vsel vm8, v26, v36  }
0xb9: {  	v26 =	vmax.f32 v32, v52;
	vm8 =	veq.s32 v30, v3;
	vm9 =	veq.s32 v30, v7  }
0xba: {  	vm10 =	veq.s32 v30, v6;
	v36 =	vsel vm8, $0xFF800000, v19;
	vm8 =	veq.s32 v30, v5  }
0xbb: {  	v41 =	vsel vm9, $0xFF800000, v49;
	v43 =	vsel vm10, $0xFF800000, v34;
	v44 =	vsel vm8, $0xFF800000, v35  }
0xbc: {  	v19 =	vperm.xlane v26, v1;
	v53 =	vmax.f32 v36, v41;
	v54 =	vmax.f32 v43, v44  }
0xbd: {  	v32 =	vmax.f32 v53, v54  }
0xbe: {  	v55 =	vmax.f32 v37, v42;
	v19 =	vmax.f32 v26, v19;
	v26 =	vperm.xlane v32, v0  }
0xbf: {  	v56 =	vperm.xlane v55, v1;
	v57 =	vperm.xlane v19, v2  }
0xc0: {  	v26 =	vmax.f32 v32, v26  }
0xc1: {  	v58 =	vmax.f32 v55, v56;
	v19 =	vmax.f32 v19, v57;
	v59 =	vperm.xlane v26, v1  }
0xc2: {  	v34 =	vperm.xlane v58, v2;
	v35 =	vperm.xlane v19, v4  }
0xc3: {  	v26 =	vmax.f32 v26, v59  }
0xc4: {  	v32 =	vmax.f32 v58, v34;
	v19 =	vmax.f32 v19, v35;
	v33 =	vperm.xlane v26, v2  }
0xc5: {  	v34 =	vperm.xlane v32, v4;
	vm8 =	veq.f32 v40, v19  }
0xc6: {  	vm9 =	veq.f32 v39, v19;
	v60 =	vnsel vm8, $0x40, v5;
	v33 =	vmax.f32 v26, v33  }
0xc7: {  	vm8 =	veq.f32 v31, v19;
	v26 =	vsel vm9, v6, v60;
	v61 =	vperm.xlane v33, v4  }
0xc8: {  	vm9 =	veq.f32 v38, v19;
	v19 =	vsel vm8, v7, v26  }
0xc9: {  	v26 =	vmax.f32 v32, v34;
	v19 =	vsel vm9, v3, v19;
	v62 =	vmax.f32 v33, v61  }
0xca: {  	vm8 =	veq.f32 v14, v26;
	v63 =	vperm.xlane v19, v0;
	vm9 =	veq.f32 v44, v62  }
0xcb: {  	vm10 =	veq.f32 v18, v26;
	vm11 =	veq.f32 v43, v62;
	v37 =	vnsel vm9, $0x40, v5  }
0xcc: {  	vm12 =	veq.f32 v41, v62;
	vm9 =	vlt.s32 v19, v63;
	v34 =	vsel vm11, v6, v37  }
0xcd: {  	v19 =	vsel vm9, v19, v63;
	vm9 =	veq.f32 v36, v62;
	v42 =	vsel vm12, v7, v34  }
0xce: {  	v45 =	vnsel vm10, $0x40, v5;
	v46 =	vperm.xlane v19, v1;
	v32 =	vsel vm9, v3, v42  }
0xcf: {  	v33 =	vsel vm8, v6, v45;
	vm9 =	veq.f32 v15, v26;
	v47 =	vperm.xlane v32, v0  }
0xd0: {  	vm8 =	veq.f32 v17, v26;
	v33 =	vsel vm9, v7, v33;
	vm9 =	vlt.s32 v19, v46  }
0xd1: {  	v33 =	vsel vm8, v3, v33;
	v19 =	vsel vm9, v19, v46;
	vm8 =	vlt.s32 v32, v47  }
0xd2: {  	v48 =	vperm.xlane v33, v0;
	v49 =	vperm.xlane v19, v2;
	v32 =	vsel vm8, v32, v47  }
0xd3: {  	vm1 =	vcmask $0x320;
	v35 =	vperm.xlane v32, v1  }
0xd4: {  	v23 =	vnsel vm0, $0x0, v23;
	vm8 =	vlt.s32 v33, v48;
	vm9 =	vlt.s32 v19, v49  }
0xd5: {  	v33 =	vsel vm8, v33, v48;
	v50 =	vsel vm9, v19, v49;
	vm8 =	vlt.s32 v32, v35  }
0xd6: {  	v51 =	vperm.xlane v33, v1;
	v52 =	vperm.xlane v50, v4;
	v32 =	vsel vm8, v32, v35  }
0xd7: {  	vm2 =	vcmask $0x720;
	v23 =	vsel vm1, v23, v24;
	v35 =	vperm.xlane v32, v2  }
0xd8: {  	v23 =	vsel vm2, v23, v25;
	vm8 =	vlt.s32 v33, v51;
	vm9 =	vlt.s32 v50, v52  }
0xd9: {  	v24 =	vsel vm8, v33, v51;
	v45 =	vsel vm9, v50, v52;
	vm8 =	vlt.s32 v32, v35  }
0xda: {  	v53 =	vperm.xlane v24, v2;
	vm9 =	veq.s32 v45, v3;
	v54 =	vsel vm8, v32, v35  }
0xdb: {  	vm10 =	veq.s32 v45, v6;
	vm8 =	veq.s32 v45, v7;
	v55 =	vperm.xlane v54, v4  }
0xdc: {  	v33 =	vsel vm9, $0xFF800000, v38;
	v32 =	vsel vm8, $0xFF800000, v31;
	vm8 =	veq.s32 v45, v5  }
0xdd: {  	v35 =	vsel vm10, $0xFF800000, v39;
	v39 =	vsel vm8, $0xFF800000, v40;
	vm8 =	vlt.s32 v54, v55  }
0xde: {  	v31 =	vmax.f32 v33, v32;
	v56 =	vmax.f32 v35, v39;
	v46 =	vsel vm8, v54, v55  }
0xdf: {  	v31 =	vmax.f32 v31, v56;
	vm8 =	veq.s32 v46, v3;
	vm9 =	veq.s32 v46, v7  }
0xe0: {  	vm10 =	veq.s32 v46, v5;
	v34 =	vsel vm8, $0xFF800000, v36;
	vm8 =	veq.s32 v46, v6  }
0xe1: {  	v38 =	vsel vm9, $0xFF800000, v41;
	v37 =	vsel vm10, $0xFF800000, v44;
	v36 =	vsel vm8, $0xFF800000, v43  }
0xe2: {  	v57 =	vperm.xlane v31, v0;
	v41 =	vmax.f32 v34, v38;
	v43 =	vmax.f32 v36, v37  }
0xe3: {  	v27 =	vnsel vm0, $0x0, v27;
	vm8 =	vlt.s32 v24, v53;
	v25 =	vmax.f32 v41, v43  }
0xe4: {  	v31 =	vmax.f32 v31, v57;
	v24 =	vsel vm8, v24, v53;
	v58 =	vperm.xlane v25, v0  }
0xe5: {  	v23 =	vsel vm5, v23, v28;
	v60 =	vperm.xlane v31, v1;
	v59 =	vperm.xlane v24, v4  }
0xe6: {  	v27 =	vsel vm1, v27, v29;
	v23 =	vsel vm6, v23, v30;
	v25 =	vmax.f32 v25, v58  }
0xe7: {  	v28 =	vmax.f32 v31, v60;
	vm8 =	vlt.s32 v24, v59;
	v29 =	vperm.xlane v25, v1  }
0xe8: {  	v19 =	vimm.f32 $0.0e+00;
	v30 =	vperm.xlane v28, v2;
	v24 =	vsel vm8, v24, v59  }
0xe9: {  	v27 =	vsel vm2, v27, v45;
	vm8 =	veq.s32 v24, v3;
	v25 =	vmax.f32 v25, v29  }
0xea: {  	vm9 =	veq.s32 v24, v7;
	v28 =	vmax.f32 v28, v30;
	v29 =	vperm.xlane v25, v2  }
0xeb: {  	vm10 =	veq.s32 v24, v6;
	v31 =	vsel vm8, $0xFF800000, v17;
	v30 =	vperm.xlane v28, v4  }
0xec: {  	vm8 =	veq.s32 v24, v5;
	v41 =	vsel vm9, $0xFF800000, v15;
	v25 =	vmax.f32 v25, v29  }
0xed: {  	v40 =	vsel vm10, $0xFF800000, v14;
	v28 =	vmax.f32 v28, v30;
	v29 =	vperm.xlane v25, v4  }
0xee: {  	v42 =	vsel vm8, $0xFF800000, v18;
	vm8 =	veq.f32 v33, v28;
	vm9 =	veq.f32 v39, v28  }
0xef: {  	vm10 =	veq.f32 v35, v28;
	v25 =	vmax.f32 v25, v29;
	v29 =	vnsel vm9, $0x40, v5  }
0xf0: {  	vm9 =	veq.f32 v32, v28;
	v28 =	vsel vm10, v6, v29;
	vm10 =	veq.f32 v37, v25  }
0xf1: {  	v28 =	vsel vm9, v7, v28;
	vm9 =	veq.f32 v36, v25;
	v29 =	vnsel vm10, $0x40, v5  }
0xf2: {  	v30 =	vmax.f32 v31, v41;
	v29 =	vsel vm9, v6, v29;
	vm9 =	veq.f32 v38, v25  }
0xf3: {  	v61 =	vsel vm8, v3, v28;
	v28 =	vmax.f32 v40, v42;
	vm8 =	veq.f32 v34, v25  }
0xf4: {  	v25 =	vsel vm9, v7, v29;
	v30 =	vmax.f32 v30, v28;
	v62 =	vperm.xlane v61, v0  }
0xf5: {  	v28 =	vsel vm7, v23, v46;
	v25 =	vsel vm8, v3, v25;
	v63 =	vperm.xlane v30, v0  }
0xf6: {  	v29 =	vnsel vm0, $0x0, v24;
	v24 =	vimm.f32 $0.0e+00;
	v47 =	vperm.xlane v25, v0  }
0xf7: {  	v23 =	vimm.f32 $0.0e+00;
	vm8 =	vlt.s32 v61, v62;
	v30 =	vmax.f32 v30, v63  }
0xf8: {  	v44 =	vsel vm8, v61, v62;
	vm8 =	vlt.s32 v25, v47;
	v46 =	vperm.xlane v30, v1  }
0xf9: {  	s16 =	simm.s32 $0x600;
	v45 =	vperm.xlane v44, v1;
	v43 =	vsel vm8, v25, v47;
	v25 =	vimm.f32 $0.0e+00  }
.LBB2_2:
0xfa: {  	p0 =	sne.s32 s16, $0x3E00;
	v47 =	vperm.xlane v43, v1  }
0xfb: {  	s17 =	sshra.s32 s16, $0x2;
	v30 =	vmax.f32 v30, v46;
	vm8 =	vlt.s32 v44, v45  }
0xfc: {  	v48 =	vld [tilespmem:s17+$0x0];
	v46 =	vperm.xlane v30, v2;
	v44 =	vsel vm8, v44, v45;
	vm8 =	vlt.s32 v43, v47  }
0xfd: {  	v49 =	vld [tilespmem:s17+$0x10];
	v45 =	vperm.xlane v44, v2;
	v43 =	vsel vm8, v43, v47  }
0xfe: {  	v30 =	vmax.f32 v30, v46;
	v46 =	vperm.xlane v43, v2  }
0xff: {  	v47 =	vperm.xlane v30, v4;
	vm8 =	vlt.s32 v44, v45  }
0x100: {  	vm3 =	vmmov vm13;
	v44 =	vsel vm8, v44, v45;
	vm8 =	vlt.s32 v43, v46  }
0x101: {  	v30 =	vmax.f32 v30, v47;
	v45 =	vperm.xlane v44, v4;
	v46 =	vsel vm8, v43, v46  }
0x102: {  	v50 =	vmax.f32 v48, v49;
	vm8 =	veq.f32 v31, v30;
	v47 =	vperm.xlane v46, v4  }
0x103: {  	vm9 =	veq.f32 v41, v30;
	vm10 =	veq.f32 v40, v30;
	vm12 =	vlt.s32 v44, v45  }
0x104: {  	vm11 =	veq.f32 v42, v30;
	v43 =	vsel vm12, v44, v45;
	vm12 =	vlt.s32 v46, v47  }
0x105: {  	vm13 =	veq.s32 v43, v3;
	vm14 =	veq.s32 v43, v7;
	v30 =	vsel vm12, v46, v47  }
0x106: {  	vm12 =	veq.s32 v43, v6;
	vm15 =	veq.s32 v30, v3;
	vm1 =	veq.s32 v30, v7  }
0x107: {  	vm2 =	veq.s32 v30, v5;
	v44 =	vsel vm15, $0xFF800000, v34;
	vm15 =	veq.s32 v30, v6  }
0x108: {  	v47 =	vsel vm1, $0xFF800000, v38;
	v46 =	vsel vm2, $0xFF800000, v37;
	v45 =	vsel vm15, $0xFF800000, v36  }
0x109: {  	vm1 =	veq.s32 v43, v5;
	v36 =	vmax.f32 v44, v47;
	v34 =	vld [tilespmem:s17+$0x20];
	v38 =	vmax.f32 v45, v46  }
0x10a: {  	v33 =	vsel vm13, $0xFF800000, v33;
	v37 =	vsel vm14, $0xFF800000, v32;
	v51 =	vld [tilespmem:s17+$0x30];
	v32 =	vmax.f32 v36, v38  }
0x10b: {  	v35 =	vsel vm12, $0xFF800000, v35;
	v38 =	vsel vm1, $0xFF800000, v39;
	v36 =	vperm.xlane v32, v0  }
0x10c: {  	v52 =	vmax.f32 v33, v37;
	v39 =	vnsel vm11, $0x40, v5;
	v53 =	vmax.f32 v35, v38  }
0x10d: {  	v39 =	vsel vm10, v6, v39;
	v52 =	vmax.f32 v52, v53;
	v32 =	vmax.f32 v32, v36  }
0x10e: {  	v36 =	vsel vm9, v7, v39;
	v39 =	vperm.xlane v52, v0;
	v53 =	vperm.xlane v32, v1  }
0x10f: {  	v55 =	vsub.f32 v21, v22;
	v36 =	vsel vm8, v3, v36;
	v54 =	vmax.f32 v34, v51  }
0x110: {  	v21 =	vmovc v11;
	v56 =	vperm.xlane v36, v0;
	v52 =	vmax.f32 v52, v39;
	v32 =	vmax.f32 v32, v53  }
0x111: {  	v11 =	vmovc v17;
	v39 =	vmax.f32 v50, v54;
	v50 =	vperm.xlane v52, v1;
	v53 =	vperm.xlane v32, v2  }
0x112: {  	v17 =	vmovc v48;
	v48 =	vmul.f32 $1.442695020e+00, v55;
	v55 =	vsub.f32 v20, v22;
	v54 =	vsub.f32 v13, v22;
	v13 =	vmovc v9  }
0x113: {  	v9 =	vmovc v15;
	vm1 =	vlt.s32 v36, v56;
	v50 =	vmax.f32 v52, v50;
	v32 =	vmax.f32 v32, v53  }
0x114: {  	v15 =	vmovc v49;
	v36 =	vsel vm1, v36, v56;
	v49 =	vperm.xlane v50, v2;
	v52 =	vperm.xlane v32, v4  }
0x115: {  	v20 =	vmovc v10;
	v10 =	vmovc v14;
	v54 =	vmul.f32 $1.442695020e+00, v54;
	v56 =	vsub.f32 v16, v22;
	v53 =	vperm.xlane v36, v1  }
0x116: {  	v14 =	vmovc v34;
	v16 =	vmovc v8;
	v34 =	vmax.f32 v50, v49;
	v49 =	vmul.f32 $1.442695020e+00, v55;
	v32 =	vmax.f32 v32, v52  }
0x117: {  	v8 =	vmovc v18;
	vm1 =	vlt.s32 v36, v53;
	v50 =	vperm.xlane v34, v4;
	vm2 =	veq.f32 v46, v32  }
0x118: {  	v18 =	vmovc v51;
	v22 =	vmovc v12;
	v36 =	vsel vm1, v36, v53;
	vm1 =	veq.f32 v45, v32;
	v51 =	vnsel vm2, $0x40, v5  }
0x119: {  	v12 =	vmovc v26;
	v26 =	vmax.f32 v34, v50;
	vm2 =	veq.f32 v47, v32;
	v34 =	vsel vm1, v6, v51  }
0x11a: {  	vm8 =	veq.f32 v44, v32;
	vm1 =	veq.f32 v38, v26;
	v32 =	vsel vm2, v7, v34  }
0x11b: {  	vm2 =	veq.f32 v35, v26;
	v34 =	vnsel vm1, $0x40, v5;
	v32 =	vsel vm8, v3, v32  }
0x11c: {  	vm1 =	veq.f32 v37, v26;
	v34 =	vsel vm2, v6, v34;
	v50 =	vperm.xlane v32, v0  }
0x11d: {  	v51 =	vperm.xlane v36, v2;
	vm2 =	veq.f32 v33, v26;
	v26 =	vsel vm1, v7, v34  }
0x11e: {  	v34 =	vmul.f32 $1.442695020e+00, v56;
	v26 =	vsel vm2, v3, v26;
	vm1 =	vlt.s32 v32, v50  }
0x11f: {  	vm2 =	vlt.s32 v36, v51;
	v52 =	vperm.xlane v26, v0;
	v32 =	vsel vm1, v32, v50  }
0x120: {  	v27 =	vsel vm5, v27, v43;
	v36 =	vsel vm2, v36, v51;
	v50 =	vperm.xlane v32, v1  }
0x121: {  	(erf) = vpow2.f32 v48;
	v48 =	vperm.xlane v36, v4;
	vm1 =	vlt.s32 v26, v52  }
0x122: {  	(erf) = vpow2.f32 v54;
	v26 =	vsel vm1, v26, v52;
	v52 =	vperm.xlane v39, v0  }
0x123: {  	vm1 =	vlt.s32 v32, v50;
	(erf) = vpow2.f32 v49;
	vm2 =	vlt.s32 v36, v48  }
0x124: {  	v49 =	vperm.xlane v26, v1;
	v32 =	vsel vm1, v32, v50;
	v48 =	vsel vm2, v36, v48  }
0x125: {  	v39 =	vmax.f32 v39, v52;
	v36 =	vperm.xlane v32, v2;
	(erf) = vpow2.f32 v34  }
0x126: {  	vm1 =	veq.s32 v48, v3;
	vm2 =	veq.s32 v48, v7;
	vm8 =	vlt.s32 v26, v49  }
0x127: {  	vm9 =	veq.s32 v48, v6;
	v26 =	vsel vm8, v26, v49;
	vm8 =	vlt.s32 v32, v36  }
0x128: {  	vm10 =	veq.s32 v48, v5;
	v31 =	vsel vm1, $0xFF800000, v31;
	v50 =	vsel vm8, v32, v36  }
0x129: {  	v34 =	vsel vm9, $0xFF800000, v40;
	v49 =	vperm.xlane v26, v2;
	v51 =	vperm.xlane v50, v4  }
0x12a: {  	vm9 =	veq.f32 v47, $-Inf;
	v32 =	vsel vm2, $0xFF800000, v41;
	v36 =	vsel vm10, $0xFF800000, v42  }
0x12b: {  	vm8 =	veq.f32 v44, $-Inf;
	vm1 =	vlt.s32 v26, v49;
	v40 =	vpop (erf);
	vm2 =	vlt.s32 v50, v51  }
0x12c: {  	vm10 =	veq.f32 v46, $-Inf;
	v26 =	vsel vm1, v26, v49;
	v42 =	vpop (erf);
	v47 =	vsel vm2, v50, v51  }
0x12d: {  	vm1 =	vcmask $0x320;
	vm2 =	veq.f32 v45, $-Inf;
	v41 =	vpop (erf);
	vm11 =	veq.s32 v47, v3  }
0x12e: {  	vm12 =	veq.s32 v47, v7;
	vm13 =	veq.s32 v47, v6;
	vm14 =	veq.s32 v47, v5  }
0x12f: {  	vm8 =	vmor vm11, vm8;
	vm9 =	vmor vm12, vm9;
	v50 =	vpop (erf);
	vm2 =	vmor vm13, vm2  }
0x130: {  	vm13 =	vmmov vm3;
	v46 =	vnsel vm8, $0x0, v40;
	vm8 =	vmor vm14, vm10  }
0x131: {  	v45 =	vnsel vm9, $0x0, v42;
	v44 =	vnsel vm2, $0x0, v41;
	v50 =	vnsel vm8, $0x0, v50  }
0x132: {  	v51 =	vperm.xlane v26, v4;
	v40 =	vadd.f32 v45, v46;
	v41 =	vadd.f32 v50, v44  }
0x133: {  	v49 =	vmax.f32 v34, v36;
	v29 =	vsel vm1, v29, v48;
	v42 =	vmax.f32 v31, v32  }
0x134: {  	vm1 =	vlt.s32 v26, v51;
	v42 =	vmax.f32 v42, v49;
	v40 =	vadd.f32 v41, v40  }
0x135: {  	v26 =	vsel vm1, v26, v51;
	v49 =	vperm.xlane v39, v1;
	v41 =	vperm.xlane v42, v0  }
0x136: {  	vm1 =	veq.s32 v26, v3;
	vm2 =	veq.s32 v26, v7;
	v48 =	vperm.xlane v40, v0  }
0x137: {  	vm8 =	veq.s32 v26, v6;
	v37 =	vsel vm2, $0xFF800000, v37;
	v51 =	vmax.f32 v42, v41  }
0x138: {  	v42 =	vsel vm1, $0xFF800000, v33;
	vm1 =	veq.s32 v26, v5;
	v48 =	vadd.f32 v40, v48  }
0x139: {  	v41 =	vsel vm1, $0xFF800000, v38;
	v40 =	vsel vm8, $0xFF800000, v35;
	v35 =	vperm.xlane v51, v1  }
0x13a: {  	v38 =	vmax.f32 v42, v37;
	v52 =	vmax.f32 v40, v41;
	v33 =	vperm.xlane v48, v1  }
0x13b: {  	v39 =	vmax.f32 v39, v49;
	v38 =	vmax.f32 v38, v52;
	v35 =	vmax.f32 v51, v35  }
0x13c: {  	v49 =	vperm.xlane v38, v0;
	v51 =	vperm.xlane v35, v2;
	v33 =	vadd.f32 v48, v33  }
0x13d: {  	v43 =	vsel vm6, v27, v26;
	v48 =	vperm.xlane v39, v2  }
0x13e: {  	v26 =	vmax.f32 v38, v49;
	v27 =	vmax.f32 v35, v51;
	v52 =	vperm.xlane v33, v2  }
0x13f: {  	v39 =	vmax.f32 v39, v48;
	v35 =	vperm.xlane v26, v1;
	v48 =	vperm.xlane v27, v4  }
0x140: {  	v28 =	vsel vm3, v28, v30;
	v38 =	vperm.xlane v39, v4;
	v33 =	vadd.f32 v33, v52  }
0x141: {  	v28 =	vsel vm4, v28, v47;
	v30 =	vmax.f32 v26, v35;
	v27 =	vmax.f32 v27, v48  }
0x142: {  	v26 =	vmax.f32 v39, v38;
	v38 =	vperm.xlane v30, v2;
	v35 =	vperm.xlane v33, v4  }
0x143: {  	vm1 =	veq.f32 v32, v27;
	vm2 =	veq.f32 v36, v27;
	vm8 =	veq.f32 v34, v27;
	[tilespmem:s13+$0x1000] =	vst v28  }
0x144: {  	v30 =	vmax.f32 v30, v38;
	v28 =	vadd.f32 v33, v35;
	v33 =	vnsel vm2, $0x40, v5  }
0x145: {  	v35 =	vperm.xlane v30, v4;
	v33 =	vsel vm8, v6, v33  }
0x146: {  	vm8 =	veq.f32 v31, v27;
	(erf) = vrcp.f32 v28;
	v27 =	vsel vm1, v7, v33  }
0x147: {  	vm2 =	veq.f32 v15, v26;
	vm1 =	veq.f32 v14, v26;
	v27 =	vsel vm8, v3, v27  }
0x148: {  	v28 =	vmax.f32 v30, v35;
	vm8 =	veq.f32 v18, v26;
	v30 =	vperm.xlane v27, v0  }
0x149: {  	vm9 =	veq.f32 v41, v28;
	vm10 =	veq.f32 v37, v28;
	v33 =	vnsel vm8, $0x40, v5  }
0x14a: {  	vm8 =	veq.f32 v40, v28;
	v35 =	vnsel vm9, $0x40, v5;
	vm9 =	vlt.s32 v27, v30  }
0x14b: {  	v35 =	vsel vm8, v6, v35;
	vm8 =	veq.f32 v42, v28;
	v27 =	vsel vm9, v27, v30  }
0x14c: {  	v28 =	vsel vm10, v7, v35;
	v30 =	vsel vm1, v6, v33;
	v33 =	vperm.xlane v27, v1  }
0x14d: {  	v28 =	vsel vm8, v3, v28;
	vm1 =	veq.f32 v17, v26;
	v30 =	vsel vm2, v7, v30  }
0x14e: {  	v35 =	vperm.xlane v28, v0;
	v30 =	vsel vm1, v3, v30;
	vm1 =	vlt.s32 v27, v33  }
0x14f: {  	v39 =	vperm.xlane v30, v0;
	v38 =	vpop (erf);
	v27 =	vsel vm1, v27, v33  }
0x150: {  	vm1 =	vlt.s32 v28, v35;
	v33 =	vmul.f32 v38, v50;
	v47 =	vperm.xlane v27, v2  }
0x151: {  	v28 =	vsel vm1, v28, v35;
	v46 =	vmul.f32 v38, v46;
	vm1 =	vlt.s32 v30, v39  }
0x152: {  	v35 =	vperm.xlane v28, v1;
	[tilespmem:s13+$0x2030] =	vst v33;
	v19 =	vadd.f32 v33, v19;
	vm2 =	vlt.s32 v27, v47  }
0x153: {  	v30 =	vsel vm1, v30, v39;
	v33 =	vmul.f32 v38, v45;
	v27 =	vsel vm2, v27, v47  }
0x154: {  	v39 =	vperm.xlane v30, v1;
	vm1 =	vlt.s32 v28, v35;
	[tilespmem:s13+$0x2000] =	vst v46;
	v45 =	vperm.xlane v27, v4  }
0x155: {  	v44 =	vmul.f32 v38, v44;
	v25 =	vadd.f32 v46, v25;
	v28 =	vsel vm1, v28, v35;
	[tilespmem:s13+$0x2010] =	vst v33  }
0x156: {  	vm1 =	vlt.s32 v30, v39;
	v35 =	vperm.xlane v28, v2;
	vm2 =	vlt.s32 v27, v45  }
0x157: {  	v24 =	vadd.f32 v33, v24;
	v30 =	vsel vm1, v30, v39;
	v27 =	vsel vm2, v27, v45  }
0x158: {  	vm1 =	vlt.s32 v28, v35;
	v45 =	vperm.xlane v30, v2;
	[tilespmem:s13+$0x2020] =	vst v44;
	s13 =	smov.u32 s14;
	s14 =	smov.u32 s15;
	s15 =	smov.u32 s17;
	vm2 =	veq.s32 v27, v3  }
0x159: {  	v28 =	vsel vm1, v28, v35;
	vm1 =	veq.s32 v27, v7;
	vm8 =	veq.s32 v27, v6  }
0x15a: {  	v38 =	vperm.xlane v28, v4;
	v32 =	vsel vm1, $0xFF800000, v32;
	vm1 =	veq.s32 v27, v5  }
0x15b: {  	v33 =	vsel vm2, $0xFF800000, v31;
	v35 =	vsel vm8, $0xFF800000, v34;
	v39 =	vsel vm1, $0xFF800000, v36  }
0x15c: {  	v31 =	vmax.f32 v33, v32;
	vm1 =	vlt.s32 v28, v38;
	v34 =	vmax.f32 v35, v39  }
0x15d: {  	v28 =	vsel vm1, v28, v38;
	v31 =	vmax.f32 v31, v34  }
0x15e: {  	vm1 =	veq.s32 v28, v3;
	vm2 =	veq.s32 v28, v7;
	vm8 =	veq.s32 v28, v5  }
0x15f: {  	v34 =	vsel vm1, $0xFF800000, v42;
	vm1 =	veq.s32 v28, v6;
	v38 =	vsel vm2, $0xFF800000, v37  }
0x160: {  	v37 =	vsel vm8, $0xFF800000, v41;
	vm2 =	vcmask $0x720;
	v36 =	vsel vm1, $0xFF800000, v40  }
0x161: {  	v40 =	vperm.xlane v31, v0;
	v41 =	vmax.f32 v34, v38;
	v42 =	vmax.f32 v36, v37  }
0x162: {  	vm1 =	vlt.s32 v30, v45;
	v27 =	vsel vm2, v29, v27;
	v29 =	vmax.f32 v41, v42  }
0x163: {  	v30 =	vsel vm1, v30, v45;
	v31 =	vmax.f32 v31, v40;
	v40 =	vperm.xlane v29, v0  }
0x164: {  	v28 =	vsel vm7, v43, v28;
	v41 =	vperm.xlane v30, v4;
	v42 =	vperm.xlane v31, v1  }
0x165: {  	v23 =	vadd.f32 v44, v23;
	v29 =	vmax.f32 v29, v40  }
0x166: {  	vm1 =	vlt.s32 v30, v41;
	v31 =	vmax.f32 v31, v42;
	v40 =	vperm.xlane v29, v1  }
0x167: {  	v30 =	vsel vm1, v30, v41;
	v41 =	vperm.xlane v31, v2  }
0x168: {  	vm1 =	veq.s32 v30, v3;
	vm2 =	veq.s32 v30, v7;
	v29 =	vmax.f32 v29, v40  }
0x169: {  	vm8 =	veq.s32 v30, v6;
	v43 =	vmax.f32 v31, v41;
	v42 =	vperm.xlane v29, v2  }
0x16a: {  	v31 =	vsel vm1, $0xFF800000, v17;
	vm1 =	veq.s32 v30, v5;
	v44 =	vperm.xlane v43, v4  }
0x16b: {  	v41 =	vsel vm2, $0xFF800000, v15;
	v40 =	vsel vm8, $0xFF800000, v14;
	v29 =	vmax.f32 v29, v42  }
0x16c: {  	v42 =	vsel vm1, $0xFF800000, v18;
	v43 =	vmax.f32 v43, v44;
	v44 =	vperm.xlane v29, v4  }
0x16d: {  	v45 =	vmax.f32 v31, v41;
	v46 =	vmax.f32 v40, v42;
	vm1 =	veq.f32 v33, v43  }
0x16e: {  	vm2 =	veq.f32 v32, v43;
	vm8 =	veq.f32 v39, v43;
	v29 =	vmax.f32 v29, v44  }
0x16f: {  	vm9 =	veq.f32 v35, v43;
	v43 =	vnsel vm8, $0x40, v5;
	vm8 =	veq.f32 v37, v29  }
0x170: {  	v43 =	vsel vm9, v6, v43;
	vm9 =	veq.f32 v36, v29;
	v44 =	vnsel vm8, $0x40, v5  }
0x171: {  	v43 =	vsel vm2, v7, v43;
	vm2 =	veq.f32 v38, v29;
	v44 =	vsel vm9, v6, v44  }
0x172: {  	v43 =	vsel vm1, v3, v43;
	vm1 =	veq.f32 v34, v29;
	v29 =	vsel vm2, v7, v44  }
.Ltmp0:
0x173: {  	v44 =	vmax.f32 v45, v46;
	v45 =	vperm.xlane v43, v0;
	v47 =	vsel vm1, v3, v29;
	(pc) =	sbr.rel @p0 .LBB2_2-.Ltmp0, $4  }
0x174: {  	v29 =	vnsel vm0, $0x0, v30;
	v30 =	vperm.xlane v44, v0;
	v48 =	vperm.xlane v47, v0  }
0x175: {  	vm1 =	vlt.s32 v43, v45  }
0x176: {  	v30 =	vmax.f32 v44, v30;
	v44 =	vsel vm1, v43, v45;
	vm1 =	vlt.s32 v47, v48  }
0x177: {  	s16 =	sadd.s32 $0x200, s16;
	v46 =	vperm.xlane v30, v1;
	v45 =	vperm.xlane v44, v1;
	v43 =	vsel vm1, v47, v48  }
0x178: {  	_ = 	snop  }
0x179: {  	v30 =	vmax.f32 v30, v46  }
0x17a: {  	v46 =	vperm.xlane v30, v2;
	_ =	sdelay $0x1  }
0x17b: {  	v30 =	vmax.f32 v30, v46  }
0x17c: {  	v46 =	vperm.xlane v30, v4;
	_ =	sdelay $0x1  }
0x17d: {  	v30 =	vmax.f32 v30, v46  }
0x17e: {  	vm1 =	veq.f32 v42, v30  }
0x17f: {  	vm2 =	veq.f32 v40, v30;
	v54 =	vnsel vm1, $0x40, v5  }
0x180: {  	vm1 =	veq.f32 v41, v30;
	v46 =	vsel vm2, v6, v54  }
0x181: {  	vm2 =	veq.f32 v31, v30;
	v55 =	vsel vm1, v7, v46  }
0x182: {  	v30 =	vsel vm2, v3, v55  }
0x183: {  	v56 =	vperm.xlane v30, v0;
	_ =	sdelay $0x1  }
0x184: {  	vm1 =	vlt.s32 v30, v56  }
0x185: {  	v30 =	vsel vm1, v30, v56  }
0x186: {  	v46 =	vperm.xlane v30, v1;
	_ =	sdelay $0x1  }
0x187: {  	vm1 =	vlt.s32 v30, v46  }
0x188: {  	v30 =	vsel vm1, v30, v46  }
0x189: {  	v46 =	vperm.xlane v30, v2;
	_ =	sdelay $0x1  }
0x18a: {  	vm1 =	vlt.s32 v30, v46  }
0x18b: {  	v30 =	vsel vm1, v30, v46  }
0x18c: {  	v46 =	vperm.xlane v30, v4;
	_ =	sdelay $0x1  }
0x18d: {  	vm1 =	vlt.s32 v30, v46  }
0x18e: {  	v30 =	vsel vm1, v30, v46  }
0x18f: {  	vm1 =	veq.s32 v30, v3;
	vm2 =	veq.s32 v30, v7  }
0x190: {  	vm8 =	veq.s32 v30, v6;
	vm9 =	veq.s32 v30, v5;
	v46 =	vsel vm1, $0xFF800000, v31  }
0x191: {  	v41 =	vsel vm2, $0xFF800000, v41;
	v57 =	vsel vm8, $0xFF800000, v40;
	v58 =	vsel vm9, $0xFF800000, v42  }
0x192: {  	v31 =	vmax.f32 v46, v41;
	v47 =	vmax.f32 v57, v58  }
0x193: {  	v31 =	vmax.f32 v31, v47  }
0x194: {  	v47 =	vperm.xlane v31, v0;
	_ =	sdelay $0x1  }
0x195: {  	v31 =	vmax.f32 v31, v47  }
0x196: {  	v47 =	vperm.xlane v31, v1;
	_ =	sdelay $0x1  }
0x197: {  	v31 =	vmax.f32 v31, v47  }
0x198: {  	v47 =	vperm.xlane v31, v2;
	_ =	sdelay $0x1  }
0x199: {  	v31 =	vmax.f32 v31, v47  }
0x19a: {  	vm1 =	vlt.s32 v44, v45;
	v47 =	vperm.xlane v31, v4  }
0x19b: {  	v44 =	vsel vm1, v44, v45  }
0x19c: {  	v45 =	vperm.xlane v44, v2;
	v31 =	vmax.f32 v31, v47  }
0x19d: {  	vm1 =	veq.f32 v58, v31  }
0x19e: {  	vm2 =	vlt.s32 v44, v45;
	vm8 =	veq.f32 v57, v31;
	v59 =	vnsel vm1, $0x40, v5  }
0x19f: {  	v44 =	vsel vm2, v44, v45;
	vm1 =	veq.f32 v41, v31;
	v60 =	vsel vm8, v6, v59  }
0x1a0: {  	v61 =	vperm.xlane v44, v4;
	vm2 =	veq.f32 v46, v31;
	v62 =	vsel vm1, v7, v60  }
0x1a1: {  	v45 =	vsel vm2, v3, v62  }
0x1a2: {  	vm1 =	vlt.s32 v44, v61;
	v48 =	vperm.xlane v45, v0  }
0x1a3: {  	v31 =	vsel vm1, v44, v61  }
0x1a4: {  	vm1 =	veq.s32 v31, v3;
	vm2 =	vlt.s32 v45, v48  }
0x1a5: {  	vm8 =	veq.s32 v31, v7;
	vm9 =	veq.s32 v31, v6;
	v63 =	vsel vm2, v45, v48  }
0x1a6: {  	v47 =	vsel vm8, $0xFF800000, v32;
	vm2 =	veq.s32 v31, v5;
	v52 =	vperm.xlane v63, v1  }
0x1a7: {  	v35 =	vsel vm9, $0xFF800000, v35;
	v45 =	vsel vm1, $0xFF800000, v33;
	v39 =	vsel vm2, $0xFF800000, v39  }
0x1a8: {  	v32 =	vmax.f32 v45, v47;
	v53 =	vmax.f32 v35, v39;
	vm1 =	vlt.s32 v63, v52  }
0x1a9: {  	v32 =	vmax.f32 v32, v53;
	v33 =	vsel vm1, v63, v52  }
0x1aa: {  	v54 =	vperm.xlane v32, v0;
	v55 =	vperm.xlane v33, v2;
	_ =	sdelay $0x1  }
0x1ab: {  	v32 =	vmax.f32 v32, v54;
	vm1 =	vlt.s32 v33, v55  }
0x1ac: {  	v44 =	vperm.xlane v32, v1;
	v33 =	vsel vm1, v33, v55  }
0x1ad: {  	v48 =	vperm.xlane v33, v4  }
0x1ae: {  	v44 =	vmax.f32 v32, v44  }
0x1af: {  	v49 =	vperm.xlane v44, v2;
	vm1 =	vlt.s32 v33, v48  }
0x1b0: {  	v32 =	vsel vm1, v33, v48  }
0x1b1: {  	v56 =	vmax.f32 v44, v49;
	vm1 =	veq.s32 v32, v3;
	vm2 =	veq.s32 v32, v7  }
0x1b2: {  	vm8 =	veq.s32 v32, v6;
	v44 =	vsel vm1, $0xFF800000, v46;
	vm1 =	veq.s32 v32, v5  }
0x1b3: {  	v41 =	vsel vm2, $0xFF800000, v41;
	v40 =	vsel vm8, $0xFF800000, v57;
	v42 =	vsel vm1, $0xFF800000, v58  }
0x1b4: {  	v57 =	vperm.xlane v56, v4;
	v58 =	vmax.f32 v44, v41;
	v59 =	vmax.f32 v40, v42  }
0x1b5: {  	v48 =	vmax.f32 v58, v59  }
0x1b6: {  	v33 =	vmax.f32 v56, v57;
	v60 =	vperm.xlane v48, v0  }
0x1b7: {  	vm1 =	veq.f32 v39, v33  }
0x1b8: {  	vm2 =	veq.f32 v35, v33;
	v61 =	vnsel vm1, $0x40, v5;
	v46 =	vmax.f32 v48, v60  }
0x1b9: {  	vm1 =	veq.f32 v47, v33;
	v62 =	vsel vm2, v6, v61;
	v63 =	vperm.xlane v46, v1  }
0x1ba: {  	vm2 =	veq.f32 v45, v33;
	v52 =	vsel vm1, v7, v62  }
0x1bb: {  	v33 =	vsel vm2, v3, v52;
	v46 =	vmax.f32 v46, v63  }
0x1bc: {  	v53 =	vperm.xlane v33, v0;
	v49 =	vperm.xlane v46, v2;
	_ =	sdelay $0x1  }
0x1bd: {  	vm1 =	vlt.s32 v33, v53;
	v46 =	vmax.f32 v46, v49  }
0x1be: {  	v33 =	vsel vm1, v33, v53;
	v54 =	vperm.xlane v46, v4  }
0x1bf: {  	v55 =	vperm.xlane v33, v1  }
0x1c0: {  	v46 =	vmax.f32 v46, v54  }
0x1c1: {  	vm1 =	vlt.s32 v33, v55;
	vm2 =	veq.f32 v42, v46  }
0x1c2: {  	v33 =	vsel vm1, v33, v55;
	vm1 =	veq.f32 v40, v46;
	v56 =	vnsel vm2, $0x40, v5  }
0x1c3: {  	v49 =	vperm.xlane v33, v2;
	vm2 =	veq.f32 v41, v46;
	v48 =	vsel vm1, v6, v56  }
0x1c4: {  	vm1 =	veq.f32 v44, v46;
	v57 =	vsel vm2, v7, v48  }
0x1c5: {  	v58 =	vperm.xlane v43, v1;
	vm2 =	vlt.s32 v33, v49;
	v46 =	vsel vm1, v3, v57  }
0x1c6: {  	v33 =	vsel vm2, v33, v49;
	v59 =	vperm.xlane v46, v0  }
0x1c7: {  	vm1 =	vlt.s32 v43, v58;
	v50 =	vperm.xlane v33, v4  }
0x1c8: {  	v43 =	vsel vm1, v43, v58;
	vm1 =	vlt.s32 v46, v59  }
0x1c9: {  	v48 =	vperm.xlane v43, v2;
	vm2 =	vlt.s32 v33, v50;
	v46 =	vsel vm1, v46, v59  }
0x1ca: {  	v33 =	vsel vm2, v33, v50;
	v49 =	vperm.xlane v46, v1  }
0x1cb: {  	vm1 =	vlt.s32 v43, v48;
	vm2 =	veq.s32 v33, v3;
	vm8 =	veq.s32 v33, v7  }
0x1cc: {  	vm9 =	veq.s32 v33, v6;
	v45 =	vsel vm2, $0xFF800000, v45;
	vm2 =	vlt.s32 v46, v49  }
0x1cd: {  	v47 =	vsel vm8, $0xFF800000, v47;
	vm8 =	veq.s32 v33, v5;
	v46 =	vsel vm2, v46, v49  }
0x1ce: {  	v50 =	vsel vm8, $0xFF800000, v39;
	v49 =	vsel vm9, $0xFF800000, v35;
	v60 =	vperm.xlane v46, v2  }
0x1cf: {  	v61 =	vsel vm1, v43, v48;
	v62 =	vmax.f32 v45, v47;
	v63 =	vmax.f32 v49, v50  }
0x1d0: {  	v51 =	vperm.xlane v61, v4;
	v43 =	vmax.f32 v62, v63;
	vm1 =	vlt.s32 v46, v60  }
0x1d1: {  	v48 =	vperm.xlane v43, v0;
	v46 =	vsel vm1, v46, v60  }
0x1d2: {  	vm1 =	vlt.s32 v61, v51;
	v52 =	vperm.xlane v46, v4  }
0x1d3: {  	v35 =	vsel vm1, v61, v51;
	v43 =	vmax.f32 v43, v48  }
0x1d4: {  	vm1 =	veq.s32 v35, v3;
	v48 =	vperm.xlane v43, v1;
	vm2 =	vlt.s32 v46, v52  }
0x1d5: {  	vm8 =	veq.s32 v35, v7;
	v39 =	vsel vm1, $0xFF800000, v34;
	v34 =	vsel vm2, v46, v52  }
0x1d6: {  	v43 =	vmax.f32 v43, v48;
	vm1 =	veq.s32 v34, v3;
	vm2 =	veq.s32 v34, v7  }
0x1d7: {  	vm9 =	veq.s32 v34, v6;
	vm10 =	veq.s32 v34, v5;
	v44 =	vsel vm1, $0xFF800000, v44  }
0x1d8: {  	v41 =	vsel vm2, $0xFF800000, v41;
	v46 =	vsel vm9, $0xFF800000, v40;
	v42 =	vsel vm10, $0xFF800000, v42  }
0x1d9: {  	v54 =	vperm.xlane v43, v2;
	v55 =	vmax.f32 v44, v41;
	v56 =	vmax.f32 v46, v42  }
0x1da: {  	v38 =	vsel vm8, $0xFF800000, v38;
	vm1 =	veq.s32 v35, v6;
	v48 =	vmax.f32 v55, v56  }
0x1db: {  	vm2 =	veq.s32 v35, v5;
	v43 =	vmax.f32 v43, v54;
	v51 =	vperm.xlane v48, v0  }
0x1dc: {  	v40 =	vsel vm1, $0xFF800000, v36;
	v37 =	vsel vm2, $0xFF800000, v37;
	v57 =	vperm.xlane v43, v4  }
0x1dd: {  	v58 =	vmax.f32 v39, v38;
	v53 =	vmax.f32 v40, v37;
	v48 =	vmax.f32 v48, v51  }
0x1de: {  	v59 =	vmax.f32 v58, v53;
	v36 =	vmax.f32 v43, v57;
	v60 =	vperm.xlane v48, v1  }
0x1df: {  	v52 =	vperm.xlane v59, v0;
	vm1 =	veq.f32 v50, v36;
	vm2 =	veq.f32 v49, v36  }
0x1e0: {  	v61 =	vnsel vm1, $0x40, v5;
	vm1 =	veq.f32 v47, v36;
	v43 =	vmax.f32 v48, v60  }
0x1e1: {  	v51 =	vmax.f32 v59, v52;
	v62 =	vsel vm2, v6, v61;
	v63 =	vperm.xlane v43, v2  }
0x1e2: {  	vm2 =	veq.f32 v45, v36;
	v57 =	vperm.xlane v51, v1;
	v56 =	vsel vm1, v7, v62  }
0x1e3: {  	v36 =	vsel vm2, v3, v56;
	v43 =	vmax.f32 v43, v63  }
0x1e4: {  	v48 =	vmax.f32 v51, v57;
	v58 =	vperm.xlane v36, v0;
	v53 =	vperm.xlane v43, v4  }
0x1e5: {  	v51 =	vperm.xlane v48, v2  }
0x1e6: {  	vm1 =	vlt.s32 v36, v58;
	v43 =	vmax.f32 v43, v53  }
0x1e7: {  	v48 =	vmax.f32 v48, v51;
	v36 =	vsel vm1, v36, v58;
	vm1 =	veq.f32 v42, v43  }
0x1e8: {  	v52 =	vperm.xlane v36, v1;
	vm2 =	veq.f32 v46, v43;
	v59 =	vnsel vm1, $0x40, v5  }
0x1e9: {  	v62 =	vperm.xlane v48, v4;
	vm1 =	veq.f32 v41, v43;
	v60 =	vsel vm2, v6, v59  }
0x1ea: {  	vm8 =	veq.f32 v44, v43;
	vm2 =	vlt.s32 v36, v52;
	v61 =	vsel vm1, v7, v60  }
0x1eb: {  	v36 =	vsel vm2, v36, v52;
	v43 =	vsel vm8, v3, v61  }
0x1ec: {  	v48 =	vmax.f32 v48, v62;
	v52 =	vperm.xlane v36, v2;
	v63 =	vperm.xlane v43, v0  }
0x1ed: {  	vm9 =	veq.f32 v40, v48;
	vm1 =	veq.f32 v37, v48  }
0x1ee: {  	v56 =	vnsel vm1, $0x40, v5;
	vm2 =	vlt.s32 v36, v52;
	vm8 =	vlt.s32 v43, v63  }
0x1ef: {  	vm1 =	veq.f32 v38, v48;
	v36 =	vsel vm2, v36, v52;
	v43 =	vsel vm8, v43, v63  }
0x1f0: {  	v51 =	vsel vm9, v6, v56;
	v52 =	vperm.xlane v36, v4;
	v53 =	vperm.xlane v43, v1  }
0x1f1: {  	v57 =	vsel vm1, v7, v51  }
0x1f2: {  	vm2 =	veq.f32 v39, v48;
	vm1 =	vlt.s32 v36, v52;
	vm8 =	vlt.s32 v43, v53  }
0x1f3: {  	v48 =	vsel vm2, v3, v57;
	v36 =	vsel vm1, v36, v52;
	v43 =	vsel vm8, v43, v53  }
0x1f4: {  	v58 =	vperm.xlane v48, v0;
	vm1 =	veq.s32 v36, v3;
	v59 =	vperm.xlane v43, v2  }
0x1f5: {  	vm2 =	veq.s32 v36, v7;
	vm8 =	veq.s32 v36, v5;
	v45 =	vsel vm1, $0xFF800000, v45  }
0x1f6: {  	vm1 =	veq.s32 v36, v6;
	v47 =	vsel vm2, $0xFF800000, v47;
	vm2 =	vlt.s32 v43, v59  }
0x1f7: {  	v50 =	vsel vm8, $0xFF800000, v50;
	v49 =	vsel vm1, $0xFF800000, v49;
	v43 =	vsel vm2, v43, v59  }
0x1f8: {  	v60 =	vmax.f32 v45, v47;
	v61 =	vmax.f32 v49, v50;
	v54 =	vperm.xlane v43, v4  }
0x1f9: {  	v13 =	vsub.f32 v13, v22;
	v52 =	vmax.f32 v60, v61  }
0x1fa: {  	vm1 =	vlt.s32 v48, v58;
	v53 =	vperm.xlane v52, v0;
	vm2 =	vlt.s32 v43, v54  }
0x1fb: {  	v62 =	vsub.f32 v21, v22;
	v48 =	vsel vm1, v48, v58;
	v21 =	vsel vm2, v43, v54  }
0x1fc: {  	v63 =	vmax.f32 v52, v53;
	vm1 =	veq.s32 v21, v3;
	vm2 =	veq.s32 v21, v7  }
0x1fd: {  	vm8 =	veq.s32 v21, v6;
	v44 =	vsel vm1, $0xFF800000, v44;
	vm1 =	veq.s32 v21, v5  }
0x1fe: {  	v41 =	vsel vm2, $0xFF800000, v41;
	v46 =	vsel vm8, $0xFF800000, v46;
	v42 =	vsel vm1, $0xFF800000, v42  }
0x1ff: {  	v52 =	vperm.xlane v63, v1;
	v57 =	vmax.f32 v44, v41;
	v58 =	vmax.f32 v46, v42  }
0x200: {  	v20 =	vsub.f32 v20, v22;
	v53 =	vmax.f32 v57, v58  }
0x201: {  	v13 =	vmul.f32 $1.442695020e+00, v13;
	v43 =	vmax.f32 v63, v52;
	v59 =	vperm.xlane v53, v0  }
0x202: {  	v16 =	vsub.f32 v16, v22;
	v60 =	vperm.xlane v48, v1;
	v61 =	vperm.xlane v43, v2  }
0x203: {  	v20 =	vmul.f32 $1.442695020e+00, v20;
	v51 =	vmul.f32 $1.442695020e+00, v62;
	v52 =	vmax.f32 v53, v59  }
0x204: {  	vm1 =	vlt.s32 v48, v60;
	v43 =	vmax.f32 v43, v61;
	v53 =	vperm.xlane v52, v1  }
0x205: {  	v16 =	vmul.f32 $1.442695020e+00, v16;
	v22 =	vsel vm1, v48, v60;
	v62 =	vperm.xlane v43, v4  }
0x206: {  	(erf) = vpow2.f32 v51;
	v63 =	vperm.xlane v22, v2;
	v52 =	vmax.f32 v52, v53  }
0x207: {  	(erf) = vpow2.f32 v13;
	v54 =	vmax.f32 v43, v62;
	v55 =	vperm.xlane v52, v2  }
0x208: {  	(erf) = vpow2.f32 v20;
	vm1 =	vlt.s32 v22, v63;
	vm2 =	veq.f32 v50, v54  }
0x209: {  	vm8 =	veq.f32 v49, v54;
	v56 =	vnsel vm2, $0x40, v5;
	v43 =	vmax.f32 v52, v55  }
0x20a: {  	vm2 =	veq.f32 v47, v54;
	v20 =	vsel vm8, v6, v56;
	v57 =	vperm.xlane v43, v4  }
0x20b: {  	v22 =	vsel vm1, v22, v63;
	vm1 =	veq.f32 v45, v54;
	v58 =	vsel vm2, v7, v20  }
0x20c: {  	v59 =	vperm.xlane v22, v4;
	v13 =	vsel vm1, v3, v58;
	v43 =	vmax.f32 v43, v57  }
0x20d: {  	(erf) = vpow2.f32 v16;
	v60 =	vperm.xlane v13, v0;
	vm1 =	veq.f32 v42, v43  }
0x20e: {  	vm2 =	vlt.s32 v22, v59;
	vm8 =	veq.f32 v46, v43;
	v61 =	vnsel vm1, $0x40, v5  }
0x20f: {  	vm9 =	veq.f32 v41, v43;
	vm1 =	vlt.s32 v13, v60;
	v48 =	vsel vm8, v6, v61  }
0x210: {  	v16 =	vsel vm1, v13, v60;
	vm1 =	veq.f32 v44, v43;
	v62 =	vsel vm9, v7, v48  }
0x211: {  	vm8 =	veq.f32 v39, $-Inf;
	v63 =	vperm.xlane v16, v1;
	v43 =	vsel vm1, v3, v62  }
0x212: {  	v13 =	vsel vm2, v22, v59;
	vm2 =	veq.f32 v40, $-Inf;
	v48 =	vperm.xlane v43, v0  }
0x213: {  	vm9 =	veq.f32 v37, $-Inf;
	vm11 =	veq.s32 v13, v3;
	vm10 =	vlt.s32 v16, v63  }
0x214: {  	v53 =	vpop (erf);
	vm8 =	vmor vm11, vm8;
	v51 =	vsel vm10, v16, v63;
	vm10 =	vlt.s32 v43, v48  }
0x215: {  	v55 =	vpop (erf);
	vm11 =	veq.s32 v13, v6;
	v52 =	vperm.xlane v51, v2;
	v20 =	vsel vm10, v43, v48  }
0x216: {  	v57 =	vpop (erf);
	vm1 =	veq.f32 v38, $-Inf;
	vm2 =	vmor vm11, vm2;
	v54 =	vperm.xlane v20, v1  }
0x217: {  	v16 =	vnsel vm8, $0x0, v53;
	v37 =	vnsel vm2, $0x0, v57;
	vm8 =	vlt.s32 v51, v52  }
0x218: {  	vm10 =	veq.s32 v13, v7;
	v56 =	vsel vm8, v51, v52;
	vm8 =	vlt.s32 v20, v54  }
0x219: {  	vm1 =	vmor vm10, vm1;
	v58 =	vperm.xlane v56, v4;
	v38 =	vsel vm8, v20, v54  }
0x21a: {  	vm10 =	veq.s32 v13, v5;
	v22 =	vnsel vm1, $0x0, v55;
	v60 =	vperm.xlane v38, v2  }
0x21b: {  	v59 =	vpop (erf);
	v61 =	vadd.f32 v22, v16;
	vm8 =	vmor vm10, vm9;
	vm1 =	vlt.s32 v56, v58  }
0x21c: {  	v39 =	vnsel vm8, $0x0, v59;
	v20 =	vsel vm1, v56, v58;
	vm1 =	vlt.s32 v38, v60  }
0x21d: {  	v62 =	vadd.f32 v39, v37;
	vm2 =	veq.s32 v20, v3;
	v38 =	vsel vm1, v38, v60  }
0x21e: {  	vm8 =	veq.s32 v20, v5;
	vm1 =	veq.s32 v20, v7;
	v63 =	vperm.xlane v38, v4  }
0x21f: {  	v43 =	vsel vm2, $0xFF800000, v45;
	vm2 =	veq.s32 v20, v6;
	v47 =	vsel vm1, $0xFF800000, v47  }
0x220: {  	v48 =	vsel vm2, $0xFF800000, v49;
	v49 =	vsel vm8, $0xFF800000, v50;
	vm1 =	vlt.s32 v38, v63  }
0x221: {  	v56 =	vmax.f32 v43, v47;
	v57 =	vmax.f32 v48, v49;
	v38 =	vsel vm1, v38, v63  }
0x222: {  	v58 =	vmax.f32 v56, v57;
	vm1 =	veq.s32 v38, v3;
	vm2 =	veq.s32 v38, v7  }
0x223: {  	vm8 =	veq.s32 v38, v5;
	v44 =	vsel vm1, $0xFF800000, v44;
	vm1 =	veq.s32 v38, v6  }
0x224: {  	v41 =	vsel vm2, $0xFF800000, v41;
	v42 =	vsel vm8, $0xFF800000, v42;
	v46 =	vsel vm1, $0xFF800000, v46  }
0x225: {  	v50 =	vperm.xlane v58, v0;
	v59 =	vmax.f32 v44, v41;
	v60 =	vmax.f32 v46, v42  }
0x226: {  	v52 =	vmax.f32 v59, v60  }
0x227: {  	v40 =	vadd.f32 v62, v61;
	v45 =	vmax.f32 v58, v50;
	v61 =	vperm.xlane v52, v0  }
0x228: {  	v62 =	vperm.xlane v45, v1  }
0x229: {  	v50 =	vmax.f32 v52, v61  }
0x22a: {  	v45 =	vmax.f32 v45, v62;
	v56 =	vperm.xlane v50, v1  }
0x22b: {  	v57 =	vperm.xlane v45, v2  }
0x22c: {  	v50 =	vmax.f32 v50, v56  }
0x22d: {  	v63 =	vperm.xlane v40, v0;
	v45 =	vmax.f32 v45, v57;
	v59 =	vperm.xlane v50, v2  }
0x22e: {  	v60 =	vperm.xlane v45, v4  }
0x22f: {  	v40 =	vadd.f32 v40, v63;
	v50 =	vmax.f32 v50, v59  }
0x230: {  	v45 =	vmax.f32 v45, v60;
	v61 =	vperm.xlane v50, v4  }
0x231: {  	v58 =	vperm.xlane v40, v1;
	vm1 =	veq.f32 v49, v45;
	vm2 =	veq.f32 v48, v45  }
0x232: {  	v63 =	vnsel vm1, $0x40, v5;
	vm1 =	veq.f32 v47, v45;
	v50 =	vmax.f32 v50, v61  }
0x233: {  	v55 =	vsel vm2, v6, v63;
	vm2 =	veq.f32 v43, v45;
	vm8 =	veq.f32 v42, v50  }
0x234: {  	v56 =	vsel vm1, v7, v55;
	vm1 =	veq.f32 v46, v50;
	v57 =	vnsel vm8, $0x40, v5  }
0x235: {  	v45 =	vsel vm2, v3, v56;
	vm2 =	veq.f32 v41, v50;
	v51 =	vsel vm1, v6, v57  }
0x236: {  	vm1 =	veq.f32 v44, v50;
	v59 =	vsel vm2, v7, v51  }
0x237: {  	v40 =	vadd.f32 v40, v58;
	v58 =	vperm.xlane v45, v0;
	v50 =	vsel vm1, v3, v59  }
0x238: {  	v60 =	vperm.xlane v50, v0  }
0x239: {  	v62 =	vperm.xlane v40, v2;
	vm1 =	vlt.s32 v45, v58  }
0x23a: {  	v45 =	vsel vm1, v45, v58;
	vm1 =	vlt.s32 v50, v60  }
0x23b: {  	v40 =	vadd.f32 v40, v62;
	v53 =	vperm.xlane v45, v1;
	v50 =	vsel vm1, v50, v60  }
0x23c: {  	v11 =	vsub.f32 v11, v12;
	v9 =	vsub.f32 v9, v12;
	v51 =	vperm.xlane v50, v1  }
0x23d: {  	v10 =	vsub.f32 v10, v12;
	v52 =	vperm.xlane v40, v4;
	vm1 =	vlt.s32 v45, v53  }
0x23e: {  	v11 =	vmul.f32 $1.442695020e+00, v11;
	v61 =	vsel vm1, v45, v53;
	vm1 =	vlt.s32 v50, v51  }
0x23f: {  	v40 =	vadd.f32 v40, v52;
	v63 =	vperm.xlane v61, v2;
	v62 =	vsel vm1, v50, v51  }
0x240: {  	v8 =	vsub.f32 v8, v12;
	v9 =	vmul.f32 $1.442695020e+00, v9;
	v52 =	vperm.xlane v62, v2  }
0x241: {  	v10 =	vmul.f32 $1.442695020e+00, v10;
	(erf) = vrcp.f32 v40;
	vm1 =	vlt.s32 v61, v63  }
0x242: {  	(erf) = vpow2.f32 v11;
	v53 =	vsel vm1, v61, v63;
	vm1 =	vlt.s32 v62, v52  }
0x243: {  	v8 =	vmul.f32 $1.442695020e+00, v8;
	v54 =	vperm.xlane v53, v4;
	v11 =	vsel vm1, v62, v52  }
0x244: {  	(erf) = vpow2.f32 v9;
	v55 =	vperm.xlane v11, v4  }
0x245: {  	(erf) = vpow2.f32 v10;
	vm1 =	vlt.s32 v53, v54  }
0x246: {  	(erf) = vpow2.f32 v8;
	v9 =	vsel vm1, v53, v54;
	vm1 =	vlt.s32 v11, v55  }
0x247: {  	vm2 =	veq.f32 v43, $-Inf;
	vm10 =	veq.s32 v9, v3;
	v8 =	vsel vm1, v11, v55  }
0x248: {  	vm9 =	veq.f32 v48, $-Inf;
	vm2 =	vmor vm10, vm2;
	vm10 =	veq.s32 v8, v3  }
0x249: {  	vm8 =	veq.f32 v47, $-Inf;
	vm11 =	veq.s32 v8, v7;
	v10 =	vsel vm10, $0xFF800000, v44  }
0x24a: {  	v11 =	vpop (erf);
	vm10 =	veq.s32 v8, v6;
	v12 =	vsel vm11, $0xFF800000, v41;
	vm11 =	veq.s32 v8, v5  }
0x24b: {  	vm1 =	veq.f32 v49, $-Inf;
	v56 =	vpop (erf);
	v40 =	vsel vm10, $0xFF800000, v46;
	v42 =	vsel vm11, $0xFF800000, v42  }
0x24c: {  	v41 =	vnsel vm2, $0x0, v56;
	v44 =	vmax.f32 v10, v12;
	v58 =	vmax.f32 v40, v42  }
0x24d: {  	v57 =	vpop (erf);
	vm10 =	veq.s32 v9, v7;
	vm11 =	veq.s32 v9, v6;
	v44 =	vmax.f32 v44, v58  }
0x24e: {  	v59 =	vpop (erf);
	vm8 =	vmor vm10, vm8;
	vm10 =	veq.s32 v9, v5;
	v61 =	vperm.xlane v44, v0  }
0x24f: {  	v60 =	vpop (erf);
	vm2 =	vmor vm11, vm9;
	vm1 =	vmor vm10, vm1;
	v43 =	vnsel vm8, $0x0, v57  }
0x250: {  	v46 =	vnsel vm2, $0x0, v59;
	v45 =	vnsel vm1, $0x0, v60;
	v44 =	vmax.f32 v44, v61  }
0x251: {  	v62 =	vadd.f32 v43, v41;
	v63 =	vadd.f32 v45, v46;
	v47 =	vperm.xlane v44, v1;
	_ =	sdelay $0x1  }
0x252: {  	v48 =	vadd.f32 v63, v62;
	v44 =	vmax.f32 v44, v47  }
0x253: {  	v53 =	vperm.xlane v44, v2  }
0x254: {  	v52 =	vperm.xlane v48, v0  }
0x255: {  	v44 =	vmax.f32 v44, v53  }
0x256: {  	v47 =	vadd.f32 v48, v52;
	v54 =	vperm.xlane v44, v4;
	_ =	sdelay $0x1  }
0x257: {  	v55 =	vperm.xlane v47, v1;
	v44 =	vmax.f32 v44, v54  }
0x258: {  	vm1 =	veq.f32 v42, v44  }
0x259: {  	v47 =	vadd.f32 v47, v55;
	vm2 =	veq.f32 v40, v44;
	v56 =	vnsel vm1, $0x40, v5  }
0x25a: {  	vm1 =	veq.f32 v12, v44;
	v48 =	vsel vm2, v6, v56  }
0x25b: {  	v49 =	vperm.xlane v47, v2;
	vm2 =	veq.f32 v10, v44;
	v57 =	vsel vm1, v7, v48  }
0x25c: {  	v44 =	vsel vm2, v3, v57  }
0x25d: {  	v47 =	vadd.f32 v47, v49;
	v58 =	vperm.xlane v44, v0;
	_ =	sdelay $0x1  }
0x25e: {  	v49 =	vperm.xlane v47, v4;
	vm1 =	vlt.s32 v44, v58  }
0x25f: {  	v17 =	vsub.f32 v17, v26;
	v15 =	vsub.f32 v15, v26;
	v44 =	vsel vm1, v44, v58  }
0x260: {  	v14 =	vsub.f32 v14, v26;
	v47 =	vadd.f32 v47, v49;
	v48 =	vperm.xlane v44, v1  }
0x261: {  	v18 =	vsub.f32 v18, v26;
	v17 =	vmul.f32 $1.442695020e+00, v17;
	v15 =	vmul.f32 $1.442695020e+00, v15  }
0x262: {  	v14 =	vmul.f32 $1.442695020e+00, v14;
	(erf) = vrcp.f32 v47;
	vm1 =	vlt.s32 v44, v48  }
0x263: {  	v18 =	vmul.f32 $1.442695020e+00, v18;
	(erf) = vpow2.f32 v17;
	v59 =	vsel vm1, v44, v48  }
0x264: {  	(erf) = vpow2.f32 v15;
	v60 =	vperm.xlane v59, v2  }
0x265: {  	(erf) = vpow2.f32 v14  }
0x266: {  	(erf) = vpow2.f32 v18;
	vm1 =	vlt.s32 v59, v60  }
0x267: {  	v61 =	vsel vm1, v59, v60  }
0x268: {  	v15 =	vperm.xlane v61, v4;
	_ =	sdelay $0x1  }
0x269: {  	vm1 =	vlt.s32 v61, v15  }
0x26a: {  	vm8 =	veq.f32 v40, $-Inf;
	v62 =	vpop (erf);
	v63 =	vsel vm1, v61, v15  }
0x26b: {  	vm10 =	veq.f32 v42, $-Inf;
	vm2 =	veq.f32 v10, $-Inf;
	v26 =	vpop (erf);
	vm9 =	veq.s32 v63, v3  }
0x26c: {  	vm1 =	veq.f32 v12, $-Inf;
	v40 =	vpop (erf);
	vm11 =	veq.s32 v63, v7;
	vm2 =	vmor vm9, vm2  }
0x26d: {  	v44 =	vpop (erf);
	vm9 =	veq.s32 v63, v6;
	vm1 =	vmor vm11, vm1;
	vm11 =	veq.s32 v63, v5  }
0x26e: {  	v18 =	vpop (erf);
	v14 =	vnsel vm2, $0x0, v26;
	vm2 =	vmor vm9, vm8;
	vm8 =	vmor vm11, vm10  }
0x26f: {  	v12 =	vnsel vm1, $0x0, v40;
	v15 =	vnsel vm2, $0x0, v44;
	v18 =	vnsel vm8, $0x0, v18  }
0x270: {  	v47 =	vadd.f32 v12, v14;
	v48 =	vadd.f32 v18, v15;
	_ =	sdelay $0x1  }
0x271: {  	v26 =	vadd.f32 v48, v47;
	_ =	sdelay $0x1  }
0x272: {  	v40 =	vperm.xlane v26, v0;
	_ =	sdelay $0x1  }
0x273: {  	v26 =	vadd.f32 v26, v40;
	_ =	sdelay $0x1  }
0x274: {  	v40 =	vperm.xlane v26, v1;
	_ =	sdelay $0x1  }
0x275: {  	v26 =	vadd.f32 v26, v40;
	_ =	sdelay $0x1  }
0x276: {  	v40 =	vperm.xlane v26, v2;
	_ =	sdelay $0x1  }
0x277: {  	v26 =	vadd.f32 v26, v40;
	_ =	sdelay $0x1  }
0x278: {  	v40 =	vperm.xlane v26, v4;
	_ =	sdelay $0x1  }
0x279: {  	v26 =	vadd.f32 v26, v40  }
0x27a: {  	v28 =	vsel vm13, v28, v35  }
0x27b: {  	v13 =	vsel vm4, v28, v13;
	v51 =	vmul.f32 v11, v16;
	(erf) = vrcp.f32 v26  }
0x27c: {  	[tilespmem:s13+$0x1000] =	vst v13;
	v50 =	vsel vm5, v27, v31;
	v22 =	vmul.f32 v11, v22  }
0x27d: {  	[tilespmem:s13+$0x2000] =	vst v51;
	v52 =	vsel vm6, v50, v33;
	v49 =	vmul.f32 v11, v39  }
0x27e: {  	vm3 =	vcmask $0x320;
	[tilespmem:s13+$0x2010] =	vst v22;
	v16 =	vsel vm7, v52, v36;
	v11 =	vmul.f32 v11, v37  }
0x27f: {  	v53 =	vsel vm3, v29, v30;
	vm3 =	vcmask $0x720;
	v16 =	vsel vm13, v16, v20;
	[tilespmem:s13+$0x2030] =	vst v49  }
0x280: {  	v9 =	vsel vm4, v16, v9;
	v54 =	vsel vm3, v53, v32;
	[tilespmem:s13+$0x2020] =	vst v11;
	v55 =	vmul.f32 v62, v45  }
0x281: {  	v20 =	vsel vm5, v54, v34;
	[tilespmem:s14+$0x1000] =	vst v9;
	v56 =	vmul.f32 v62, v41  }
0x282: {  	v20 =	vsel vm6, v20, v21;
	v57 =	vmul.f32 v62, v43;
	[tilespmem:s14+$0x2030] =	vst v55  }
0x283: {  	v20 =	vsel vm7, v20, v38;
	v17 =	vmul.f32 v62, v46;
	[tilespmem:s14+$0x2000] =	vst v56  }
0x284: {  	v8 =	vsel vm13, v20, v8;
	[tilespmem:s14+$0x2010] =	vst v57;
	v58 =	vpop (erf)  }
0x285: {  	v13 =	vadd.f32 v51, v25;
	[tilespmem:s14+$0x2020] =	vst v17;
	v8 =	vsel vm4, v8, v63;
	v59 =	vmul.f32 v58, v18  }
0x286: {  	v60 =	vadd.f32 v22, v24;
	[tilespmem:s15+$0x1000] =	vst v8;
	v8 =	vmul.f32 v58, v14  }
0x287: {  	v11 =	vadd.f32 v11, v23;
	v9 =	vadd.f32 v56, v13;
	v12 =	vmul.f32 v58, v12;
	[tilespmem:s15+$0x2030] =	vst v59  }
0x288: {  	v61 =	vadd.f32 v49, v19;
	v62 =	vadd.f32 v57, v60;
	v15 =	vmul.f32 v58, v15;
	[tilespmem:s15+$0x2000] =	vst v8  }
0x289: {  	v11 =	vadd.f32 v17, v11;
	[tilespmem:s15+$0x2010] =	vst v12;
	v8 =	vadd.f32 v8, v9  }
0x28a: {  	v63 =	vadd.f32 v55, v61;
	v12 =	vadd.f32 v12, v62;
	[tilespmem:s15+$0x2020] =	vst v15  }
0x28b: {  	v11 =	vadd.f32 v15, v11;
	[tilespmem:$0x3000] =	vst v8  }
0x28c: {  	v8 =	vadd.f32 v59, v63;
	[tilespmem:$0x3010] =	vst v12  }
0x28d: {  	[tilespmem:$0x3020] =	vst v11  }
0x28e: {  	[tilespmem:$0x3030] =	vst v8  }
0x28f: {  	[hbm4b:s4+s2] =	stream.linear.scatter [tilespmem:s9], [sflag:$0x1], $0x1000, $0x38;
	[tilespmem:$0x3080] =	vst v63  }
0x290: {  	_ =	swait.ge [sflag:s8], $0x1000  }
0x291: {  	[sflag:s8] =	ssyncset.done $0x0  }
0x292: {  	[sflag:s8] =	ssyncadd.s32 $0xFFFFF000  }
0x293: {  	[hbm4b:s5+s2] =	stream.linear.scatter [tilespmem:s10], [sflag:$0x1], $0x1000, $0x38;
	[tilespmem:$0x3080] =	vst v63  }
0x294: {  	s12 =	sadd.s32 $0x1, s12;
	_ =	swait.ge [sflag:s8], $0x1000  }
0x295: {  	p0 =	sne.s32 s12, s7;
	[sflag:s8] =	ssyncset.done $0x0  }
.Ltmp1:
0x296: {  	[sflag:s8] =	ssyncadd.s32 $0xFFFFF000;
	(pc) =	sbr.rel @p0 .LBB2_1-.Ltmp1, $4  }
0x297: {  	[hbm4b:s6+s2] =	stream.linear.scatter [tilespmem:s11], [sflag:$0x1], $0x80, $0x38;
	[tilespmem:$0x3080] =	vst v63  }
0x298: {  	_ =	swait.ge [sflag:s8], $0x80  }
0x299: {  	[sflag:s8] =	ssyncset.done $0x0  }
0x29a: {  	[sflag:s8] =	ssyncadd.s32 $0xFFFFFF80  }
0x29b: {  	_ =	sfence.sel $0x180000  }
0x29c: {  	[bflag:$0x0] =	sbarrier.arrive $0xFFFF  }
0x29d: {  	p0 =	sne.s32 s1, $0x0;
	_ =	strace $0x90000047  }
0x29e: {  	s0 =	sadd.s32 @!p0 $0x100000, s0;
	[bflag:$0x2] =	sbarrier.arrive $0xFFFF  }
0x29f: {  	[sflag:s0] =	ssyncadd.tile.s32 @!p0 $0x1;
	_ =	shalt  }
.Lfunc_end2:
_tile_overlayer_lowered:
.L_overlay_start_2:
0x2a0: {  	(tag) =	ssettag $0x2  }
0x2a1: {  	s0 =	rddreg [dreg:$0x0];
	s2 =	stileid.u32  }
0x2a2: {  	s1 =	rddreg [dreg:$0x1];
	p0 =	sne.s32 s2, $0x0  }
0x2a3: {  	s3 =	rddreg [dreg:$0x2];
	[bflag:$0x3] =	sbarrier.arrive $0xFFFF;
	s2 =	simm.s32 @!p0 $0x1C01  }
0x2a4: {  	[timem:s3], [sflag:s2] =	dma.local @!p0 [hbm:s0], s1  }
0x2a5: {  	s0 =	simm.s32 @!p0 $0x1  }
0x2a6: {  	_ =	swait.ge @!p0 [sflag:s0], s1  }
0x2a7: {  	s1 =	ssub.s32 @!p0 $0x0, s1;
	[sflag:s0] =	ssyncset.done @!p0 $0x0  }
0x2a8: {  	[sflag:s0] =	ssyncadd.s32 @!p0 s1  }
0x2a9: {  	[bflag:$0x3] =	sbarrier.arrive $0xFFFF  }
0x2aa: {  	_ =	shalt  }

</sc_bundles>
